<compile_context>
chip_gen: v7x
topology: tpu7x:2x2x1
jax: 0.10.2.dev20260603
libtpu: 0.0.44.dev20260713+nightly
codegen_flags: <defaults>
</compile_context>

<pallas_src>
import math

import jax
import jax.numpy as jnp
import numpy as np
from jax import lax
from jax.experimental import pallas as pl
from jax.experimental.pallas import tpu as pltpu
from jax.experimental.pallas import tpu_sc as plsc

DICT_SIZE = 1000000
D = 64
L_SEQ = 200
B = 1024
NW = 32
ROWS_PER_W = B // NW
CHUNK = 40
NCHUNK = L_SEQ // CHUNK
LANES = 16
NVREG_ROW = D // LANES
NBUF = 4
NROUND = ROWS_PER_W // NBUF
SCALE = math.sqrt(D)
ROW_F = L_SEQ * D
OROWS = ROW_F // 128


def _positional_encoding_np(seq_len, d_model):
    pos = np.arange(seq_len, dtype=np.float32)[:, None]
    div = np.exp(
        np.arange(0, d_model, 2, dtype=np.float32)
        * (-math.log(10000.0) / d_model)
    )
    pe = np.zeros((seq_len, d_model), dtype=np.float32)
    pe[:, 0::2] = np.sin(pos * div)
    pe[:, 1::2] = np.cos(pos * div)
    return pe


_PE = _positional_encoding_np(L_SEQ, D)


def _sc_body(x_hbm, pe_hbm, emb_hbm, out_hbm,
             idx_v, pe_v, bufs, obuf, gsem, wsem):
    c = lax.axis_index("c")
    s = lax.axis_index("s")
    w = s * 2 + c
    row0 = w * ROWS_PER_W

    pltpu.sync_copy(x_hbm.at[pl.ds(row0, ROWS_PER_W)], idx_v)
    pltpu.sync_copy(pe_hbm, pe_v)

    def gather_row(r, b):
        for ch in range(NCHUNK):
            pltpu.async_copy(
                emb_hbm.at[idx_v.at[r, pl.ds(ch * CHUNK, CHUNK)]],
                bufs.at[b, pl.ds(ch * CHUNK, CHUNK)],
                gsem.at[b],
            )

    def wait_gather(b):
        pltpu.make_async_copy(
            emb_hbm.at[pl.ds(0, L_SEQ)], bufs.at[b], gsem.at[b]
        ).wait()

    def wb_row(r, b):
        pltpu.async_copy(
            obuf.at[b],
            out_hbm.at[pl.ds((row0 + r) * OROWS, OROWS)],
            wsem.at[b],
        )

    def wait_wb(b):
        pltpu.make_async_copy(
            obuf.at[b], out_hbm.at[pl.ds(0, OROWS)], wsem.at[b]
        ).wait()

    def compute(b):
        @plsc.parallel_loop(0, L_SEQ, unroll=8)
        def _(j):
            for k in range(NVREG_ROW):
                sl = pl.ds(k * LANES, LANES)
                q = j * NVREG_ROW + k
                obuf[b, q >> 3, pl.ds((q & 7) * LANES, LANES)] = (
                    bufs[b, j, sl] * SCALE + pe_v[j, sl]
                )

    for b in range(NBUF):
        gather_row(b, b)

    @pl.loop(0, NROUND)
    def _(g):
        r0 = g * NBUF
        for b in range(NBUF):
            wait_gather(b)

            @pl.when(g > 0)
            def _():
                wait_wb(b)

            compute(b)
            wb_row(r0 + b, b)
        @pl.when(g < NROUND - 1)
        def _():
            for b in range(NBUF):
                gather_row(r0 + NBUF + b, b)

    for b in range(NBUF):
        wait_wb(b)


@jax.jit
def _pre_layer_sc(x, pe, emb_weight):
    mesh = plsc.VectorSubcoreMesh(core_axis_name="c", subcore_axis_name="s")
    k = pl.kernel(
        _sc_body,
        out_type=jax.ShapeDtypeStruct((B * L_SEQ * D // 128, 128), jnp.float32),
        mesh=mesh,
        scratch_types=[
            pltpu.VMEM((ROWS_PER_W, L_SEQ), jnp.int32),
            pltpu.VMEM((L_SEQ, D), jnp.float32),
            pltpu.VMEM((NBUF, L_SEQ, D), jnp.float32),
            pltpu.VMEM((NBUF, OROWS, 128), jnp.float32),
            pltpu.SemaphoreType.DMA((NBUF,)),
            pltpu.SemaphoreType.DMA((NBUF,)),
        ],
        compiler_params=pltpu.CompilerParams(use_tc_tiling_on_sc=False),
    )
    return k(x, pe, emb_weight)


def kernel(x, emb_weight):
    pe = jnp.asarray(_PE)
    out = _pre_layer_sc(x.astype(jnp.int32), pe, emb_weight)
    return out.reshape(B, L_SEQ, D)

# --- scband reference (transcript-rebuilt; emitter-appended) ---
"""Pipeline reference for scband-pre-layer-515396075628 (READ-ONLY COPY).

The authoritative reference and input builder live on the scoring server;
editing this copy changes nothing except your own understanding.
"""

import math
import jax, jax.numpy as jnp
import numpy as np

DICT_SIZE = 1000000
D_MODEL = 64
B = 1024
L = 200

def _positional_encoding(seq_len, d_model):
    pos = np.arange(seq_len, dtype=np.float32)[:, None]
    div = np.exp(np.arange(0, d_model, 2, dtype=np.float32) * (-math.log(10000.0) / d_model))
    pe = np.zeros((seq_len, d_model), dtype=np.float32)
    pe[:, 0::2] = np.sin(pos * div)
    pe[:, 1::2] = np.cos(pos * div)
    return jnp.asarray(pe)

def setup_inputs(seed: int = 0) -> dict:
    key = jax.random.key(seed)
    k1, k2 = jax.random.split(key)
    x = jax.random.randint(k1, (B, L), 0, DICT_SIZE, dtype=jnp.int64 if jax.config.read('jax_enable_x64') else jnp.int32)
    emb_weight = jax.random.normal(k2, (DICT_SIZE, D_MODEL), dtype=jnp.float32) * 0.1
    return {"x": x, "emb_weight": emb_weight}

def reference(x, emb_weight):
    scale = math.sqrt(D_MODEL)
    h = jnp.take(emb_weight, x, axis=0) * scale
    pe = _positional_encoding(x.shape[1], D_MODEL)
    h = h + pe[None, :, :]
    return h

if __name__ == "__main__":
    import jax
    _d = setup_inputs()
    print(jax.jit(kernel)(*tuple(_d.values())))

</pallas_src>

<mosaic_0001>
#map = affine_map<(d0, d1) -> (0, 0)>
module attributes {stable_mosaic.version = 14 : i64} {
  func.func @_sc_body(%arg0: i32, %arg1: i32, %arg2: memref<1024x200xi32, #tpu.memory_space<hbm>>, %arg3: memref<200x64xf32, #tpu.memory_space<hbm>>, %arg4: memref<1000000x64xf32, #tpu.memory_space<hbm>>, %arg5: memref<102400x128xf32, #tpu.memory_space<hbm>>, %arg6: memref<32x200xi32, #tpu.memory_space<vmem>>, %arg7: memref<200x64xf32, #tpu.memory_space<vmem>>, %arg8: memref<4x200x64xf32, #tpu.memory_space<vmem>>, %arg9: memref<4x100x128xf32, #tpu.memory_space<vmem>>, %arg10: memref<4x!tpu.dma_semaphore, #tpu.memory_space<semaphore_mem>>, %arg11: memref<4x!tpu.dma_semaphore, #tpu.memory_space<semaphore_mem>>) attributes {dimension_semantics = [#tpu.dimension_semantics<core_parallel>, #tpu.dimension_semantics<subcore_parallel>], iteration_bounds = array<i64: 2, 16>, scalar_prefetch = 0 : i64, scratch_operands = 6 : i64, tpu.core_type = #tpu.core_type<sc_vector_subcore>, window_params = [{transform_indices = #map}, {transform_indices = #map}, {transform_indices = #map}, {transform_indices = #map}]} {
    %mul3A = arith.constant 2 : i32
    %mul3A_0 = arith.muli %arg1, %mul3A : i32
    %add3A = arith.addi %mul3A_0, %arg0 : i32
    %mul3A_1 = arith.constant 32 : i32
    %mul3A_2 = arith.muli %add3A, %mul3A_1 : i32
    "tpu.region"() ({
      %run_scoped3A = tpu.sem_alloc : memref<!tpu.dma_semaphore, #tpu.memory_space<semaphore_mem>>
      %dma_start3A_377 = arith.constant 0 : i32
      %dma_start3A_378 = tpu.memref_slice %arg2[%mul3A_2, %dma_start3A_377] : memref<1024x200xi32, #tpu.memory_space<hbm>> -> memref<32x200xi32, #tpu.memory_space<hbm>>
      %dma_start3A_379 = arith.constant 0 : i32
      %dma_start3A_380 = tpu.memref_slice %arg2[%mul3A_2, %dma_start3A_379] : memref<1024x200xi32, #tpu.memory_space<hbm>> -> memref<32x200xi32, #tpu.memory_space<hbm>>
      tpu.enqueue_dma source(%dma_start3A_380 : memref<32x200xi32, #tpu.memory_space<hbm>>) target(%arg6 : memref<32x200xi32, #tpu.memory_space<vmem>>) target_semaphore(%run_scoped3A : memref<!tpu.dma_semaphore, #tpu.memory_space<semaphore_mem>>)
      %dma_wait3A_381 = arith.constant 0 : i32
      %dma_wait3A_382 = tpu.memref_slice %arg2[%mul3A_2, %dma_wait3A_381] : memref<1024x200xi32, #tpu.memory_space<hbm>> -> memref<32x200xi32, #tpu.memory_space<hbm>>
      %dma_wait3A_383 = arith.constant 0 : i32
      %dma_wait3A_384 = tpu.memref_slice %arg2[%mul3A_2, %dma_wait3A_383] : memref<1024x200xi32, #tpu.memory_space<hbm>> -> memref<32x200xi32, #tpu.memory_space<hbm>>
      tpu.wait_dma2 semaphore(%run_scoped3A : memref<!tpu.dma_semaphore, #tpu.memory_space<semaphore_mem>>) src(%dma_wait3A_384 : memref<32x200xi32, #tpu.memory_space<hbm>>) dst(%arg6 : memref<32x200xi32, #tpu.memory_space<vmem>>)
      tpu.yield
    }) : () -> ()
    "tpu.region"() ({
      %run_scoped3A = tpu.sem_alloc : memref<!tpu.dma_semaphore, #tpu.memory_space<semaphore_mem>>
      tpu.enqueue_dma source(%arg3 : memref<200x64xf32, #tpu.memory_space<hbm>>) target(%arg7 : memref<200x64xf32, #tpu.memory_space<vmem>>) target_semaphore(%run_scoped3A : memref<!tpu.dma_semaphore, #tpu.memory_space<semaphore_mem>>)
      tpu.wait_dma2 semaphore(%run_scoped3A : memref<!tpu.dma_semaphore, #tpu.memory_space<semaphore_mem>>) src(%arg3 : memref<200x64xf32, #tpu.memory_space<hbm>>) dst(%arg7 : memref<200x64xf32, #tpu.memory_space<vmem>>)
      tpu.yield
    }) : () -> ()
    %dma_start3A = arith.constant 0 : i32
    %dma_start3A_3 = arith.constant 0 : i32
    %dma_start3A_4 = arith.constant 0 : i32
    %dma_start3A_5 = arith.constant 0 : i32
    %dma_start3A_6 = arith.constant 0 : i32
    %dma_start3A_7 = tpu.memref_slice %arg8[%dma_start3A_3, %dma_start3A_5, %dma_start3A_6] : memref<4x200x64xf32, #tpu.memory_space<vmem>> -> memref<1x40x64xf32, #tpu.memory_space<vmem>>
    %dma_start3A_8 = tpu.memref_squeeze %dma_start3A_7 : memref<1x40x64xf32, #tpu.memory_space<vmem>> -> memref<40x64xf32, #tpu.memory_space<vmem>>
    %dma_start3A_9 = arith.constant 0 : i32
    %dma_start3A_10 = tpu.memref_slice %arg6[%dma_start3A, %dma_start3A_9] : memref<32x200xi32, #tpu.memory_space<vmem>> -> memref<1x40xi32, #tpu.memory_space<vmem>>
    %dma_start3A_11 = tpu.memref_squeeze %dma_start3A_10 : memref<1x40xi32, #tpu.memory_space<vmem>> -> memref<40xi32, #tpu.memory_space<vmem>>
    %dma_start3A_12 = arith.constant 0 : i32
    %dma_start3A_13 = arith.constant 0 : i32
    %dma_start3A_14 = tpu.memref_slice %arg4[%dma_start3A_12, %dma_start3A_13] : memref<1000000x64xf32, #tpu.memory_space<hbm>> -> memref<1000000x64xf32, #tpu.memory_space<hbm>>
    %dma_start3A_15 = tpu.memref_slice %arg10[%dma_start3A_4] : memref<4x!tpu.dma_semaphore, #tpu.memory_space<semaphore_mem>> -> memref<1x!tpu.dma_semaphore, #tpu.memory_space<semaphore_mem>>
    %dma_start3A_16 = tpu.memref_squeeze %dma_start3A_15 : memref<1x!tpu.dma_semaphore, #tpu.memory_space<semaphore_mem>> -> memref<!tpu.dma_semaphore, #tpu.memory_space<semaphore_mem>>
    tpu.enqueue_indirect_dma source(%dma_start3A_14 : memref<1000000x64xf32, #tpu.memory_space<hbm>>) target(%dma_start3A_8 : memref<40x64xf32, #tpu.memory_space<vmem>>) offsets(%dma_start3A_11 : memref<40xi32, #tpu.memory_space<vmem>>) semaphore(%dma_start3A_16 : memref<!tpu.dma_semaphore, #tpu.memory_space<semaphore_mem>>)
    %dma_start3A_17 = arith.constant 0 : i32
    %dma_start3A_18 = arith.constant 0 : i32
    %dma_start3A_19 = arith.constant 0 : i32
    %dma_start3A_20 = arith.constant 40 : i32
    %dma_start3A_21 = arith.constant 0 : i32
    %dma_start3A_22 = tpu.memref_slice %arg8[%dma_start3A_18, %dma_start3A_20, %dma_start3A_21] : memref<4x200x64xf32, #tpu.memory_space<vmem>> -> memref<1x40x64xf32, #tpu.memory_space<vmem>>
    %dma_start3A_23 = tpu.memref_squeeze %dma_start3A_22 : memref<1x40x64xf32, #tpu.memory_space<vmem>> -> memref<40x64xf32, #tpu.memory_space<vmem>>
    %dma_start3A_24 = arith.constant 40 : i32
    %dma_start3A_25 = tpu.memref_slice %arg6[%dma_start3A_17, %dma_start3A_24] : memref<32x200xi32, #tpu.memory_space<vmem>> -> memref<1x40xi32, #tpu.memory_space<vmem>>
    %dma_start3A_26 = tpu.memref_squeeze %dma_start3A_25 : memref<1x40xi32, #tpu.memory_space<vmem>> -> memref<40xi32, #tpu.memory_space<vmem>>
    %dma_start3A_27 = arith.constant 0 : i32
    %dma_start3A_28 = arith.constant 0 : i32
    %dma_start3A_29 = tpu.memref_slice %arg4[%dma_start3A_27, %dma_start3A_28] : memref<1000000x64xf32, #tpu.memory_space<hbm>> -> memref<1000000x64xf32, #tpu.memory_space<hbm>>
    %dma_start3A_30 = tpu.memref_slice %arg10[%dma_start3A_19] : memref<4x!tpu.dma_semaphore, #tpu.memory_space<semaphore_mem>> -> memref<1x!tpu.dma_semaphore, #tpu.memory_space<semaphore_mem>>
    %dma_start3A_31 = tpu.memref_squeeze %dma_start3A_30 : memref<1x!tpu.dma_semaphore, #tpu.memory_space<semaphore_mem>> -> memref<!tpu.dma_semaphore, #tpu.memory_space<semaphore_mem>>
    tpu.enqueue_indirect_dma source(%dma_start3A_29 : memref<1000000x64xf32, #tpu.memory_space<hbm>>) target(%dma_start3A_23 : memref<40x64xf32, #tpu.memory_space<vmem>>) offsets(%dma_start3A_26 : memref<40xi32, #tpu.memory_space<vmem>>) semaphore(%dma_start3A_31 : memref<!tpu.dma_semaphore, #tpu.memory_space<semaphore_mem>>)
    %dma_start3A_32 = arith.constant 0 : i32
    %dma_start3A_33 = arith.constant 0 : i32
    %dma_start3A_34 = arith.constant 0 : i32
    %dma_start3A_35 = arith.constant 80 : i32
    %dma_start3A_36 = arith.constant 0 : i32
    %dma_start3A_37 = tpu.memref_slice %arg8[%dma_start3A_33, %dma_start3A_35, %dma_start3A_36] : memref<4x200x64xf32, #tpu.memory_space<vmem>> -> memref<1x40x64xf32, #tpu.memory_space<vmem>>
    %dma_start3A_38 = tpu.memref_squeeze %dma_start3A_37 : memref<1x40x64xf32, #tpu.memory_space<vmem>> -> memref<40x64xf32, #tpu.memory_space<vmem>>
    %dma_start3A_39 = arith.constant 80 : i32
    %dma_start3A_40 = tpu.memref_slice %arg6[%dma_start3A_32, %dma_start3A_39] : memref<32x200xi32, #tpu.memory_space<vmem>> -> memref<1x40xi32, #tpu.memory_space<vmem>>
    %dma_start3A_41 = tpu.memref_squeeze %dma_start3A_40 : memref<1x40xi32, #tpu.memory_space<vmem>> -> memref<40xi32, #tpu.memory_space<vmem>>
    %dma_start3A_42 = arith.constant 0 : i32
    %dma_start3A_43 = arith.constant 0 : i32
    %dma_start3A_44 = tpu.memref_slice %arg4[%dma_start3A_42, %dma_start3A_43] : memref<1000000x64xf32, #tpu.memory_space<hbm>> -> memref<1000000x64xf32, #tpu.memory_space<hbm>>
    %dma_start3A_45 = tpu.memref_slice %arg10[%dma_start3A_34] : memref<4x!tpu.dma_semaphore, #tpu.memory_space<semaphore_mem>> -> memref<1x!tpu.dma_semaphore, #tpu.memory_space<semaphore_mem>>
    %dma_start3A_46 = tpu.memref_squeeze %dma_start3A_45 : memref<1x!tpu.dma_semaphore, #tpu.memory_space<semaphore_mem>> -> memref<!tpu.dma_semaphore, #tpu.memory_space<semaphore_mem>>
    tpu.enqueue_indirect_dma source(%dma_start3A_44 : memref<1000000x64xf32, #tpu.memory_space<hbm>>) target(%dma_start3A_38 : memref<40x64xf32, #tpu.memory_space<vmem>>) offsets(%dma_start3A_41 : memref<40xi32, #tpu.memory_space<vmem>>) semaphore(%dma_start3A_46 : memref<!tpu.dma_semaphore, #tpu.memory_space<semaphore_mem>>)
    %dma_start3A_47 = arith.constant 0 : i32
    %dma_start3A_48 = arith.constant 0 : i32
    %dma_start3A_49 = arith.constant 0 : i32
    %dma_start3A_50 = arith.constant 120 : i32
    %dma_start3A_51 = arith.constant 0 : i32
    %dma_start3A_52 = tpu.memref_slice %arg8[%dma_start3A_48, %dma_start3A_50, %dma_start3A_51] : memref<4x200x64xf32, #tpu.memory_space<vmem>> -> memref<1x40x64xf32, #tpu.memory_space<vmem>>
    %dma_start3A_53 = tpu.memref_squeeze %dma_start3A_52 : memref<1x40x64xf32, #tpu.memory_space<vmem>> -> memref<40x64xf32, #tpu.memory_space<vmem>>
    %dma_start3A_54 = arith.constant 120 : i32
    %dma_start3A_55 = tpu.memref_slice %arg6[%dma_start3A_47, %dma_start3A_54] : memref<32x200xi32, #tpu.memory_space<vmem>> -> memref<1x40xi32, #tpu.memory_space<vmem>>
    %dma_start3A_56 = tpu.memref_squeeze %dma_start3A_55 : memref<1x40xi32, #tpu.memory_space<vmem>> -> memref<40xi32, #tpu.memory_space<vmem>>
    %dma_start3A_57 = arith.constant 0 : i32
    %dma_start3A_58 = arith.constant 0 : i32
    %dma_start3A_59 = tpu.memref_slice %arg4[%dma_start3A_57, %dma_start3A_58] : memref<1000000x64xf32, #tpu.memory_space<hbm>> -> memref<1000000x64xf32, #tpu.memory_space<hbm>>
    %dma_start3A_60 = tpu.memref_slice %arg10[%dma_start3A_49] : memref<4x!tpu.dma_semaphore, #tpu.memory_space<semaphore_mem>> -> memref<1x!tpu.dma_semaphore, #tpu.memory_space<semaphore_mem>>
    %dma_start3A_61 = tpu.memref_squeeze %dma_start3A_60 : memref<1x!tpu.dma_semaphore, #tpu.memory_space<semaphore_mem>> -> memref<!tpu.dma_semaphore, #tpu.memory_space<semaphore_mem>>
    tpu.enqueue_indirect_dma source(%dma_start3A_59 : memref<1000000x64xf32, #tpu.memory_space<hbm>>) target(%dma_start3A_53 : memref<40x64xf32, #tpu.memory_space<vmem>>) offsets(%dma_start3A_56 : memref<40xi32, #tpu.memory_space<vmem>>) semaphore(%dma_start3A_61 : memref<!tpu.dma_semaphore, #tpu.memory_space<semaphore_mem>>)
    %dma_start3A_62 = arith.constant 0 : i32
    %dma_start3A_63 = arith.constant 0 : i32
    %dma_start3A_64 = arith.constant 0 : i32
    %dma_start3A_65 = arith.constant 160 : i32
    %dma_start3A_66 = arith.constant 0 : i32
    %dma_start3A_67 = tpu.memref_slice %arg8[%dma_start3A_63, %dma_start3A_65, %dma_start3A_66] : memref<4x200x64xf32, #tpu.memory_space<vmem>> -> memref<1x40x64xf32, #tpu.memory_space<vmem>>
    %dma_start3A_68 = tpu.memref_squeeze %dma_start3A_67 : memref<1x40x64xf32, #tpu.memory_space<vmem>> -> memref<40x64xf32, #tpu.memory_space<vmem>>
    %dma_start3A_69 = arith.constant 160 : i32
    %dma_start3A_70 = tpu.memref_slice %arg6[%dma_start3A_62, %dma_start3A_69] : memref<32x200xi32, #tpu.memory_space<vmem>> -> memref<1x40xi32, #tpu.memory_space<vmem>>
    %dma_start3A_71 = tpu.memref_squeeze %dma_start3A_70 : memref<1x40xi32, #tpu.memory_space<vmem>> -> memref<40xi32, #tpu.memory_space<vmem>>
    %dma_start3A_72 = arith.constant 0 : i32
    %dma_start3A_73 = arith.constant 0 : i32
    %dma_start3A_74 = tpu.memref_slice %arg4[%dma_start3A_72, %dma_start3A_73] : memref<1000000x64xf32, #tpu.memory_space<hbm>> -> memref<1000000x64xf32, #tpu.memory_space<hbm>>
    %dma_start3A_75 = tpu.memref_slice %arg10[%dma_start3A_64] : memref<4x!tpu.dma_semaphore, #tpu.memory_space<semaphore_mem>> -> memref<1x!tpu.dma_semaphore, #tpu.memory_space<semaphore_mem>>
    %dma_start3A_76 = tpu.memref_squeeze %dma_start3A_75 : memref<1x!tpu.dma_semaphore, #tpu.memory_space<semaphore_mem>> -> memref<!tpu.dma_semaphore, #tpu.memory_space<semaphore_mem>>
    tpu.enqueue_indirect_dma source(%dma_start3A_74 : memref<1000000x64xf32, #tpu.memory_space<hbm>>) target(%dma_start3A_68 : memref<40x64xf32, #tpu.memory_space<vmem>>) offsets(%dma_start3A_71 : memref<40xi32, #tpu.memory_space<vmem>>) semaphore(%dma_start3A_76 : memref<!tpu.dma_semaphore, #tpu.memory_space<semaphore_mem>>)
    %dma_start3A_77 = arith.constant 1 : i32
    %dma_start3A_78 = arith.constant 1 : i32
    %dma_start3A_79 = arith.constant 1 : i32
    %dma_start3A_80 = arith.constant 0 : i32
    %dma_start3A_81 = arith.constant 0 : i32
    %dma_start3A_82 = tpu.memref_slice %arg8[%dma_start3A_78, %dma_start3A_80, %dma_start3A_81] : memref<4x200x64xf32, #tpu.memory_space<vmem>> -> memref<1x40x64xf32, #tpu.memory_space<vmem>>
    %dma_start3A_83 = tpu.memref_squeeze %dma_start3A_82 : memref<1x40x64xf32, #tpu.memory_space<vmem>> -> memref<40x64xf32, #tpu.memory_space<vmem>>
    %dma_start3A_84 = arith.constant 0 : i32
    %dma_start3A_85 = tpu.memref_slice %arg6[%dma_start3A_77, %dma_start3A_84] : memref<32x200xi32, #tpu.memory_space<vmem>> -> memref<1x40xi32, #tpu.memory_space<vmem>>
    %dma_start3A_86 = tpu.memref_squeeze %dma_start3A_85 : memref<1x40xi32, #tpu.memory_space<vmem>> -> memref<40xi32, #tpu.memory_space<vmem>>
    %dma_start3A_87 = arith.constant 0 : i32
    %dma_start3A_88 = arith.constant 0 : i32
    %dma_start3A_89 = tpu.memref_slice %arg4[%dma_start3A_87, %dma_start3A_88] : memref<1000000x64xf32, #tpu.memory_space<hbm>> -> memref<1000000x64xf32, #tpu.memory_space<hbm>>
    %dma_start3A_90 = tpu.memref_slice %arg10[%dma_start3A_79] : memref<4x!tpu.dma_semaphore, #tpu.memory_space<semaphore_mem>> -> memref<1x!tpu.dma_semaphore, #tpu.memory_space<semaphore_mem>>
    %dma_start3A_91 = tpu.memref_squeeze %dma_start3A_90 : memref<1x!tpu.dma_semaphore, #tpu.memory_space<semaphore_mem>> -> memref<!tpu.dma_semaphore, #tpu.memory_space<semaphore_mem>>
    tpu.enqueue_indirect_dma source(%dma_start3A_89 : memref<1000000x64xf32, #tpu.memory_space<hbm>>) target(%dma_start3A_83 : memref<40x64xf32, #tpu.memory_space<vmem>>) offsets(%dma_start3A_86 : memref<40xi32, #tpu.memory_space<vmem>>) semaphore(%dma_start3A_91 : memref<!tpu.dma_semaphore, #tpu.memory_space<semaphore_mem>>)
    %dma_start3A_92 = arith.constant 1 : i32
    %dma_start3A_93 = arith.constant 1 : i32
    %dma_start3A_94 = arith.constant 1 : i32
    %dma_start3A_95 = arith.constant 40 : i32
    %dma_start3A_96 = arith.constant 0 : i32
    %dma_start3A_97 = tpu.memref_slice %arg8[%dma_start3A_93, %dma_start3A_95, %dma_start3A_96] : memref<4x200x64xf32, #tpu.memory_space<vmem>> -> memref<1x40x64xf32, #tpu.memory_space<vmem>>
    %dma_start3A_98 = tpu.memref_squeeze %dma_start3A_97 : memref<1x40x64xf32, #tpu.memory_space<vmem>> -> memref<40x64xf32, #tpu.memory_space<vmem>>
    %dma_start3A_99 = arith.constant 40 : i32
    %dma_start3A_100 = tpu.memref_slice %arg6[%dma_start3A_92, %dma_start3A_99] : memref<32x200xi32, #tpu.memory_space<vmem>> -> memref<1x40xi32, #tpu.memory_space<vmem>>
    %dma_start3A_101 = tpu.memref_squeeze %dma_start3A_100 : memref<1x40xi32, #tpu.memory_space<vmem>> -> memref<40xi32, #tpu.memory_space<vmem>>
    %dma_start3A_102 = arith.constant 0 : i32
    %dma_start3A_103 = arith.constant 0 : i32
    %dma_start3A_104 = tpu.memref_slice %arg4[%dma_start3A_102, %dma_start3A_103] : memref<1000000x64xf32, #tpu.memory_space<hbm>> -> memref<1000000x64xf32, #tpu.memory_space<hbm>>
    %dma_start3A_105 = tpu.memref_slice %arg10[%dma_start3A_94] : memref<4x!tpu.dma_semaphore, #tpu.memory_space<semaphore_mem>> -> memref<1x!tpu.dma_semaphore, #tpu.memory_space<semaphore_mem>>
    %dma_start3A_106 = tpu.memref_squeeze %dma_start3A_105 : memref<1x!tpu.dma_semaphore, #tpu.memory_space<semaphore_mem>> -> memref<!tpu.dma_semaphore, #tpu.memory_space<semaphore_mem>>
    tpu.enqueue_indirect_dma source(%dma_start3A_104 : memref<1000000x64xf32, #tpu.memory_space<hbm>>) target(%dma_start3A_98 : memref<40x64xf32, #tpu.memory_space<vmem>>) offsets(%dma_start3A_101 : memref<40xi32, #tpu.memory_space<vmem>>) semaphore(%dma_start3A_106 : memref<!tpu.dma_semaphore, #tpu.memory_space<semaphore_mem>>)
    %dma_start3A_107 = arith.constant 1 : i32
    %dma_start3A_108 = arith.constant 1 : i32
    %dma_start3A_109 = arith.constant 1 : i32
    %dma_start3A_110 = arith.constant 80 : i32
    %dma_start3A_111 = arith.constant 0 : i32
    %dma_start3A_112 = tpu.memref_slice %arg8[%dma_start3A_108, %dma_start3A_110, %dma_start3A_111] : memref<4x200x64xf32, #tpu.memory_space<vmem>> -> memref<1x40x64xf32, #tpu.memory_space<vmem>>
    %dma_start3A_113 = tpu.memref_squeeze %dma_start3A_112 : memref<1x40x64xf32, #tpu.memory_space<vmem>> -> memref<40x64xf32, #tpu.memory_space<vmem>>
    %dma_start3A_114 = arith.constant 80 : i32
    %dma_start3A_115 = tpu.memref_slice %arg6[%dma_start3A_107, %dma_start3A_114] : memref<32x200xi32, #tpu.memory_space<vmem>> -> memref<1x40xi32, #tpu.memory_space<vmem>>
    %dma_start3A_116 = tpu.memref_squeeze %dma_start3A_115 : memref<1x40xi32, #tpu.memory_space<vmem>> -> memref<40xi32, #tpu.memory_space<vmem>>
    %dma_start3A_117 = arith.constant 0 : i32
    %dma_start3A_118 = arith.constant 0 : i32
    %dma_start3A_119 = tpu.memref_slice %arg4[%dma_start3A_117, %dma_start3A_118] : memref<1000000x64xf32, #tpu.memory_space<hbm>> -> memref<1000000x64xf32, #tpu.memory_space<hbm>>
    %dma_start3A_120 = tpu.memref_slice %arg10[%dma_start3A_109] : memref<4x!tpu.dma_semaphore, #tpu.memory_space<semaphore_mem>> -> memref<1x!tpu.dma_semaphore, #tpu.memory_space<semaphore_mem>>
    %dma_start3A_121 = tpu.memref_squeeze %dma_start3A_120 : memref<1x!tpu.dma_semaphore, #tpu.memory_space<semaphore_mem>> -> memref<!tpu.dma_semaphore, #tpu.memory_space<semaphore_mem>>
    tpu.enqueue_indirect_dma source(%dma_start3A_119 : memref<1000000x64xf32, #tpu.memory_space<hbm>>) target(%dma_start3A_113 : memref<40x64xf32, #tpu.memory_space<vmem>>) offsets(%dma_start3A_116 : memref<40xi32, #tpu.memory_space<vmem>>) semaphore(%dma_start3A_121 : memref<!tpu.dma_semaphore, #tpu.memory_space<semaphore_mem>>)
    %dma_start3A_122 = arith.constant 1 : i32
    %dma_start3A_123 = arith.constant 1 : i32
    %dma_start3A_124 = arith.constant 1 : i32
    %dma_start3A_125 = arith.constant 120 : i32
    %dma_start3A_126 = arith.constant 0 : i32
    %dma_start3A_127 = tpu.memref_slice %arg8[%dma_start3A_123, %dma_start3A_125, %dma_start3A_126] : memref<4x200x64xf32, #tpu.memory_space<vmem>> -> memref<1x40x64xf32, #tpu.memory_space<vmem>>
    %dma_start3A_128 = tpu.memref_squeeze %dma_start3A_127 : memref<1x40x64xf32, #tpu.memory_space<vmem>> -> memref<40x64xf32, #tpu.memory_space<vmem>>
    %dma_start3A_129 = arith.constant 120 : i32
    %dma_start3A_130 = tpu.memref_slice %arg6[%dma_start3A_122, %dma_start3A_129] : memref<32x200xi32, #tpu.memory_space<vmem>> -> memref<1x40xi32, #tpu.memory_space<vmem>>
    %dma_start3A_131 = tpu.memref_squeeze %dma_start3A_130 : memref<1x40xi32, #tpu.memory_space<vmem>> -> memref<40xi32, #tpu.memory_space<vmem>>
    %dma_start3A_132 = arith.constant 0 : i32
    %dma_start3A_133 = arith.constant 0 : i32
    %dma_start3A_134 = tpu.memref_slice %arg4[%dma_start3A_132, %dma_start3A_133] : memref<1000000x64xf32, #tpu.memory_space<hbm>> -> memref<1000000x64xf32, #tpu.memory_space<hbm>>
    %dma_start3A_135 = tpu.memref_slice %arg10[%dma_start3A_124] : memref<4x!tpu.dma_semaphore, #tpu.memory_space<semaphore_mem>> -> memref<1x!tpu.dma_semaphore, #tpu.memory_space<semaphore_mem>>
    %dma_start3A_136 = tpu.memref_squeeze %dma_start3A_135 : memref<1x!tpu.dma_semaphore, #tpu.memory_space<semaphore_mem>> -> memref<!tpu.dma_semaphore, #tpu.memory_space<semaphore_mem>>
    tpu.enqueue_indirect_dma source(%dma_start3A_134 : memref<1000000x64xf32, #tpu.memory_space<hbm>>) target(%dma_start3A_128 : memref<40x64xf32, #tpu.memory_space<vmem>>) offsets(%dma_start3A_131 : memref<40xi32, #tpu.memory_space<vmem>>) semaphore(%dma_start3A_136 : memref<!tpu.dma_semaphore, #tpu.memory_space<semaphore_mem>>)
    %dma_start3A_137 = arith.constant 1 : i32
    %dma_start3A_138 = arith.constant 1 : i32
    %dma_start3A_139 = arith.constant 1 : i32
    %dma_start3A_140 = arith.constant 160 : i32
    %dma_start3A_141 = arith.constant 0 : i32
    %dma_start3A_142 = tpu.memref_slice %arg8[%dma_start3A_138, %dma_start3A_140, %dma_start3A_141] : memref<4x200x64xf32, #tpu.memory_space<vmem>> -> memref<1x40x64xf32, #tpu.memory_space<vmem>>
    %dma_start3A_143 = tpu.memref_squeeze %dma_start3A_142 : memref<1x40x64xf32, #tpu.memory_space<vmem>> -> memref<40x64xf32, #tpu.memory_space<vmem>>
    %dma_start3A_144 = arith.constant 160 : i32
    %dma_start3A_145 = tpu.memref_slice %arg6[%dma_start3A_137, %dma_start3A_144] : memref<32x200xi32, #tpu.memory_space<vmem>> -> memref<1x40xi32, #tpu.memory_space<vmem>>
    %dma_start3A_146 = tpu.memref_squeeze %dma_start3A_145 : memref<1x40xi32, #tpu.memory_space<vmem>> -> memref<40xi32, #tpu.memory_space<vmem>>
    %dma_start3A_147 = arith.constant 0 : i32
    %dma_start3A_148 = arith.constant 0 : i32
    %dma_start3A_149 = tpu.memref_slice %arg4[%dma_start3A_147, %dma_start3A_148] : memref<1000000x64xf32, #tpu.memory_space<hbm>> -> memref<1000000x64xf32, #tpu.memory_space<hbm>>
    %dma_start3A_150 = tpu.memref_slice %arg10[%dma_start3A_139] : memref<4x!tpu.dma_semaphore, #tpu.memory_space<semaphore_mem>> -> memref<1x!tpu.dma_semaphore, #tpu.memory_space<semaphore_mem>>
    %dma_start3A_151 = tpu.memref_squeeze %dma_start3A_150 : memref<1x!tpu.dma_semaphore, #tpu.memory_space<semaphore_mem>> -> memref<!tpu.dma_semaphore, #tpu.memory_space<semaphore_mem>>
    tpu.enqueue_indirect_dma source(%dma_start3A_149 : memref<1000000x64xf32, #tpu.memory_space<hbm>>) target(%dma_start3A_143 : memref<40x64xf32, #tpu.memory_space<vmem>>) offsets(%dma_start3A_146 : memref<40xi32, #tpu.memory_space<vmem>>) semaphore(%dma_start3A_151 : memref<!tpu.dma_semaphore, #tpu.memory_space<semaphore_mem>>)
    %dma_start3A_152 = arith.constant 2 : i32
    %dma_start3A_153 = arith.constant 2 : i32
    %dma_start3A_154 = arith.constant 2 : i32
    %dma_start3A_155 = arith.constant 0 : i32
    %dma_start3A_156 = arith.constant 0 : i32
    %dma_start3A_157 = tpu.memref_slice %arg8[%dma_start3A_153, %dma_start3A_155, %dma_start3A_156] : memref<4x200x64xf32, #tpu.memory_space<vmem>> -> memref<1x40x64xf32, #tpu.memory_space<vmem>>
    %dma_start3A_158 = tpu.memref_squeeze %dma_start3A_157 : memref<1x40x64xf32, #tpu.memory_space<vmem>> -> memref<40x64xf32, #tpu.memory_space<vmem>>
    %dma_start3A_159 = arith.constant 0 : i32
    %dma_start3A_160 = tpu.memref_slice %arg6[%dma_start3A_152, %dma_start3A_159] : memref<32x200xi32, #tpu.memory_space<vmem>> -> memref<1x40xi32, #tpu.memory_space<vmem>>
    %dma_start3A_161 = tpu.memref_squeeze %dma_start3A_160 : memref<1x40xi32, #tpu.memory_space<vmem>> -> memref<40xi32, #tpu.memory_space<vmem>>
    %dma_start3A_162 = arith.constant 0 : i32
    %dma_start3A_163 = arith.constant 0 : i32
    %dma_start3A_164 = tpu.memref_slice %arg4[%dma_start3A_162, %dma_start3A_163] : memref<1000000x64xf32, #tpu.memory_space<hbm>> -> memref<1000000x64xf32, #tpu.memory_space<hbm>>
    %dma_start3A_165 = tpu.memref_slice %arg10[%dma_start3A_154] : memref<4x!tpu.dma_semaphore, #tpu.memory_space<semaphore_mem>> -> memref<1x!tpu.dma_semaphore, #tpu.memory_space<semaphore_mem>>
    %dma_start3A_166 = tpu.memref_squeeze %dma_start3A_165 : memref<1x!tpu.dma_semaphore, #tpu.memory_space<semaphore_mem>> -> memref<!tpu.dma_semaphore, #tpu.memory_space<semaphore_mem>>
    tpu.enqueue_indirect_dma source(%dma_start3A_164 : memref<1000000x64xf32, #tpu.memory_space<hbm>>) target(%dma_start3A_158 : memref<40x64xf32, #tpu.memory_space<vmem>>) offsets(%dma_start3A_161 : memref<40xi32, #tpu.memory_space<vmem>>) semaphore(%dma_start3A_166 : memref<!tpu.dma_semaphore, #tpu.memory_space<semaphore_mem>>)
    %dma_start3A_167 = arith.constant 2 : i32
    %dma_start3A_168 = arith.constant 2 : i32
    %dma_start3A_169 = arith.constant 2 : i32
    %dma_start3A_170 = arith.constant 40 : i32
    %dma_start3A_171 = arith.constant 0 : i32
    %dma_start3A_172 = tpu.memref_slice %arg8[%dma_start3A_168, %dma_start3A_170, %dma_start3A_171] : memref<4x200x64xf32, #tpu.memory_space<vmem>> -> memref<1x40x64xf32, #tpu.memory_space<vmem>>
    %dma_start3A_173 = tpu.memref_squeeze %dma_start3A_172 : memref<1x40x64xf32, #tpu.memory_space<vmem>> -> memref<40x64xf32, #tpu.memory_space<vmem>>
    %dma_start3A_174 = arith.constant 40 : i32
    %dma_start3A_175 = tpu.memref_slice %arg6[%dma_start3A_167, %dma_start3A_174] : memref<32x200xi32, #tpu.memory_space<vmem>> -> memref<1x40xi32, #tpu.memory_space<vmem>>
    %dma_start3A_176 = tpu.memref_squeeze %dma_start3A_175 : memref<1x40xi32, #tpu.memory_space<vmem>> -> memref<40xi32, #tpu.memory_space<vmem>>
    %dma_start3A_177 = arith.constant 0 : i32
    %dma_start3A_178 = arith.constant 0 : i32
    %dma_start3A_179 = tpu.memref_slice %arg4[%dma_start3A_177, %dma_start3A_178] : memref<1000000x64xf32, #tpu.memory_space<hbm>> -> memref<1000000x64xf32, #tpu.memory_space<hbm>>
    %dma_start3A_180 = tpu.memref_slice %arg10[%dma_start3A_169] : memref<4x!tpu.dma_semaphore, #tpu.memory_space<semaphore_mem>> -> memref<1x!tpu.dma_semaphore, #tpu.memory_space<semaphore_mem>>
    %dma_start3A_181 = tpu.memref_squeeze %dma_start3A_180 : memref<1x!tpu.dma_semaphore, #tpu.memory_space<semaphore_mem>> -> memref<!tpu.dma_semaphore, #tpu.memory_space<semaphore_mem>>
    tpu.enqueue_indirect_dma source(%dma_start3A_179 : memref<1000000x64xf32, #tpu.memory_space<hbm>>) target(%dma_start3A_173 : memref<40x64xf32, #tpu.memory_space<vmem>>) offsets(%dma_start3A_176 : memref<40xi32, #tpu.memory_space<vmem>>) semaphore(%dma_start3A_181 : memref<!tpu.dma_semaphore, #tpu.memory_space<semaphore_mem>>)
    %dma_start3A_182 = arith.constant 2 : i32
    %dma_start3A_183 = arith.constant 2 : i32
    %dma_start3A_184 = arith.constant 2 : i32
    %dma_start3A_185 = arith.constant 80 : i32
    %dma_start3A_186 = arith.constant 0 : i32
    %dma_start3A_187 = tpu.memref_slice %arg8[%dma_start3A_183, %dma_start3A_185, %dma_start3A_186] : memref<4x200x64xf32, #tpu.memory_space<vmem>> -> memref<1x40x64xf32, #tpu.memory_space<vmem>>
    %dma_start3A_188 = tpu.memref_squeeze %dma_start3A_187 : memref<1x40x64xf32, #tpu.memory_space<vmem>> -> memref<40x64xf32, #tpu.memory_space<vmem>>
    %dma_start3A_189 = arith.constant 80 : i32
    %dma_start3A_190 = tpu.memref_slice %arg6[%dma_start3A_182, %dma_start3A_189] : memref<32x200xi32, #tpu.memory_space<vmem>> -> memref<1x40xi32, #tpu.memory_space<vmem>>
    %dma_start3A_191 = tpu.memref_squeeze %dma_start3A_190 : memref<1x40xi32, #tpu.memory_space<vmem>> -> memref<40xi32, #tpu.memory_space<vmem>>
    %dma_start3A_192 = arith.constant 0 : i32
    %dma_start3A_193 = arith.constant 0 : i32
    %dma_start3A_194 = tpu.memref_slice %arg4[%dma_start3A_192, %dma_start3A_193] : memref<1000000x64xf32, #tpu.memory_space<hbm>> -> memref<1000000x64xf32, #tpu.memory_space<hbm>>
    %dma_start3A_195 = tpu.memref_slice %arg10[%dma_start3A_184] : memref<4x!tpu.dma_semaphore, #tpu.memory_space<semaphore_mem>> -> memref<1x!tpu.dma_semaphore, #tpu.memory_space<semaphore_mem>>
    %dma_start3A_196 = tpu.memref_squeeze %dma_start3A_195 : memref<1x!tpu.dma_semaphore, #tpu.memory_space<semaphore_mem>> -> memref<!tpu.dma_semaphore, #tpu.memory_space<semaphore_mem>>
    tpu.enqueue_indirect_dma source(%dma_start3A_194 : memref<1000000x64xf32, #tpu.memory_space<hbm>>) target(%dma_start3A_188 : memref<40x64xf32, #tpu.memory_space<vmem>>) offsets(%dma_start3A_191 : memref<40xi32, #tpu.memory_space<vmem>>) semaphore(%dma_start3A_196 : memref<!tpu.dma_semaphore, #tpu.memory_space<semaphore_mem>>)
    %dma_start3A_197 = arith.constant 2 : i32
    %dma_start3A_198 = arith.constant 2 : i32
    %dma_start3A_199 = arith.constant 2 : i32
    %dma_start3A_200 = arith.constant 120 : i32
    %dma_start3A_201 = arith.constant 0 : i32
    %dma_start3A_202 = tpu.memref_slice %arg8[%dma_start3A_198, %dma_start3A_200, %dma_start3A_201] : memref<4x200x64xf32, #tpu.memory_space<vmem>> -> memref<1x40x64xf32, #tpu.memory_space<vmem>>
    %dma_start3A_203 = tpu.memref_squeeze %dma_start3A_202 : memref<1x40x64xf32, #tpu.memory_space<vmem>> -> memref<40x64xf32, #tpu.memory_space<vmem>>
    %dma_start3A_204 = arith.constant 120 : i32
    %dma_start3A_205 = tpu.memref_slice %arg6[%dma_start3A_197, %dma_start3A_204] : memref<32x200xi32, #tpu.memory_space<vmem>> -> memref<1x40xi32, #tpu.memory_space<vmem>>
    %dma_start3A_206 = tpu.memref_squeeze %dma_start3A_205 : memref<1x40xi32, #tpu.memory_space<vmem>> -> memref<40xi32, #tpu.memory_space<vmem>>
    %dma_start3A_207 = arith.constant 0 : i32
    %dma_start3A_208 = arith.constant 0 : i32
    %dma_start3A_209 = tpu.memref_slice %arg4[%dma_start3A_207, %dma_start3A_208] : memref<1000000x64xf32, #tpu.memory_space<hbm>> -> memref<1000000x64xf32, #tpu.memory_space<hbm>>
    %dma_start3A_210 = tpu.memref_slice %arg10[%dma_start3A_199] : memref<4x!tpu.dma_semaphore, #tpu.memory_space<semaphore_mem>> -> memref<1x!tpu.dma_semaphore, #tpu.memory_space<semaphore_mem>>
    %dma_start3A_211 = tpu.memref_squeeze %dma_start3A_210 : memref<1x!tpu.dma_semaphore, #tpu.memory_space<semaphore_mem>> -> memref<!tpu.dma_semaphore, #tpu.memory_space<semaphore_mem>>
    tpu.enqueue_indirect_dma source(%dma_start3A_209 : memref<1000000x64xf32, #tpu.memory_space<hbm>>) target(%dma_start3A_203 : memref<40x64xf32, #tpu.memory_space<vmem>>) offsets(%dma_start3A_206 : memref<40xi32, #tpu.memory_space<vmem>>) semaphore(%dma_start3A_211 : memref<!tpu.dma_semaphore, #tpu.memory_space<semaphore_mem>>)
    %dma_start3A_212 = arith.constant 2 : i32
    %dma_start3A_213 = arith.constant 2 : i32
    %dma_start3A_214 = arith.constant 2 : i32
    %dma_start3A_215 = arith.constant 160 : i32
    %dma_start3A_216 = arith.constant 0 : i32
    %dma_start3A_217 = tpu.memref_slice %arg8[%dma_start3A_213, %dma_start3A_215, %dma_start3A_216] : memref<4x200x64xf32, #tpu.memory_space<vmem>> -> memref<1x40x64xf32, #tpu.memory_space<vmem>>
    %dma_start3A_218 = tpu.memref_squeeze %dma_start3A_217 : memref<1x40x64xf32, #tpu.memory_space<vmem>> -> memref<40x64xf32, #tpu.memory_space<vmem>>
    %dma_start3A_219 = arith.constant 160 : i32
    %dma_start3A_220 = tpu.memref_slice %arg6[%dma_start3A_212, %dma_start3A_219] : memref<32x200xi32, #tpu.memory_space<vmem>> -> memref<1x40xi32, #tpu.memory_space<vmem>>
    %dma_start3A_221 = tpu.memref_squeeze %dma_start3A_220 : memref<1x40xi32, #tpu.memory_space<vmem>> -> memref<40xi32, #tpu.memory_space<vmem>>
    %dma_start3A_222 = arith.constant 0 : i32
    %dma_start3A_223 = arith.constant 0 : i32
    %dma_start3A_224 = tpu.memref_slice %arg4[%dma_start3A_222, %dma_start3A_223] : memref<1000000x64xf32, #tpu.memory_space<hbm>> -> memref<1000000x64xf32, #tpu.memory_space<hbm>>
    %dma_start3A_225 = tpu.memref_slice %arg10[%dma_start3A_214] : memref<4x!tpu.dma_semaphore, #tpu.memory_space<semaphore_mem>> -> memref<1x!tpu.dma_semaphore, #tpu.memory_space<semaphore_mem>>
    %dma_start3A_226 = tpu.memref_squeeze %dma_start3A_225 : memref<1x!tpu.dma_semaphore, #tpu.memory_space<semaphore_mem>> -> memref<!tpu.dma_semaphore, #tpu.memory_space<semaphore_mem>>
    tpu.enqueue_indirect_dma source(%dma_start3A_224 : memref<1000000x64xf32, #tpu.memory_space<hbm>>) target(%dma_start3A_218 : memref<40x64xf32, #tpu.memory_space<vmem>>) offsets(%dma_start3A_221 : memref<40xi32, #tpu.memory_space<vmem>>) semaphore(%dma_start3A_226 : memref<!tpu.dma_semaphore, #tpu.memory_space<semaphore_mem>>)
    %dma_start3A_227 = arith.constant 3 : i32
    %dma_start3A_228 = arith.constant 3 : i32
    %dma_start3A_229 = arith.constant 3 : i32
    %dma_start3A_230 = arith.constant 0 : i32
    %dma_start3A_231 = arith.constant 0 : i32
    %dma_start3A_232 = tpu.memref_slice %arg8[%dma_start3A_228, %dma_start3A_230, %dma_start3A_231] : memref<4x200x64xf32, #tpu.memory_space<vmem>> -> memref<1x40x64xf32, #tpu.memory_space<vmem>>
    %dma_start3A_233 = tpu.memref_squeeze %dma_start3A_232 : memref<1x40x64xf32, #tpu.memory_space<vmem>> -> memref<40x64xf32, #tpu.memory_space<vmem>>
    %dma_start3A_234 = arith.constant 0 : i32
    %dma_start3A_235 = tpu.memref_slice %arg6[%dma_start3A_227, %dma_start3A_234] : memref<32x200xi32, #tpu.memory_space<vmem>> -> memref<1x40xi32, #tpu.memory_space<vmem>>
    %dma_start3A_236 = tpu.memref_squeeze %dma_start3A_235 : memref<1x40xi32, #tpu.memory_space<vmem>> -> memref<40xi32, #tpu.memory_space<vmem>>
    %dma_start3A_237 = arith.constant 0 : i32
    %dma_start3A_238 = arith.constant 0 : i32
    %dma_start3A_239 = tpu.memref_slice %arg4[%dma_start3A_237, %dma_start3A_238] : memref<1000000x64xf32, #tpu.memory_space<hbm>> -> memref<1000000x64xf32, #tpu.memory_space<hbm>>
    %dma_start3A_240 = tpu.memref_slice %arg10[%dma_start3A_229] : memref<4x!tpu.dma_semaphore, #tpu.memory_space<semaphore_mem>> -> memref<1x!tpu.dma_semaphore, #tpu.memory_space<semaphore_mem>>
    %dma_start3A_241 = tpu.memref_squeeze %dma_start3A_240 : memref<1x!tpu.dma_semaphore, #tpu.memory_space<semaphore_mem>> -> memref<!tpu.dma_semaphore, #tpu.memory_space<semaphore_mem>>
    tpu.enqueue_indirect_dma source(%dma_start3A_239 : memref<1000000x64xf32, #tpu.memory_space<hbm>>) target(%dma_start3A_233 : memref<40x64xf32, #tpu.memory_space<vmem>>) offsets(%dma_start3A_236 : memref<40xi32, #tpu.memory_space<vmem>>) semaphore(%dma_start3A_241 : memref<!tpu.dma_semaphore, #tpu.memory_space<semaphore_mem>>)
    %dma_start3A_242 = arith.constant 3 : i32
    %dma_start3A_243 = arith.constant 3 : i32
    %dma_start3A_244 = arith.constant 3 : i32
    %dma_start3A_245 = arith.constant 40 : i32
    %dma_start3A_246 = arith.constant 0 : i32
    %dma_start3A_247 = tpu.memref_slice %arg8[%dma_start3A_243, %dma_start3A_245, %dma_start3A_246] : memref<4x200x64xf32, #tpu.memory_space<vmem>> -> memref<1x40x64xf32, #tpu.memory_space<vmem>>
    %dma_start3A_248 = tpu.memref_squeeze %dma_start3A_247 : memref<1x40x64xf32, #tpu.memory_space<vmem>> -> memref<40x64xf32, #tpu.memory_space<vmem>>
    %dma_start3A_249 = arith.constant 40 : i32
    %dma_start3A_250 = tpu.memref_slice %arg6[%dma_start3A_242, %dma_start3A_249] : memref<32x200xi32, #tpu.memory_space<vmem>> -> memref<1x40xi32, #tpu.memory_space<vmem>>
    %dma_start3A_251 = tpu.memref_squeeze %dma_start3A_250 : memref<1x40xi32, #tpu.memory_space<vmem>> -> memref<40xi32, #tpu.memory_space<vmem>>
    %dma_start3A_252 = arith.constant 0 : i32
    %dma_start3A_253 = arith.constant 0 : i32
    %dma_start3A_254 = tpu.memref_slice %arg4[%dma_start3A_252, %dma_start3A_253] : memref<1000000x64xf32, #tpu.memory_space<hbm>> -> memref<1000000x64xf32, #tpu.memory_space<hbm>>
    %dma_start3A_255 = tpu.memref_slice %arg10[%dma_start3A_244] : memref<4x!tpu.dma_semaphore, #tpu.memory_space<semaphore_mem>> -> memref<1x!tpu.dma_semaphore, #tpu.memory_space<semaphore_mem>>
    %dma_start3A_256 = tpu.memref_squeeze %dma_start3A_255 : memref<1x!tpu.dma_semaphore, #tpu.memory_space<semaphore_mem>> -> memref<!tpu.dma_semaphore, #tpu.memory_space<semaphore_mem>>
    tpu.enqueue_indirect_dma source(%dma_start3A_254 : memref<1000000x64xf32, #tpu.memory_space<hbm>>) target(%dma_start3A_248 : memref<40x64xf32, #tpu.memory_space<vmem>>) offsets(%dma_start3A_251 : memref<40xi32, #tpu.memory_space<vmem>>) semaphore(%dma_start3A_256 : memref<!tpu.dma_semaphore, #tpu.memory_space<semaphore_mem>>)
    %dma_start3A_257 = arith.constant 3 : i32
    %dma_start3A_258 = arith.constant 3 : i32
    %dma_start3A_259 = arith.constant 3 : i32
    %dma_start3A_260 = arith.constant 80 : i32
    %dma_start3A_261 = arith.constant 0 : i32
    %dma_start3A_262 = tpu.memref_slice %arg8[%dma_start3A_258, %dma_start3A_260, %dma_start3A_261] : memref<4x200x64xf32, #tpu.memory_space<vmem>> -> memref<1x40x64xf32, #tpu.memory_space<vmem>>
    %dma_start3A_263 = tpu.memref_squeeze %dma_start3A_262 : memref<1x40x64xf32, #tpu.memory_space<vmem>> -> memref<40x64xf32, #tpu.memory_space<vmem>>
    %dma_start3A_264 = arith.constant 80 : i32
    %dma_start3A_265 = tpu.memref_slice %arg6[%dma_start3A_257, %dma_start3A_264] : memref<32x200xi32, #tpu.memory_space<vmem>> -> memref<1x40xi32, #tpu.memory_space<vmem>>
    %dma_start3A_266 = tpu.memref_squeeze %dma_start3A_265 : memref<1x40xi32, #tpu.memory_space<vmem>> -> memref<40xi32, #tpu.memory_space<vmem>>
    %dma_start3A_267 = arith.constant 0 : i32
    %dma_start3A_268 = arith.constant 0 : i32
    %dma_start3A_269 = tpu.memref_slice %arg4[%dma_start3A_267, %dma_start3A_268] : memref<1000000x64xf32, #tpu.memory_space<hbm>> -> memref<1000000x64xf32, #tpu.memory_space<hbm>>
    %dma_start3A_270 = tpu.memref_slice %arg10[%dma_start3A_259] : memref<4x!tpu.dma_semaphore, #tpu.memory_space<semaphore_mem>> -> memref<1x!tpu.dma_semaphore, #tpu.memory_space<semaphore_mem>>
    %dma_start3A_271 = tpu.memref_squeeze %dma_start3A_270 : memref<1x!tpu.dma_semaphore, #tpu.memory_space<semaphore_mem>> -> memref<!tpu.dma_semaphore, #tpu.memory_space<semaphore_mem>>
    tpu.enqueue_indirect_dma source(%dma_start3A_269 : memref<1000000x64xf32, #tpu.memory_space<hbm>>) target(%dma_start3A_263 : memref<40x64xf32, #tpu.memory_space<vmem>>) offsets(%dma_start3A_266 : memref<40xi32, #tpu.memory_space<vmem>>) semaphore(%dma_start3A_271 : memref<!tpu.dma_semaphore, #tpu.memory_space<semaphore_mem>>)
    %dma_start3A_272 = arith.constant 3 : i32
    %dma_start3A_273 = arith.constant 3 : i32
    %dma_start3A_274 = arith.constant 3 : i32
    %dma_start3A_275 = arith.constant 120 : i32
    %dma_start3A_276 = arith.constant 0 : i32
    %dma_start3A_277 = tpu.memref_slice %arg8[%dma_start3A_273, %dma_start3A_275, %dma_start3A_276] : memref<4x200x64xf32, #tpu.memory_space<vmem>> -> memref<1x40x64xf32, #tpu.memory_space<vmem>>
    %dma_start3A_278 = tpu.memref_squeeze %dma_start3A_277 : memref<1x40x64xf32, #tpu.memory_space<vmem>> -> memref<40x64xf32, #tpu.memory_space<vmem>>
    %dma_start3A_279 = arith.constant 120 : i32
    %dma_start3A_280 = tpu.memref_slice %arg6[%dma_start3A_272, %dma_start3A_279] : memref<32x200xi32, #tpu.memory_space<vmem>> -> memref<1x40xi32, #tpu.memory_space<vmem>>
    %dma_start3A_281 = tpu.memref_squeeze %dma_start3A_280 : memref<1x40xi32, #tpu.memory_space<vmem>> -> memref<40xi32, #tpu.memory_space<vmem>>
    %dma_start3A_282 = arith.constant 0 : i32
    %dma_start3A_283 = arith.constant 0 : i32
    %dma_start3A_284 = tpu.memref_slice %arg4[%dma_start3A_282, %dma_start3A_283] : memref<1000000x64xf32, #tpu.memory_space<hbm>> -> memref<1000000x64xf32, #tpu.memory_space<hbm>>
    %dma_start3A_285 = tpu.memref_slice %arg10[%dma_start3A_274] : memref<4x!tpu.dma_semaphore, #tpu.memory_space<semaphore_mem>> -> memref<1x!tpu.dma_semaphore, #tpu.memory_space<semaphore_mem>>
    %dma_start3A_286 = tpu.memref_squeeze %dma_start3A_285 : memref<1x!tpu.dma_semaphore, #tpu.memory_space<semaphore_mem>> -> memref<!tpu.dma_semaphore, #tpu.memory_space<semaphore_mem>>
    tpu.enqueue_indirect_dma source(%dma_start3A_284 : memref<1000000x64xf32, #tpu.memory_space<hbm>>) target(%dma_start3A_278 : memref<40x64xf32, #tpu.memory_space<vmem>>) offsets(%dma_start3A_281 : memref<40xi32, #tpu.memory_space<vmem>>) semaphore(%dma_start3A_286 : memref<!tpu.dma_semaphore, #tpu.memory_space<semaphore_mem>>)
    %dma_start3A_287 = arith.constant 3 : i32
    %dma_start3A_288 = arith.constant 3 : i32
    %dma_start3A_289 = arith.constant 3 : i32
    %dma_start3A_290 = arith.constant 160 : i32
    %dma_start3A_291 = arith.constant 0 : i32
    %dma_start3A_292 = tpu.memref_slice %arg8[%dma_start3A_288, %dma_start3A_290, %dma_start3A_291] : memref<4x200x64xf32, #tpu.memory_space<vmem>> -> memref<1x40x64xf32, #tpu.memory_space<vmem>>
    %dma_start3A_293 = tpu.memref_squeeze %dma_start3A_292 : memref<1x40x64xf32, #tpu.memory_space<vmem>> -> memref<40x64xf32, #tpu.memory_space<vmem>>
    %dma_start3A_294 = arith.constant 160 : i32
    %dma_start3A_295 = tpu.memref_slice %arg6[%dma_start3A_287, %dma_start3A_294] : memref<32x200xi32, #tpu.memory_space<vmem>> -> memref<1x40xi32, #tpu.memory_space<vmem>>
    %dma_start3A_296 = tpu.memref_squeeze %dma_start3A_295 : memref<1x40xi32, #tpu.memory_space<vmem>> -> memref<40xi32, #tpu.memory_space<vmem>>
    %dma_start3A_297 = arith.constant 0 : i32
    %dma_start3A_298 = arith.constant 0 : i32
    %dma_start3A_299 = tpu.memref_slice %arg4[%dma_start3A_297, %dma_start3A_298] : memref<1000000x64xf32, #tpu.memory_space<hbm>> -> memref<1000000x64xf32, #tpu.memory_space<hbm>>
    %dma_start3A_300 = tpu.memref_slice %arg10[%dma_start3A_289] : memref<4x!tpu.dma_semaphore, #tpu.memory_space<semaphore_mem>> -> memref<1x!tpu.dma_semaphore, #tpu.memory_space<semaphore_mem>>
    %dma_start3A_301 = tpu.memref_squeeze %dma_start3A_300 : memref<1x!tpu.dma_semaphore, #tpu.memory_space<semaphore_mem>> -> memref<!tpu.dma_semaphore, #tpu.memory_space<semaphore_mem>>
    tpu.enqueue_indirect_dma source(%dma_start3A_299 : memref<1000000x64xf32, #tpu.memory_space<hbm>>) target(%dma_start3A_293 : memref<40x64xf32, #tpu.memory_space<vmem>>) offsets(%dma_start3A_296 : memref<40xi32, #tpu.memory_space<vmem>>) semaphore(%dma_start3A_301 : memref<!tpu.dma_semaphore, #tpu.memory_space<semaphore_mem>>)
    %scan3A = arith.constant 0 : i32
    %scan3A_302 = arith.constant 8 : i32
    %scan3A_303 = arith.addi %scan3A, %scan3A_302 : i32
    %scan3A_304 = arith.constant 1 : i32
    scf.for %scan3A_377 = %scan3A to %scan3A_303 step %scan3A_304  : i32 {
      %mul3A_378 = arith.constant 1 : i32
      %mul3A_379 = arith.muli %scan3A_377, %mul3A_378 : i32
      %add3A_380 = arith.constant 0 : i32
      %add3A_381 = arith.addi %add3A_380, %mul3A_379 : i32
      %mul3A_382 = arith.constant 4 : i32
      %mul3A_383 = arith.muli %add3A_381, %mul3A_382 : i32
      %dma_wait3A_384 = arith.constant 0 : i32
      %dma_wait3A_385 = arith.constant 0 : i32
      %dma_wait3A_386 = arith.constant 0 : i32
      %dma_wait3A_387 = arith.constant 0 : i32
      %dma_wait3A_388 = tpu.memref_slice %arg8[%dma_wait3A_384, %dma_wait3A_386, %dma_wait3A_387] : memref<4x200x64xf32, #tpu.memory_space<vmem>> -> memref<1x200x64xf32, #tpu.memory_space<vmem>>
      %dma_wait3A_389 = tpu.memref_squeeze %dma_wait3A_388 : memref<1x200x64xf32, #tpu.memory_space<vmem>> -> memref<200x64xf32, #tpu.memory_space<vmem>>
      %dma_wait3A_390 = arith.constant 0 : i32
      %dma_wait3A_391 = arith.constant 0 : i32
      %dma_wait3A_392 = tpu.memref_slice %arg4[%dma_wait3A_390, %dma_wait3A_391] : memref<1000000x64xf32, #tpu.memory_space<hbm>> -> memref<200x64xf32, #tpu.memory_space<hbm>>
      %dma_wait3A_393 = tpu.memref_slice %arg10[%dma_wait3A_385] : memref<4x!tpu.dma_semaphore, #tpu.memory_space<semaphore_mem>> -> memref<1x!tpu.dma_semaphore, #tpu.memory_space<semaphore_mem>>
      %dma_wait3A_394 = tpu.memref_squeeze %dma_wait3A_393 : memref<1x!tpu.dma_semaphore, #tpu.memory_space<semaphore_mem>> -> memref<!tpu.dma_semaphore, #tpu.memory_space<semaphore_mem>>
      %dma_wait3A_395 = arith.constant 0 : i32
      %dma_wait3A_396 = arith.constant 0 : i32
      %dma_wait3A_397 = tpu.memref_slice %arg8[%dma_wait3A_384, %dma_wait3A_395, %dma_wait3A_396] : memref<4x200x64xf32, #tpu.memory_space<vmem>> -> memref<1x200x64xf32, #tpu.memory_space<vmem>>
      %dma_wait3A_398 = tpu.memref_squeeze %dma_wait3A_397 : memref<1x200x64xf32, #tpu.memory_space<vmem>> -> memref<200x64xf32, #tpu.memory_space<vmem>>
      %dma_wait3A_399 = arith.constant 0 : i32
      %dma_wait3A_400 = arith.constant 0 : i32
      %dma_wait3A_401 = tpu.memref_slice %arg4[%dma_wait3A_399, %dma_wait3A_400] : memref<1000000x64xf32, #tpu.memory_space<hbm>> -> memref<200x64xf32, #tpu.memory_space<hbm>>
      tpu.wait_dma2 semaphore(%dma_wait3A_394 : memref<!tpu.dma_semaphore, #tpu.memory_space<semaphore_mem>>) src(%dma_wait3A_401 : memref<200x64xf32, #tpu.memory_space<hbm>>) dst(%dma_wait3A_398 : memref<200x64xf32, #tpu.memory_space<vmem>>)
      %gt3A = arith.constant 0 : i32
      %gt3A_402 = arith.cmpi sgt, %add3A_381, %gt3A : i32
      %convert_element_type3A = arith.extui %gt3A_402 : i1 to i32
      %cond3A = arith.constant 0 : i32
      %cond3A_403 = arith.cmpi ne, %convert_element_type3A, %cond3A : i32
      scf.if %cond3A_403 {
        %dma_wait3A_572 = arith.constant 0 : i32
        %dma_wait3A_573 = arith.constant 0 : i32
        %dma_wait3A_574 = arith.constant 0 : i32
        %dma_wait3A_575 = arith.constant 0 : i32
        %dma_wait3A_576 = tpu.memref_slice %arg9[%dma_wait3A_572, %dma_wait3A_574, %dma_wait3A_575] : memref<4x100x128xf32, #tpu.memory_space<vmem>> -> memref<1x100x128xf32, #tpu.memory_space<vmem>>
        %dma_wait3A_577 = tpu.memref_squeeze %dma_wait3A_576 : memref<1x100x128xf32, #tpu.memory_space<vmem>> -> memref<100x128xf32, #tpu.memory_space<vmem>>
        %dma_wait3A_578 = arith.constant 0 : i32
        %dma_wait3A_579 = arith.constant 0 : i32
        %dma_wait3A_580 = tpu.memref_slice %arg5[%dma_wait3A_578, %dma_wait3A_579] : memref<102400x128xf32, #tpu.memory_space<hbm>> -> memref<100x128xf32, #tpu.memory_space<hbm>>
        %dma_wait3A_581 = tpu.memref_slice %arg11[%dma_wait3A_573] : memref<4x!tpu.dma_semaphore, #tpu.memory_space<semaphore_mem>> -> memref<1x!tpu.dma_semaphore, #tpu.memory_space<semaphore_mem>>
        %dma_wait3A_582 = tpu.memref_squeeze %dma_wait3A_581 : memref<1x!tpu.dma_semaphore, #tpu.memory_space<semaphore_mem>> -> memref<!tpu.dma_semaphore, #tpu.memory_space<semaphore_mem>>
        %dma_wait3A_583 = arith.constant 0 : i32
        %dma_wait3A_584 = arith.constant 0 : i32
        %dma_wait3A_585 = tpu.memref_slice %arg5[%dma_wait3A_583, %dma_wait3A_584] : memref<102400x128xf32, #tpu.memory_space<hbm>> -> memref<100x128xf32, #tpu.memory_space<hbm>>
        %dma_wait3A_586 = arith.constant 0 : i32
        %dma_wait3A_587 = arith.constant 0 : i32
        %dma_wait3A_588 = tpu.memref_slice %arg9[%dma_wait3A_572, %dma_wait3A_586, %dma_wait3A_587] : memref<4x100x128xf32, #tpu.memory_space<vmem>> -> memref<1x100x128xf32, #tpu.memory_space<vmem>>
        %dma_wait3A_589 = tpu.memref_squeeze %dma_wait3A_588 : memref<1x100x128xf32, #tpu.memory_space<vmem>> -> memref<100x128xf32, #tpu.memory_space<vmem>>
        tpu.wait_dma2 semaphore(%dma_wait3A_582 : memref<!tpu.dma_semaphore, #tpu.memory_space<semaphore_mem>>) src(%dma_wait3A_589 : memref<100x128xf32, #tpu.memory_space<vmem>>) dst(%dma_wait3A_585 : memref<100x128xf32, #tpu.memory_space<hbm>>)
      } else {
      }
      %parallel_loop3A = arith.constant 0 : i32
      %parallel_loop3A_404 = arith.constant 200 : i32
      %parallel_loop3A_405 = arith.constant 1 : i32
      scf.for %parallel_loop3A_572 = %parallel_loop3A to %parallel_loop3A_404 step %parallel_loop3A_405  : i32 {
        %parallel_loop3A_573 = arith.constant 4 : i32
        %parallel_loop3A_574 = arith.muli %parallel_loop3A_572, %parallel_loop3A_573 : i32
        %parallel_loop3A_575 = arith.constant 0 : i32
        %parallel_loop3A_576 = arith.addi %parallel_loop3A_574, %parallel_loop3A_575 : i32
        %parallel_loop3A_577 = arith.constant 0 : i32
        %parallel_loop3A_578 = arith.index_cast %parallel_loop3A_577 : i32 to index
        %parallel_loop3A_579 = arith.index_cast %parallel_loop3A_572 : i32 to index
        %parallel_loop3A_580 = arith.constant 0 : index
        %parallel_loop3A_581 = tpu.vector_load %arg8[%parallel_loop3A_578, %parallel_loop3A_579, %parallel_loop3A_580] {strides = array<i32>} : memref<4x200x64xf32, #tpu.memory_space<vmem>>, vector<1x1x16xf32>,
        %parallel_loop3A_582 = vector.shape_cast %parallel_loop3A_581 : vector<1x1x16xf32> to vector<16xf32>
        %parallel_loop3A_583 = arith.constant 8.000000e+00 : f32
        %parallel_loop3A_584 = vector.broadcast %parallel_loop3A_583 : f32 to vector<16xf32>
        %parallel_loop3A_585 = arith.mulf %parallel_loop3A_582, %parallel_loop3A_584 : vector<16xf32>
        %parallel_loop3A_586 = arith.index_cast %parallel_loop3A_572 : i32 to index
        %parallel_loop3A_587 = arith.constant 0 : index
        %parallel_loop3A_588 = tpu.vector_load %arg7[%parallel_loop3A_586, %parallel_loop3A_587] {strides = array<i32>} : memref<200x64xf32, #tpu.memory_space<vmem>>, vector<1x16xf32>,
        %parallel_loop3A_589 = vector.shape_cast %parallel_loop3A_588 : vector<1x16xf32> to vector<16xf32>
        %parallel_loop3A_590 = arith.addf %parallel_loop3A_585, %parallel_loop3A_589 : vector<16xf32>
        %parallel_loop3A_591 = arith.constant 3 : i32
        %parallel_loop3A_592 = arith.shrsi %parallel_loop3A_576, %parallel_loop3A_591 : i32
        %parallel_loop3A_593 = arith.constant 7 : i32
        %parallel_loop3A_594 = arith.andi %parallel_loop3A_576, %parallel_loop3A_593 : i32
        %parallel_loop3A_595 = arith.constant 16 : i32
        %parallel_loop3A_596 = arith.muli %parallel_loop3A_594, %parallel_loop3A_595 : i32
        %parallel_loop3A_597 = arith.constant 0 : i32
        %parallel_loop3A_598 = arith.index_cast %parallel_loop3A_597 : i32 to index
        %parallel_loop3A_599 = arith.index_cast %parallel_loop3A_592 : i32 to index
        %parallel_loop3A_600 = arith.index_cast %parallel_loop3A_596 : i32 to index
        %parallel_loop3A_601 = tpu.vector_load %arg9[%parallel_loop3A_598, %parallel_loop3A_599, %parallel_loop3A_600] {strides = array<i32>} : memref<4x100x128xf32, #tpu.memory_space<vmem>>, vector<1x1x16xf32>,
        %parallel_loop3A_602 = vector.shape_cast %parallel_loop3A_601 : vector<1x1x16xf32> to vector<16xf32>
        %parallel_loop3A_603 = vector.shape_cast %parallel_loop3A_590 : vector<16xf32> to vector<1x1x16xf32>
        tpu.vector_store %arg9[%parallel_loop3A_598, %parallel_loop3A_599, %parallel_loop3A_600], %parallel_loop3A_603 {strides = array<i32>} : memref<4x100x128xf32, #tpu.memory_space<vmem>>, vector<1x1x16xf32>,
        %parallel_loop3A_604 = arith.constant 4 : i32
        %parallel_loop3A_605 = arith.muli %parallel_loop3A_572, %parallel_loop3A_604 : i32
        %parallel_loop3A_606 = arith.constant 1 : i32
        %parallel_loop3A_607 = arith.addi %parallel_loop3A_605, %parallel_loop3A_606 : i32
        %parallel_loop3A_608 = arith.constant 0 : i32
        %parallel_loop3A_609 = arith.index_cast %parallel_loop3A_608 : i32 to index
        %parallel_loop3A_610 = arith.index_cast %parallel_loop3A_572 : i32 to index
        %parallel_loop3A_611 = arith.constant 16 : index
        %parallel_loop3A_612 = tpu.vector_load %arg8[%parallel_loop3A_609, %parallel_loop3A_610, %parallel_loop3A_611] {strides = array<i32>} : memref<4x200x64xf32, #tpu.memory_space<vmem>>, vector<1x1x16xf32>,
        %parallel_loop3A_613 = vector.shape_cast %parallel_loop3A_612 : vector<1x1x16xf32> to vector<16xf32>
        %parallel_loop3A_614 = arith.constant 8.000000e+00 : f32
        %parallel_loop3A_615 = vector.broadcast %parallel_loop3A_614 : f32 to vector<16xf32>
        %parallel_loop3A_616 = arith.mulf %parallel_loop3A_613, %parallel_loop3A_615 : vector<16xf32>
        %parallel_loop3A_617 = arith.index_cast %parallel_loop3A_572 : i32 to index
        %parallel_loop3A_618 = arith.constant 16 : index
        %parallel_loop3A_619 = tpu.vector_load %arg7[%parallel_loop3A_617, %parallel_loop3A_618] {strides = array<i32>} : memref<200x64xf32, #tpu.memory_space<vmem>>, vector<1x16xf32>,
        %parallel_loop3A_620 = vector.shape_cast %parallel_loop3A_619 : vector<1x16xf32> to vector<16xf32>
        %parallel_loop3A_621 = arith.addf %parallel_loop3A_616, %parallel_loop3A_620 : vector<16xf32>
        %parallel_loop3A_622 = arith.constant 3 : i32
        %parallel_loop3A_623 = arith.shrsi %parallel_loop3A_607, %parallel_loop3A_622 : i32
        %parallel_loop3A_624 = arith.constant 7 : i32
        %parallel_loop3A_625 = arith.andi %parallel_loop3A_607, %parallel_loop3A_624 : i32
        %parallel_loop3A_626 = arith.constant 16 : i32
        %parallel_loop3A_627 = arith.muli %parallel_loop3A_625, %parallel_loop3A_626 : i32
        %parallel_loop3A_628 = arith.constant 0 : i32
        %parallel_loop3A_629 = arith.index_cast %parallel_loop3A_628 : i32 to index
        %parallel_loop3A_630 = arith.index_cast %parallel_loop3A_623 : i32 to index
        %parallel_loop3A_631 = arith.index_cast %parallel_loop3A_627 : i32 to index
        %parallel_loop3A_632 = tpu.vector_load %arg9[%parallel_loop3A_629, %parallel_loop3A_630, %parallel_loop3A_631] {strides = array<i32>} : memref<4x100x128xf32, #tpu.memory_space<vmem>>, vector<1x1x16xf32>,
        %parallel_loop3A_633 = vector.shape_cast %parallel_loop3A_632 : vector<1x1x16xf32> to vector<16xf32>
        %parallel_loop3A_634 = vector.shape_cast %parallel_loop3A_621 : vector<16xf32> to vector<1x1x16xf32>
        tpu.vector_store %arg9[%parallel_loop3A_629, %parallel_loop3A_630, %parallel_loop3A_631], %parallel_loop3A_634 {strides = array<i32>} : memref<4x100x128xf32, #tpu.memory_space<vmem>>, vector<1x1x16xf32>,
        %parallel_loop3A_635 = arith.constant 4 : i32
        %parallel_loop3A_636 = arith.muli %parallel_loop3A_572, %parallel_loop3A_635 : i32
        %parallel_loop3A_637 = arith.constant 2 : i32
        %parallel_loop3A_638 = arith.addi %parallel_loop3A_636, %parallel_loop3A_637 : i32
        %parallel_loop3A_639 = arith.constant 0 : i32
        %parallel_loop3A_640 = arith.index_cast %parallel_loop3A_639 : i32 to index
        %parallel_loop3A_641 = arith.index_cast %parallel_loop3A_572 : i32 to index
        %parallel_loop3A_642 = arith.constant 32 : index
        %parallel_loop3A_643 = tpu.vector_load %arg8[%parallel_loop3A_640, %parallel_loop3A_641, %parallel_loop3A_642] {strides = array<i32>} : memref<4x200x64xf32, #tpu.memory_space<vmem>>, vector<1x1x16xf32>,
        %parallel_loop3A_644 = vector.shape_cast %parallel_loop3A_643 : vector<1x1x16xf32> to vector<16xf32>
        %parallel_loop3A_645 = arith.constant 8.000000e+00 : f32
        %parallel_loop3A_646 = vector.broadcast %parallel_loop3A_645 : f32 to vector<16xf32>
        %parallel_loop3A_647 = arith.mulf %parallel_loop3A_644, %parallel_loop3A_646 : vector<16xf32>
        %parallel_loop3A_648 = arith.index_cast %parallel_loop3A_572 : i32 to index
        %parallel_loop3A_649 = arith.constant 32 : index
        %parallel_loop3A_650 = tpu.vector_load %arg7[%parallel_loop3A_648, %parallel_loop3A_649] {strides = array<i32>} : memref<200x64xf32, #tpu.memory_space<vmem>>, vector<1x16xf32>,
        %parallel_loop3A_651 = vector.shape_cast %parallel_loop3A_650 : vector<1x16xf32> to vector<16xf32>
        %parallel_loop3A_652 = arith.addf %parallel_loop3A_647, %parallel_loop3A_651 : vector<16xf32>
        %parallel_loop3A_653 = arith.constant 3 : i32
        %parallel_loop3A_654 = arith.shrsi %parallel_loop3A_638, %parallel_loop3A_653 : i32
        %parallel_loop3A_655 = arith.constant 7 : i32
        %parallel_loop3A_656 = arith.andi %parallel_loop3A_638, %parallel_loop3A_655 : i32
        %parallel_loop3A_657 = arith.constant 16 : i32
        %parallel_loop3A_658 = arith.muli %parallel_loop3A_656, %parallel_loop3A_657 : i32
        %parallel_loop3A_659 = arith.constant 0 : i32
        %parallel_loop3A_660 = arith.index_cast %parallel_loop3A_659 : i32 to index
        %parallel_loop3A_661 = arith.index_cast %parallel_loop3A_654 : i32 to index
        %parallel_loop3A_662 = arith.index_cast %parallel_loop3A_658 : i32 to index
        %parallel_loop3A_663 = tpu.vector_load %arg9[%parallel_loop3A_660, %parallel_loop3A_661, %parallel_loop3A_662] {strides = array<i32>} : memref<4x100x128xf32, #tpu.memory_space<vmem>>, vector<1x1x16xf32>,
        %parallel_loop3A_664 = vector.shape_cast %parallel_loop3A_663 : vector<1x1x16xf32> to vector<16xf32>
        %parallel_loop3A_665 = vector.shape_cast %parallel_loop3A_652 : vector<16xf32> to vector<1x1x16xf32>
        tpu.vector_store %arg9[%parallel_loop3A_660, %parallel_loop3A_661, %parallel_loop3A_662], %parallel_loop3A_665 {strides = array<i32>} : memref<4x100x128xf32, #tpu.memory_space<vmem>>, vector<1x1x16xf32>,
        %parallel_loop3A_666 = arith.constant 4 : i32
        %parallel_loop3A_667 = arith.muli %parallel_loop3A_572, %parallel_loop3A_666 : i32
        %parallel_loop3A_668 = arith.constant 3 : i32
        %parallel_loop3A_669 = arith.addi %parallel_loop3A_667, %parallel_loop3A_668 : i32
        %parallel_loop3A_670 = arith.constant 0 : i32
        %parallel_loop3A_671 = arith.index_cast %parallel_loop3A_670 : i32 to index
        %parallel_loop3A_672 = arith.index_cast %parallel_loop3A_572 : i32 to index
        %parallel_loop3A_673 = arith.constant 48 : index
        %parallel_loop3A_674 = tpu.vector_load %arg8[%parallel_loop3A_671, %parallel_loop3A_672, %parallel_loop3A_673] {strides = array<i32>} : memref<4x200x64xf32, #tpu.memory_space<vmem>>, vector<1x1x16xf32>,
        %parallel_loop3A_675 = vector.shape_cast %parallel_loop3A_674 : vector<1x1x16xf32> to vector<16xf32>
        %parallel_loop3A_676 = arith.constant 8.000000e+00 : f32
        %parallel_loop3A_677 = vector.broadcast %parallel_loop3A_676 : f32 to vector<16xf32>
        %parallel_loop3A_678 = arith.mulf %parallel_loop3A_675, %parallel_loop3A_677 : vector<16xf32>
        %parallel_loop3A_679 = arith.index_cast %parallel_loop3A_572 : i32 to index
        %parallel_loop3A_680 = arith.constant 48 : index
        %parallel_loop3A_681 = tpu.vector_load %arg7[%parallel_loop3A_679, %parallel_loop3A_680] {strides = array<i32>} : memref<200x64xf32, #tpu.memory_space<vmem>>, vector<1x16xf32>,
        %parallel_loop3A_682 = vector.shape_cast %parallel_loop3A_681 : vector<1x16xf32> to vector<16xf32>
        %parallel_loop3A_683 = arith.addf %parallel_loop3A_678, %parallel_loop3A_682 : vector<16xf32>
        %parallel_loop3A_684 = arith.constant 3 : i32
        %parallel_loop3A_685 = arith.shrsi %parallel_loop3A_669, %parallel_loop3A_684 : i32
        %parallel_loop3A_686 = arith.constant 7 : i32
        %parallel_loop3A_687 = arith.andi %parallel_loop3A_669, %parallel_loop3A_686 : i32
        %parallel_loop3A_688 = arith.constant 16 : i32
        %parallel_loop3A_689 = arith.muli %parallel_loop3A_687, %parallel_loop3A_688 : i32
        %parallel_loop3A_690 = arith.constant 0 : i32
        %parallel_loop3A_691 = arith.index_cast %parallel_loop3A_690 : i32 to index
        %parallel_loop3A_692 = arith.index_cast %parallel_loop3A_685 : i32 to index
        %parallel_loop3A_693 = arith.index_cast %parallel_loop3A_689 : i32 to index
        %parallel_loop3A_694 = tpu.vector_load %arg9[%parallel_loop3A_691, %parallel_loop3A_692, %parallel_loop3A_693] {strides = array<i32>} : memref<4x100x128xf32, #tpu.memory_space<vmem>>, vector<1x1x16xf32>,
        %parallel_loop3A_695 = vector.shape_cast %parallel_loop3A_694 : vector<1x1x16xf32> to vector<16xf32>
        %parallel_loop3A_696 = vector.shape_cast %parallel_loop3A_683 : vector<16xf32> to vector<1x1x16xf32>
        tpu.vector_store %arg9[%parallel_loop3A_691, %parallel_loop3A_692, %parallel_loop3A_693], %parallel_loop3A_696 {strides = array<i32>} : memref<4x100x128xf32, #tpu.memory_space<vmem>>, vector<1x1x16xf32>,
      } {sc.loop_unroll_factor = 8 : i64, sc.parallel_access}
      %add3A_406 = arith.constant 0 : i32
      %add3A_407 = arith.addi %mul3A_383, %add3A_406 : i32
      %add3A_408 = arith.addi %mul3A_2, %add3A_407 : i32
      %mul3A_409 = arith.constant 100 : i32
      %mul3A_410 = arith.muli %add3A_408, %mul3A_409 : i32
      %dma_start3A_411 = arith.constant 0 : i32
      %dma_start3A_412 = arith.constant 0 : i32
      %dma_start3A_413 = arith.constant 0 : i32
      %dma_start3A_414 = arith.constant 0 : i32
      %dma_start3A_415 = tpu.memref_slice %arg9[%dma_start3A_411, %dma_start3A_413, %dma_start3A_414] : memref<4x100x128xf32, #tpu.memory_space<vmem>> -> memref<1x100x128xf32, #tpu.memory_space<vmem>>
      %dma_start3A_416 = tpu.memref_squeeze %dma_start3A_415 : memref<1x100x128xf32, #tpu.memory_space<vmem>> -> memref<100x128xf32, #tpu.memory_space<vmem>>
      %dma_start3A_417 = arith.constant 0 : i32
      %dma_start3A_418 = tpu.memref_slice %arg5[%mul3A_410, %dma_start3A_417] : memref<102400x128xf32, #tpu.memory_space<hbm>> -> memref<100x128xf32, #tpu.memory_space<hbm>>
      %dma_start3A_419 = tpu.memref_slice %arg11[%dma_start3A_412] : memref<4x!tpu.dma_semaphore, #tpu.memory_space<semaphore_mem>> -> memref<1x!tpu.dma_semaphore, #tpu.memory_space<semaphore_mem>>
      %dma_start3A_420 = tpu.memref_squeeze %dma_start3A_419 : memref<1x!tpu.dma_semaphore, #tpu.memory_space<semaphore_mem>> -> memref<!tpu.dma_semaphore, #tpu.memory_space<semaphore_mem>>
      %dma_start3A_421 = arith.constant 0 : i32
      %dma_start3A_422 = tpu.memref_slice %arg5[%mul3A_410, %dma_start3A_421] : memref<102400x128xf32, #tpu.memory_space<hbm>> -> memref<100x128xf32, #tpu.memory_space<hbm>>
      %dma_start3A_423 = arith.constant 0 : i32
      %dma_start3A_424 = arith.constant 0 : i32
      %dma_start3A_425 = tpu.memref_slice %arg9[%dma_start3A_411, %dma_start3A_423, %dma_start3A_424] : memref<4x100x128xf32, #tpu.memory_space<vmem>> -> memref<1x100x128xf32, #tpu.memory_space<vmem>>
      %dma_start3A_426 = tpu.memref_squeeze %dma_start3A_425 : memref<1x100x128xf32, #tpu.memory_space<vmem>> -> memref<100x128xf32, #tpu.memory_space<vmem>>
      tpu.enqueue_dma source(%dma_start3A_426 : memref<100x128xf32, #tpu.memory_space<vmem>>) target(%dma_start3A_422 : memref<100x128xf32, #tpu.memory_space<hbm>>) target_semaphore(%dma_start3A_420 : memref<!tpu.dma_semaphore, #tpu.memory_space<semaphore_mem>>)
      %dma_wait3A_427 = arith.constant 1 : i32
      %dma_wait3A_428 = arith.constant 1 : i32
      %dma_wait3A_429 = arith.constant 0 : i32
      %dma_wait3A_430 = arith.constant 0 : i32
      %dma_wait3A_431 = tpu.memref_slice %arg8[%dma_wait3A_427, %dma_wait3A_429, %dma_wait3A_430] : memref<4x200x64xf32, #tpu.memory_space<vmem>> -> memref<1x200x64xf32, #tpu.memory_space<vmem>>
      %dma_wait3A_432 = tpu.memref_squeeze %dma_wait3A_431 : memref<1x200x64xf32, #tpu.memory_space<vmem>> -> memref<200x64xf32, #tpu.memory_space<vmem>>
      %dma_wait3A_433 = arith.constant 0 : i32
      %dma_wait3A_434 = arith.constant 0 : i32
      %dma_wait3A_435 = tpu.memref_slice %arg4[%dma_wait3A_433, %dma_wait3A_434] : memref<1000000x64xf32, #tpu.memory_space<hbm>> -> memref<200x64xf32, #tpu.memory_space<hbm>>
      %dma_wait3A_436 = tpu.memref_slice %arg10[%dma_wait3A_428] : memref<4x!tpu.dma_semaphore, #tpu.memory_space<semaphore_mem>> -> memref<1x!tpu.dma_semaphore, #tpu.memory_space<semaphore_mem>>
      %dma_wait3A_437 = tpu.memref_squeeze %dma_wait3A_436 : memref<1x!tpu.dma_semaphore, #tpu.memory_space<semaphore_mem>> -> memref<!tpu.dma_semaphore, #tpu.memory_space<semaphore_mem>>
      %dma_wait3A_438 = arith.constant 0 : i32
      %dma_wait3A_439 = arith.constant 0 : i32
      %dma_wait3A_440 = tpu.memref_slice %arg8[%dma_wait3A_427, %dma_wait3A_438, %dma_wait3A_439] : memref<4x200x64xf32, #tpu.memory_space<vmem>> -> memref<1x200x64xf32, #tpu.memory_space<vmem>>
      %dma_wait3A_441 = tpu.memref_squeeze %dma_wait3A_440 : memref<1x200x64xf32, #tpu.memory_space<vmem>> -> memref<200x64xf32, #tpu.memory_space<vmem>>
      %dma_wait3A_442 = arith.constant 0 : i32
      %dma_wait3A_443 = arith.constant 0 : i32
      %dma_wait3A_444 = tpu.memref_slice %arg4[%dma_wait3A_442, %dma_wait3A_443] : memref<1000000x64xf32, #tpu.memory_space<hbm>> -> memref<200x64xf32, #tpu.memory_space<hbm>>
      tpu.wait_dma2 semaphore(%dma_wait3A_437 : memref<!tpu.dma_semaphore, #tpu.memory_space<semaphore_mem>>) src(%dma_wait3A_444 : memref<200x64xf32, #tpu.memory_space<hbm>>) dst(%dma_wait3A_441 : memref<200x64xf32, #tpu.memory_space<vmem>>)
      %gt3A_445 = arith.constant 0 : i32
      %gt3A_446 = arith.cmpi sgt, %add3A_381, %gt3A_445 : i32
      %convert_element_type3A_447 = arith.extui %gt3A_446 : i1 to i32
      %cond3A_448 = arith.constant 0 : i32
      %cond3A_449 = arith.cmpi ne, %convert_element_type3A_447, %cond3A_448 : i32
      scf.if %cond3A_449 {
        %dma_wait3A_572 = arith.constant 1 : i32
        %dma_wait3A_573 = arith.constant 1 : i32
        %dma_wait3A_574 = arith.constant 0 : i32
        %dma_wait3A_575 = arith.constant 0 : i32
        %dma_wait3A_576 = tpu.memref_slice %arg9[%dma_wait3A_572, %dma_wait3A_574, %dma_wait3A_575] : memref<4x100x128xf32, #tpu.memory_space<vmem>> -> memref<1x100x128xf32, #tpu.memory_space<vmem>>
        %dma_wait3A_577 = tpu.memref_squeeze %dma_wait3A_576 : memref<1x100x128xf32, #tpu.memory_space<vmem>> -> memref<100x128xf32, #tpu.memory_space<vmem>>
        %dma_wait3A_578 = arith.constant 0 : i32
        %dma_wait3A_579 = arith.constant 0 : i32
        %dma_wait3A_580 = tpu.memref_slice %arg5[%dma_wait3A_578, %dma_wait3A_579] : memref<102400x128xf32, #tpu.memory_space<hbm>> -> memref<100x128xf32, #tpu.memory_space<hbm>>
        %dma_wait3A_581 = tpu.memref_slice %arg11[%dma_wait3A_573] : memref<4x!tpu.dma_semaphore, #tpu.memory_space<semaphore_mem>> -> memref<1x!tpu.dma_semaphore, #tpu.memory_space<semaphore_mem>>
        %dma_wait3A_582 = tpu.memref_squeeze %dma_wait3A_581 : memref<1x!tpu.dma_semaphore, #tpu.memory_space<semaphore_mem>> -> memref<!tpu.dma_semaphore, #tpu.memory_space<semaphore_mem>>
        %dma_wait3A_583 = arith.constant 0 : i32
        %dma_wait3A_584 = arith.constant 0 : i32
        %dma_wait3A_585 = tpu.memref_slice %arg5[%dma_wait3A_583, %dma_wait3A_584] : memref<102400x128xf32, #tpu.memory_space<hbm>> -> memref<100x128xf32, #tpu.memory_space<hbm>>
        %dma_wait3A_586 = arith.constant 0 : i32
        %dma_wait3A_587 = arith.constant 0 : i32
        %dma_wait3A_588 = tpu.memref_slice %arg9[%dma_wait3A_572, %dma_wait3A_586, %dma_wait3A_587] : memref<4x100x128xf32, #tpu.memory_space<vmem>> -> memref<1x100x128xf32, #tpu.memory_space<vmem>>
        %dma_wait3A_589 = tpu.memref_squeeze %dma_wait3A_588 : memref<1x100x128xf32, #tpu.memory_space<vmem>> -> memref<100x128xf32, #tpu.memory_space<vmem>>
        tpu.wait_dma2 semaphore(%dma_wait3A_582 : memref<!tpu.dma_semaphore, #tpu.memory_space<semaphore_mem>>) src(%dma_wait3A_589 : memref<100x128xf32, #tpu.memory_space<vmem>>) dst(%dma_wait3A_585 : memref<100x128xf32, #tpu.memory_space<hbm>>)
      } else {
      }
      %parallel_loop3A_450 = arith.constant 0 : i32
      %parallel_loop3A_451 = arith.constant 200 : i32
      %parallel_loop3A_452 = arith.constant 1 : i32
      scf.for %parallel_loop3A_572 = %parallel_loop3A_450 to %parallel_loop3A_451 step %parallel_loop3A_452  : i32 {
        %parallel_loop3A_573 = arith.constant 4 : i32
        %parallel_loop3A_574 = arith.muli %parallel_loop3A_572, %parallel_loop3A_573 : i32
        %parallel_loop3A_575 = arith.constant 0 : i32
        %parallel_loop3A_576 = arith.addi %parallel_loop3A_574, %parallel_loop3A_575 : i32
        %parallel_loop3A_577 = arith.constant 1 : i32
        %parallel_loop3A_578 = arith.index_cast %parallel_loop3A_577 : i32 to index
        %parallel_loop3A_579 = arith.index_cast %parallel_loop3A_572 : i32 to index
        %parallel_loop3A_580 = arith.constant 0 : index
        %parallel_loop3A_581 = tpu.vector_load %arg8[%parallel_loop3A_578, %parallel_loop3A_579, %parallel_loop3A_580] {strides = array<i32>} : memref<4x200x64xf32, #tpu.memory_space<vmem>>, vector<1x1x16xf32>,
        %parallel_loop3A_582 = vector.shape_cast %parallel_loop3A_581 : vector<1x1x16xf32> to vector<16xf32>
        %parallel_loop3A_583 = arith.constant 8.000000e+00 : f32
        %parallel_loop3A_584 = vector.broadcast %parallel_loop3A_583 : f32 to vector<16xf32>
        %parallel_loop3A_585 = arith.mulf %parallel_loop3A_582, %parallel_loop3A_584 : vector<16xf32>
        %parallel_loop3A_586 = arith.index_cast %parallel_loop3A_572 : i32 to index
        %parallel_loop3A_587 = arith.constant 0 : index
        %parallel_loop3A_588 = tpu.vector_load %arg7[%parallel_loop3A_586, %parallel_loop3A_587] {strides = array<i32>} : memref<200x64xf32, #tpu.memory_space<vmem>>, vector<1x16xf32>,
        %parallel_loop3A_589 = vector.shape_cast %parallel_loop3A_588 : vector<1x16xf32> to vector<16xf32>
        %parallel_loop3A_590 = arith.addf %parallel_loop3A_585, %parallel_loop3A_589 : vector<16xf32>
        %parallel_loop3A_591 = arith.constant 3 : i32
        %parallel_loop3A_592 = arith.shrsi %parallel_loop3A_576, %parallel_loop3A_591 : i32
        %parallel_loop3A_593 = arith.constant 7 : i32
        %parallel_loop3A_594 = arith.andi %parallel_loop3A_576, %parallel_loop3A_593 : i32
        %parallel_loop3A_595 = arith.constant 16 : i32
        %parallel_loop3A_596 = arith.muli %parallel_loop3A_594, %parallel_loop3A_595 : i32
        %parallel_loop3A_597 = arith.constant 1 : i32
        %parallel_loop3A_598 = arith.index_cast %parallel_loop3A_597 : i32 to index
        %parallel_loop3A_599 = arith.index_cast %parallel_loop3A_592 : i32 to index
        %parallel_loop3A_600 = arith.index_cast %parallel_loop3A_596 : i32 to index
        %parallel_loop3A_601 = tpu.vector_load %arg9[%parallel_loop3A_598, %parallel_loop3A_599, %parallel_loop3A_600] {strides = array<i32>} : memref<4x100x128xf32, #tpu.memory_space<vmem>>, vector<1x1x16xf32>,
        %parallel_loop3A_602 = vector.shape_cast %parallel_loop3A_601 : vector<1x1x16xf32> to vector<16xf32>
        %parallel_loop3A_603 = vector.shape_cast %parallel_loop3A_590 : vector<16xf32> to vector<1x1x16xf32>
        tpu.vector_store %arg9[%parallel_loop3A_598, %parallel_loop3A_599, %parallel_loop3A_600], %parallel_loop3A_603 {strides = array<i32>} : memref<4x100x128xf32, #tpu.memory_space<vmem>>, vector<1x1x16xf32>,
        %parallel_loop3A_604 = arith.constant 4 : i32
        %parallel_loop3A_605 = arith.muli %parallel_loop3A_572, %parallel_loop3A_604 : i32
        %parallel_loop3A_606 = arith.constant 1 : i32
        %parallel_loop3A_607 = arith.addi %parallel_loop3A_605, %parallel_loop3A_606 : i32
        %parallel_loop3A_608 = arith.constant 1 : i32
        %parallel_loop3A_609 = arith.index_cast %parallel_loop3A_608 : i32 to index
        %parallel_loop3A_610 = arith.index_cast %parallel_loop3A_572 : i32 to index
        %parallel_loop3A_611 = arith.constant 16 : index
        %parallel_loop3A_612 = tpu.vector_load %arg8[%parallel_loop3A_609, %parallel_loop3A_610, %parallel_loop3A_611] {strides = array<i32>} : memref<4x200x64xf32, #tpu.memory_space<vmem>>, vector<1x1x16xf32>,
        %parallel_loop3A_613 = vector.shape_cast %parallel_loop3A_612 : vector<1x1x16xf32> to vector<16xf32>
        %parallel_loop3A_614 = arith.constant 8.000000e+00 : f32
        %parallel_loop3A_615 = vector.broadcast %parallel_loop3A_614 : f32 to vector<16xf32>
        %parallel_loop3A_616 = arith.mulf %parallel_loop3A_613, %parallel_loop3A_615 : vector<16xf32>
        %parallel_loop3A_617 = arith.index_cast %parallel_loop3A_572 : i32 to index
        %parallel_loop3A_618 = arith.constant 16 : index
        %parallel_loop3A_619 = tpu.vector_load %arg7[%parallel_loop3A_617, %parallel_loop3A_618] {strides = array<i32>} : memref<200x64xf32, #tpu.memory_space<vmem>>, vector<1x16xf32>,
        %parallel_loop3A_620 = vector.shape_cast %parallel_loop3A_619 : vector<1x16xf32> to vector<16xf32>
        %parallel_loop3A_621 = arith.addf %parallel_loop3A_616, %parallel_loop3A_620 : vector<16xf32>
        %parallel_loop3A_622 = arith.constant 3 : i32
        %parallel_loop3A_623 = arith.shrsi %parallel_loop3A_607, %parallel_loop3A_622 : i32
        %parallel_loop3A_624 = arith.constant 7 : i32
        %parallel_loop3A_625 = arith.andi %parallel_loop3A_607, %parallel_loop3A_624 : i32
        %parallel_loop3A_626 = arith.constant 16 : i32
        %parallel_loop3A_627 = arith.muli %parallel_loop3A_625, %parallel_loop3A_626 : i32
        %parallel_loop3A_628 = arith.constant 1 : i32
        %parallel_loop3A_629 = arith.index_cast %parallel_loop3A_628 : i32 to index
        %parallel_loop3A_630 = arith.index_cast %parallel_loop3A_623 : i32 to index
        %parallel_loop3A_631 = arith.index_cast %parallel_loop3A_627 : i32 to index
        %parallel_loop3A_632 = tpu.vector_load %arg9[%parallel_loop3A_629, %parallel_loop3A_630, %parallel_loop3A_631] {strides = array<i32>} : memref<4x100x128xf32, #tpu.memory_space<vmem>>, vector<1x1x16xf32>,
        %parallel_loop3A_633 = vector.shape_cast %parallel_loop3A_632 : vector<1x1x16xf32> to vector<16xf32>
        %parallel_loop3A_634 = vector.shape_cast %parallel_loop3A_621 : vector<16xf32> to vector<1x1x16xf32>
        tpu.vector_store %arg9[%parallel_loop3A_629, %parallel_loop3A_630, %parallel_loop3A_631], %parallel_loop3A_634 {strides = array<i32>} : memref<4x100x128xf32, #tpu.memory_space<vmem>>, vector<1x1x16xf32>,
        %parallel_loop3A_635 = arith.constant 4 : i32
        %parallel_loop3A_636 = arith.muli %parallel_loop3A_572, %parallel_loop3A_635 : i32
        %parallel_loop3A_637 = arith.constant 2 : i32
        %parallel_loop3A_638 = arith.addi %parallel_loop3A_636, %parallel_loop3A_637 : i32
        %parallel_loop3A_639 = arith.constant 1 : i32
        %parallel_loop3A_640 = arith.index_cast %parallel_loop3A_639 : i32 to index
        %parallel_loop3A_641 = arith.index_cast %parallel_loop3A_572 : i32 to index
        %parallel_loop3A_642 = arith.constant 32 : index
        %parallel_loop3A_643 = tpu.vector_load %arg8[%parallel_loop3A_640, %parallel_loop3A_641, %parallel_loop3A_642] {strides = array<i32>} : memref<4x200x64xf32, #tpu.memory_space<vmem>>, vector<1x1x16xf32>,
        %parallel_loop3A_644 = vector.shape_cast %parallel_loop3A_643 : vector<1x1x16xf32> to vector<16xf32>
        %parallel_loop3A_645 = arith.constant 8.000000e+00 : f32
        %parallel_loop3A_646 = vector.broadcast %parallel_loop3A_645 : f32 to vector<16xf32>
        %parallel_loop3A_647 = arith.mulf %parallel_loop3A_644, %parallel_loop3A_646 : vector<16xf32>
        %parallel_loop3A_648 = arith.index_cast %parallel_loop3A_572 : i32 to index
        %parallel_loop3A_649 = arith.constant 32 : index
        %parallel_loop3A_650 = tpu.vector_load %arg7[%parallel_loop3A_648, %parallel_loop3A_649] {strides = array<i32>} : memref<200x64xf32, #tpu.memory_space<vmem>>, vector<1x16xf32>,
        %parallel_loop3A_651 = vector.shape_cast %parallel_loop3A_650 : vector<1x16xf32> to vector<16xf32>
        %parallel_loop3A_652 = arith.addf %parallel_loop3A_647, %parallel_loop3A_651 : vector<16xf32>
        %parallel_loop3A_653 = arith.constant 3 : i32
        %parallel_loop3A_654 = arith.shrsi %parallel_loop3A_638, %parallel_loop3A_653 : i32
        %parallel_loop3A_655 = arith.constant 7 : i32
        %parallel_loop3A_656 = arith.andi %parallel_loop3A_638, %parallel_loop3A_655 : i32
        %parallel_loop3A_657 = arith.constant 16 : i32
        %parallel_loop3A_658 = arith.muli %parallel_loop3A_656, %parallel_loop3A_657 : i32
        %parallel_loop3A_659 = arith.constant 1 : i32
        %parallel_loop3A_660 = arith.index_cast %parallel_loop3A_659 : i32 to index
        %parallel_loop3A_661 = arith.index_cast %parallel_loop3A_654 : i32 to index
        %parallel_loop3A_662 = arith.index_cast %parallel_loop3A_658 : i32 to index
        %parallel_loop3A_663 = tpu.vector_load %arg9[%parallel_loop3A_660, %parallel_loop3A_661, %parallel_loop3A_662] {strides = array<i32>} : memref<4x100x128xf32, #tpu.memory_space<vmem>>, vector<1x1x16xf32>,
        %parallel_loop3A_664 = vector.shape_cast %parallel_loop3A_663 : vector<1x1x16xf32> to vector<16xf32>
        %parallel_loop3A_665 = vector.shape_cast %parallel_loop3A_652 : vector<16xf32> to vector<1x1x16xf32>
        tpu.vector_store %arg9[%parallel_loop3A_660, %parallel_loop3A_661, %parallel_loop3A_662], %parallel_loop3A_665 {strides = array<i32>} : memref<4x100x128xf32, #tpu.memory_space<vmem>>, vector<1x1x16xf32>,
        %parallel_loop3A_666 = arith.constant 4 : i32
        %parallel_loop3A_667 = arith.muli %parallel_loop3A_572, %parallel_loop3A_666 : i32
        %parallel_loop3A_668 = arith.constant 3 : i32
        %parallel_loop3A_669 = arith.addi %parallel_loop3A_667, %parallel_loop3A_668 : i32
        %parallel_loop3A_670 = arith.constant 1 : i32
        %parallel_loop3A_671 = arith.index_cast %parallel_loop3A_670 : i32 to index
        %parallel_loop3A_672 = arith.index_cast %parallel_loop3A_572 : i32 to index
        %parallel_loop3A_673 = arith.constant 48 : index
        %parallel_loop3A_674 = tpu.vector_load %arg8[%parallel_loop3A_671, %parallel_loop3A_672, %parallel_loop3A_673] {strides = array<i32>} : memref<4x200x64xf32, #tpu.memory_space<vmem>>, vector<1x1x16xf32>,
        %parallel_loop3A_675 = vector.shape_cast %parallel_loop3A_674 : vector<1x1x16xf32> to vector<16xf32>
        %parallel_loop3A_676 = arith.constant 8.000000e+00 : f32
        %parallel_loop3A_677 = vector.broadcast %parallel_loop3A_676 : f32 to vector<16xf32>
        %parallel_loop3A_678 = arith.mulf %parallel_loop3A_675, %parallel_loop3A_677 : vector<16xf32>
        %parallel_loop3A_679 = arith.index_cast %parallel_loop3A_572 : i32 to index
        %parallel_loop3A_680 = arith.constant 48 : index
        %parallel_loop3A_681 = tpu.vector_load %arg7[%parallel_loop3A_679, %parallel_loop3A_680] {strides = array<i32>} : memref<200x64xf32, #tpu.memory_space<vmem>>, vector<1x16xf32>,
        %parallel_loop3A_682 = vector.shape_cast %parallel_loop3A_681 : vector<1x16xf32> to vector<16xf32>
        %parallel_loop3A_683 = arith.addf %parallel_loop3A_678, %parallel_loop3A_682 : vector<16xf32>
        %parallel_loop3A_684 = arith.constant 3 : i32
        %parallel_loop3A_685 = arith.shrsi %parallel_loop3A_669, %parallel_loop3A_684 : i32
        %parallel_loop3A_686 = arith.constant 7 : i32
        %parallel_loop3A_687 = arith.andi %parallel_loop3A_669, %parallel_loop3A_686 : i32
        %parallel_loop3A_688 = arith.constant 16 : i32
        %parallel_loop3A_689 = arith.muli %parallel_loop3A_687, %parallel_loop3A_688 : i32
        %parallel_loop3A_690 = arith.constant 1 : i32
        %parallel_loop3A_691 = arith.index_cast %parallel_loop3A_690 : i32 to index
        %parallel_loop3A_692 = arith.index_cast %parallel_loop3A_685 : i32 to index
        %parallel_loop3A_693 = arith.index_cast %parallel_loop3A_689 : i32 to index
        %parallel_loop3A_694 = tpu.vector_load %arg9[%parallel_loop3A_691, %parallel_loop3A_692, %parallel_loop3A_693] {strides = array<i32>} : memref<4x100x128xf32, #tpu.memory_space<vmem>>, vector<1x1x16xf32>,
        %parallel_loop3A_695 = vector.shape_cast %parallel_loop3A_694 : vector<1x1x16xf32> to vector<16xf32>
        %parallel_loop3A_696 = vector.shape_cast %parallel_loop3A_683 : vector<16xf32> to vector<1x1x16xf32>
        tpu.vector_store %arg9[%parallel_loop3A_691, %parallel_loop3A_692, %parallel_loop3A_693], %parallel_loop3A_696 {strides = array<i32>} : memref<4x100x128xf32, #tpu.memory_space<vmem>>, vector<1x1x16xf32>,
      } {sc.loop_unroll_factor = 8 : i64, sc.parallel_access}
      %add3A_453 = arith.constant 1 : i32
      %add3A_454 = arith.addi %mul3A_383, %add3A_453 : i32
      %add3A_455 = arith.addi %mul3A_2, %add3A_454 : i32
      %mul3A_456 = arith.constant 100 : i32
      %mul3A_457 = arith.muli %add3A_455, %mul3A_456 : i32
      %dma_start3A_458 = arith.constant 1 : i32
      %dma_start3A_459 = arith.constant 1 : i32
      %dma_start3A_460 = arith.constant 0 : i32
      %dma_start3A_461 = arith.constant 0 : i32
      %dma_start3A_462 = tpu.memref_slice %arg9[%dma_start3A_458, %dma_start3A_460, %dma_start3A_461] : memref<4x100x128xf32, #tpu.memory_space<vmem>> -> memref<1x100x128xf32, #tpu.memory_space<vmem>>
      %dma_start3A_463 = tpu.memref_squeeze %dma_start3A_462 : memref<1x100x128xf32, #tpu.memory_space<vmem>> -> memref<100x128xf32, #tpu.memory_space<vmem>>
      %dma_start3A_464 = arith.constant 0 : i32
      %dma_start3A_465 = tpu.memref_slice %arg5[%mul3A_457, %dma_start3A_464] : memref<102400x128xf32, #tpu.memory_space<hbm>> -> memref<100x128xf32, #tpu.memory_space<hbm>>
      %dma_start3A_466 = tpu.memref_slice %arg11[%dma_start3A_459] : memref<4x!tpu.dma_semaphore, #tpu.memory_space<semaphore_mem>> -> memref<1x!tpu.dma_semaphore, #tpu.memory_space<semaphore_mem>>
      %dma_start3A_467 = tpu.memref_squeeze %dma_start3A_466 : memref<1x!tpu.dma_semaphore, #tpu.memory_space<semaphore_mem>> -> memref<!tpu.dma_semaphore, #tpu.memory_space<semaphore_mem>>
      %dma_start3A_468 = arith.constant 0 : i32
      %dma_start3A_469 = tpu.memref_slice %arg5[%mul3A_457, %dma_start3A_468] : memref<102400x128xf32, #tpu.memory_space<hbm>> -> memref<100x128xf32, #tpu.memory_space<hbm>>
      %dma_start3A_470 = arith.constant 0 : i32
      %dma_start3A_471 = arith.constant 0 : i32
      %dma_start3A_472 = tpu.memref_slice %arg9[%dma_start3A_458, %dma_start3A_470, %dma_start3A_471] : memref<4x100x128xf32, #tpu.memory_space<vmem>> -> memref<1x100x128xf32, #tpu.memory_space<vmem>>
      %dma_start3A_473 = tpu.memref_squeeze %dma_start3A_472 : memref<1x100x128xf32, #tpu.memory_space<vmem>> -> memref<100x128xf32, #tpu.memory_space<vmem>>
      tpu.enqueue_dma source(%dma_start3A_473 : memref<100x128xf32, #tpu.memory_space<vmem>>) target(%dma_start3A_469 : memref<100x128xf32, #tpu.memory_space<hbm>>) target_semaphore(%dma_start3A_467 : memref<!tpu.dma_semaphore, #tpu.memory_space<semaphore_mem>>)
      %dma_wait3A_474 = arith.constant 2 : i32
      %dma_wait3A_475 = arith.constant 2 : i32
      %dma_wait3A_476 = arith.constant 0 : i32
      %dma_wait3A_477 = arith.constant 0 : i32
      %dma_wait3A_478 = tpu.memref_slice %arg8[%dma_wait3A_474, %dma_wait3A_476, %dma_wait3A_477] : memref<4x200x64xf32, #tpu.memory_space<vmem>> -> memref<1x200x64xf32, #tpu.memory_space<vmem>>
      %dma_wait3A_479 = tpu.memref_squeeze %dma_wait3A_478 : memref<1x200x64xf32, #tpu.memory_space<vmem>> -> memref<200x64xf32, #tpu.memory_space<vmem>>
      %dma_wait3A_480 = arith.constant 0 : i32
      %dma_wait3A_481 = arith.constant 0 : i32
      %dma_wait3A_482 = tpu.memref_slice %arg4[%dma_wait3A_480, %dma_wait3A_481] : memref<1000000x64xf32, #tpu.memory_space<hbm>> -> memref<200x64xf32, #tpu.memory_space<hbm>>
      %dma_wait3A_483 = tpu.memref_slice %arg10[%dma_wait3A_475] : memref<4x!tpu.dma_semaphore, #tpu.memory_space<semaphore_mem>> -> memref<1x!tpu.dma_semaphore, #tpu.memory_space<semaphore_mem>>
      %dma_wait3A_484 = tpu.memref_squeeze %dma_wait3A_483 : memref<1x!tpu.dma_semaphore, #tpu.memory_space<semaphore_mem>> -> memref<!tpu.dma_semaphore, #tpu.memory_space<semaphore_mem>>
      %dma_wait3A_485 = arith.constant 0 : i32
      %dma_wait3A_486 = arith.constant 0 : i32
      %dma_wait3A_487 = tpu.memref_slice %arg8[%dma_wait3A_474, %dma_wait3A_485, %dma_wait3A_486] : memref<4x200x64xf32, #tpu.memory_space<vmem>> -> memref<1x200x64xf32, #tpu.memory_space<vmem>>
      %dma_wait3A_488 = tpu.memref_squeeze %dma_wait3A_487 : memref<1x200x64xf32, #tpu.memory_space<vmem>> -> memref<200x64xf32, #tpu.memory_space<vmem>>
      %dma_wait3A_489 = arith.constant 0 : i32
      %dma_wait3A_490 = arith.constant 0 : i32
      %dma_wait3A_491 = tpu.memref_slice %arg4[%dma_wait3A_489, %dma_wait3A_490] : memref<1000000x64xf32, #tpu.memory_space<hbm>> -> memref<200x64xf32, #tpu.memory_space<hbm>>
      tpu.wait_dma2 semaphore(%dma_wait3A_484 : memref<!tpu.dma_semaphore, #tpu.memory_space<semaphore_mem>>) src(%dma_wait3A_491 : memref<200x64xf32, #tpu.memory_space<hbm>>) dst(%dma_wait3A_488 : memref<200x64xf32, #tpu.memory_space<vmem>>)
      %gt3A_492 = arith.constant 0 : i32
      %gt3A_493 = arith.cmpi sgt, %add3A_381, %gt3A_492 : i32
      %convert_element_type3A_494 = arith.extui %gt3A_493 : i1 to i32
      %cond3A_495 = arith.constant 0 : i32
      %cond3A_496 = arith.cmpi ne, %convert_element_type3A_494, %cond3A_495 : i32
      scf.if %cond3A_496 {
        %dma_wait3A_572 = arith.constant 2 : i32
        %dma_wait3A_573 = arith.constant 2 : i32
        %dma_wait3A_574 = arith.constant 0 : i32
        %dma_wait3A_575 = arith.constant 0 : i32
        %dma_wait3A_576 = tpu.memref_slice %arg9[%dma_wait3A_572, %dma_wait3A_574, %dma_wait3A_575] : memref<4x100x128xf32, #tpu.memory_space<vmem>> -> memref<1x100x128xf32, #tpu.memory_space<vmem>>
        %dma_wait3A_577 = tpu.memref_squeeze %dma_wait3A_576 : memref<1x100x128xf32, #tpu.memory_space<vmem>> -> memref<100x128xf32, #tpu.memory_space<vmem>>
        %dma_wait3A_578 = arith.constant 0 : i32
        %dma_wait3A_579 = arith.constant 0 : i32
        %dma_wait3A_580 = tpu.memref_slice %arg5[%dma_wait3A_578, %dma_wait3A_579] : memref<102400x128xf32, #tpu.memory_space<hbm>> -> memref<100x128xf32, #tpu.memory_space<hbm>>
        %dma_wait3A_581 = tpu.memref_slice %arg11[%dma_wait3A_573] : memref<4x!tpu.dma_semaphore, #tpu.memory_space<semaphore_mem>> -> memref<1x!tpu.dma_semaphore, #tpu.memory_space<semaphore_mem>>
        %dma_wait3A_582 = tpu.memref_squeeze %dma_wait3A_581 : memref<1x!tpu.dma_semaphore, #tpu.memory_space<semaphore_mem>> -> memref<!tpu.dma_semaphore, #tpu.memory_space<semaphore_mem>>
        %dma_wait3A_583 = arith.constant 0 : i32
        %dma_wait3A_584 = arith.constant 0 : i32
        %dma_wait3A_585 = tpu.memref_slice %arg5[%dma_wait3A_583, %dma_wait3A_584] : memref<102400x128xf32, #tpu.memory_space<hbm>> -> memref<100x128xf32, #tpu.memory_space<hbm>>
        %dma_wait3A_586 = arith.constant 0 : i32
        %dma_wait3A_587 = arith.constant 0 : i32
        %dma_wait3A_588 = tpu.memref_slice %arg9[%dma_wait3A_572, %dma_wait3A_586, %dma_wait3A_587] : memref<4x100x128xf32, #tpu.memory_space<vmem>> -> memref<1x100x128xf32, #tpu.memory_space<vmem>>
        %dma_wait3A_589 = tpu.memref_squeeze %dma_wait3A_588 : memref<1x100x128xf32, #tpu.memory_space<vmem>> -> memref<100x128xf32, #tpu.memory_space<vmem>>
        tpu.wait_dma2 semaphore(%dma_wait3A_582 : memref<!tpu.dma_semaphore, #tpu.memory_space<semaphore_mem>>) src(%dma_wait3A_589 : memref<100x128xf32, #tpu.memory_space<vmem>>) dst(%dma_wait3A_585 : memref<100x128xf32, #tpu.memory_space<hbm>>)
      } else {
      }
      %parallel_loop3A_497 = arith.constant 0 : i32
      %parallel_loop3A_498 = arith.constant 200 : i32
      %parallel_loop3A_499 = arith.constant 1 : i32
      scf.for %parallel_loop3A_572 = %parallel_loop3A_497 to %parallel_loop3A_498 step %parallel_loop3A_499  : i32 {
        %parallel_loop3A_573 = arith.constant 4 : i32
        %parallel_loop3A_574 = arith.muli %parallel_loop3A_572, %parallel_loop3A_573 : i32
        %parallel_loop3A_575 = arith.constant 0 : i32
        %parallel_loop3A_576 = arith.addi %parallel_loop3A_574, %parallel_loop3A_575 : i32
        %parallel_loop3A_577 = arith.constant 2 : i32
        %parallel_loop3A_578 = arith.index_cast %parallel_loop3A_577 : i32 to index
        %parallel_loop3A_579 = arith.index_cast %parallel_loop3A_572 : i32 to index
        %parallel_loop3A_580 = arith.constant 0 : index
        %parallel_loop3A_581 = tpu.vector_load %arg8[%parallel_loop3A_578, %parallel_loop3A_579, %parallel_loop3A_580] {strides = array<i32>} : memref<4x200x64xf32, #tpu.memory_space<vmem>>, vector<1x1x16xf32>,
        %parallel_loop3A_582 = vector.shape_cast %parallel_loop3A_581 : vector<1x1x16xf32> to vector<16xf32>
        %parallel_loop3A_583 = arith.constant 8.000000e+00 : f32
        %parallel_loop3A_584 = vector.broadcast %parallel_loop3A_583 : f32 to vector<16xf32>
        %parallel_loop3A_585 = arith.mulf %parallel_loop3A_582, %parallel_loop3A_584 : vector<16xf32>
        %parallel_loop3A_586 = arith.index_cast %parallel_loop3A_572 : i32 to index
        %parallel_loop3A_587 = arith.constant 0 : index
        %parallel_loop3A_588 = tpu.vector_load %arg7[%parallel_loop3A_586, %parallel_loop3A_587] {strides = array<i32>} : memref<200x64xf32, #tpu.memory_space<vmem>>, vector<1x16xf32>,
        %parallel_loop3A_589 = vector.shape_cast %parallel_loop3A_588 : vector<1x16xf32> to vector<16xf32>
        %parallel_loop3A_590 = arith.addf %parallel_loop3A_585, %parallel_loop3A_589 : vector<16xf32>
        %parallel_loop3A_591 = arith.constant 3 : i32
        %parallel_loop3A_592 = arith.shrsi %parallel_loop3A_576, %parallel_loop3A_591 : i32
        %parallel_loop3A_593 = arith.constant 7 : i32
        %parallel_loop3A_594 = arith.andi %parallel_loop3A_576, %parallel_loop3A_593 : i32
        %parallel_loop3A_595 = arith.constant 16 : i32
        %parallel_loop3A_596 = arith.muli %parallel_loop3A_594, %parallel_loop3A_595 : i32
        %parallel_loop3A_597 = arith.constant 2 : i32
        %parallel_loop3A_598 = arith.index_cast %parallel_loop3A_597 : i32 to index
        %parallel_loop3A_599 = arith.index_cast %parallel_loop3A_592 : i32 to index
        %parallel_loop3A_600 = arith.index_cast %parallel_loop3A_596 : i32 to index
        %parallel_loop3A_601 = tpu.vector_load %arg9[%parallel_loop3A_598, %parallel_loop3A_599, %parallel_loop3A_600] {strides = array<i32>} : memref<4x100x128xf32, #tpu.memory_space<vmem>>, vector<1x1x16xf32>,
        %parallel_loop3A_602 = vector.shape_cast %parallel_loop3A_601 : vector<1x1x16xf32> to vector<16xf32>
        %parallel_loop3A_603 = vector.shape_cast %parallel_loop3A_590 : vector<16xf32> to vector<1x1x16xf32>
        tpu.vector_store %arg9[%parallel_loop3A_598, %parallel_loop3A_599, %parallel_loop3A_600], %parallel_loop3A_603 {strides = array<i32>} : memref<4x100x128xf32, #tpu.memory_space<vmem>>, vector<1x1x16xf32>,
        %parallel_loop3A_604 = arith.constant 4 : i32
        %parallel_loop3A_605 = arith.muli %parallel_loop3A_572, %parallel_loop3A_604 : i32
        %parallel_loop3A_606 = arith.constant 1 : i32
        %parallel_loop3A_607 = arith.addi %parallel_loop3A_605, %parallel_loop3A_606 : i32
        %parallel_loop3A_608 = arith.constant 2 : i32
        %parallel_loop3A_609 = arith.index_cast %parallel_loop3A_608 : i32 to index
        %parallel_loop3A_610 = arith.index_cast %parallel_loop3A_572 : i32 to index
        %parallel_loop3A_611 = arith.constant 16 : index
        %parallel_loop3A_612 = tpu.vector_load %arg8[%parallel_loop3A_609, %parallel_loop3A_610, %parallel_loop3A_611] {strides = array<i32>} : memref<4x200x64xf32, #tpu.memory_space<vmem>>, vector<1x1x16xf32>,
        %parallel_loop3A_613 = vector.shape_cast %parallel_loop3A_612 : vector<1x1x16xf32> to vector<16xf32>
        %parallel_loop3A_614 = arith.constant 8.000000e+00 : f32
        %parallel_loop3A_615 = vector.broadcast %parallel_loop3A_614 : f32 to vector<16xf32>
        %parallel_loop3A_616 = arith.mulf %parallel_loop3A_613, %parallel_loop3A_615 : vector<16xf32>
        %parallel_loop3A_617 = arith.index_cast %parallel_loop3A_572 : i32 to index
        %parallel_loop3A_618 = arith.constant 16 : index
        %parallel_loop3A_619 = tpu.vector_load %arg7[%parallel_loop3A_617, %parallel_loop3A_618] {strides = array<i32>} : memref<200x64xf32, #tpu.memory_space<vmem>>, vector<1x16xf32>,
        %parallel_loop3A_620 = vector.shape_cast %parallel_loop3A_619 : vector<1x16xf32> to vector<16xf32>
        %parallel_loop3A_621 = arith.addf %parallel_loop3A_616, %parallel_loop3A_620 : vector<16xf32>
        %parallel_loop3A_622 = arith.constant 3 : i32
        %parallel_loop3A_623 = arith.shrsi %parallel_loop3A_607, %parallel_loop3A_622 : i32
        %parallel_loop3A_624 = arith.constant 7 : i32
        %parallel_loop3A_625 = arith.andi %parallel_loop3A_607, %parallel_loop3A_624 : i32
        %parallel_loop3A_626 = arith.constant 16 : i32
        %parallel_loop3A_627 = arith.muli %parallel_loop3A_625, %parallel_loop3A_626 : i32
        %parallel_loop3A_628 = arith.constant 2 : i32
        %parallel_loop3A_629 = arith.index_cast %parallel_loop3A_628 : i32 to index
        %parallel_loop3A_630 = arith.index_cast %parallel_loop3A_623 : i32 to index
        %parallel_loop3A_631 = arith.index_cast %parallel_loop3A_627 : i32 to index
        %parallel_loop3A_632 = tpu.vector_load %arg9[%parallel_loop3A_629, %parallel_loop3A_630, %parallel_loop3A_631] {strides = array<i32>} : memref<4x100x128xf32, #tpu.memory_space<vmem>>, vector<1x1x16xf32>,
        %parallel_loop3A_633 = vector.shape_cast %parallel_loop3A_632 : vector<1x1x16xf32> to vector<16xf32>
        %parallel_loop3A_634 = vector.shape_cast %parallel_loop3A_621 : vector<16xf32> to vector<1x1x16xf32>
        tpu.vector_store %arg9[%parallel_loop3A_629, %parallel_loop3A_630, %parallel_loop3A_631], %parallel_loop3A_634 {strides = array<i32>} : memref<4x100x128xf32, #tpu.memory_space<vmem>>, vector<1x1x16xf32>,
        %parallel_loop3A_635 = arith.constant 4 : i32
        %parallel_loop3A_636 = arith.muli %parallel_loop3A_572, %parallel_loop3A_635 : i32
        %parallel_loop3A_637 = arith.constant 2 : i32
        %parallel_loop3A_638 = arith.addi %parallel_loop3A_636, %parallel_loop3A_637 : i32
        %parallel_loop3A_639 = arith.constant 2 : i32
        %parallel_loop3A_640 = arith.index_cast %parallel_loop3A_639 : i32 to index
        %parallel_loop3A_641 = arith.index_cast %parallel_loop3A_572 : i32 to index
        %parallel_loop3A_642 = arith.constant 32 : index
        %parallel_loop3A_643 = tpu.vector_load %arg8[%parallel_loop3A_640, %parallel_loop3A_641, %parallel_loop3A_642] {strides = array<i32>} : memref<4x200x64xf32, #tpu.memory_space<vmem>>, vector<1x1x16xf32>,
        %parallel_loop3A_644 = vector.shape_cast %parallel_loop3A_643 : vector<1x1x16xf32> to vector<16xf32>
        %parallel_loop3A_645 = arith.constant 8.000000e+00 : f32
        %parallel_loop3A_646 = vector.broadcast %parallel_loop3A_645 : f32 to vector<16xf32>
        %parallel_loop3A_647 = arith.mulf %parallel_loop3A_644, %parallel_loop3A_646 : vector<16xf32>
        %parallel_loop3A_648 = arith.index_cast %parallel_loop3A_572 : i32 to index
        %parallel_loop3A_649 = arith.constant 32 : index
        %parallel_loop3A_650 = tpu.vector_load %arg7[%parallel_loop3A_648, %parallel_loop3A_649] {strides = array<i32>} : memref<200x64xf32, #tpu.memory_space<vmem>>, vector<1x16xf32>,
        %parallel_loop3A_651 = vector.shape_cast %parallel_loop3A_650 : vector<1x16xf32> to vector<16xf32>
        %parallel_loop3A_652 = arith.addf %parallel_loop3A_647, %parallel_loop3A_651 : vector<16xf32>
        %parallel_loop3A_653 = arith.constant 3 : i32
        %parallel_loop3A_654 = arith.shrsi %parallel_loop3A_638, %parallel_loop3A_653 : i32
        %parallel_loop3A_655 = arith.constant 7 : i32
        %parallel_loop3A_656 = arith.andi %parallel_loop3A_638, %parallel_loop3A_655 : i32
        %parallel_loop3A_657 = arith.constant 16 : i32
        %parallel_loop3A_658 = arith.muli %parallel_loop3A_656, %parallel_loop3A_657 : i32
        %parallel_loop3A_659 = arith.constant 2 : i32
        %parallel_loop3A_660 = arith.index_cast %parallel_loop3A_659 : i32 to index
        %parallel_loop3A_661 = arith.index_cast %parallel_loop3A_654 : i32 to index
        %parallel_loop3A_662 = arith.index_cast %parallel_loop3A_658 : i32 to index
        %parallel_loop3A_663 = tpu.vector_load %arg9[%parallel_loop3A_660, %parallel_loop3A_661, %parallel_loop3A_662] {strides = array<i32>} : memref<4x100x128xf32, #tpu.memory_space<vmem>>, vector<1x1x16xf32>,
        %parallel_loop3A_664 = vector.shape_cast %parallel_loop3A_663 : vector<1x1x16xf32> to vector<16xf32>
        %parallel_loop3A_665 = vector.shape_cast %parallel_loop3A_652 : vector<16xf32> to vector<1x1x16xf32>
        tpu.vector_store %arg9[%parallel_loop3A_660, %parallel_loop3A_661, %parallel_loop3A_662], %parallel_loop3A_665 {strides = array<i32>} : memref<4x100x128xf32, #tpu.memory_space<vmem>>, vector<1x1x16xf32>,
        %parallel_loop3A_666 = arith.constant 4 : i32
        %parallel_loop3A_667 = arith.muli %parallel_loop3A_572, %parallel_loop3A_666 : i32
        %parallel_loop3A_668 = arith.constant 3 : i32
        %parallel_loop3A_669 = arith.addi %parallel_loop3A_667, %parallel_loop3A_668 : i32
        %parallel_loop3A_670 = arith.constant 2 : i32
        %parallel_loop3A_671 = arith.index_cast %parallel_loop3A_670 : i32 to index
        %parallel_loop3A_672 = arith.index_cast %parallel_loop3A_572 : i32 to index
        %parallel_loop3A_673 = arith.constant 48 : index
        %parallel_loop3A_674 = tpu.vector_load %arg8[%parallel_loop3A_671, %parallel_loop3A_672, %parallel_loop3A_673] {strides = array<i32>} : memref<4x200x64xf32, #tpu.memory_space<vmem>>, vector<1x1x16xf32>,
        %parallel_loop3A_675 = vector.shape_cast %parallel_loop3A_674 : vector<1x1x16xf32> to vector<16xf32>
        %parallel_loop3A_676 = arith.constant 8.000000e+00 : f32
        %parallel_loop3A_677 = vector.broadcast %parallel_loop3A_676 : f32 to vector<16xf32>
        %parallel_loop3A_678 = arith.mulf %parallel_loop3A_675, %parallel_loop3A_677 : vector<16xf32>
        %parallel_loop3A_679 = arith.index_cast %parallel_loop3A_572 : i32 to index
        %parallel_loop3A_680 = arith.constant 48 : index
        %parallel_loop3A_681 = tpu.vector_load %arg7[%parallel_loop3A_679, %parallel_loop3A_680] {strides = array<i32>} : memref<200x64xf32, #tpu.memory_space<vmem>>, vector<1x16xf32>,
        %parallel_loop3A_682 = vector.shape_cast %parallel_loop3A_681 : vector<1x16xf32> to vector<16xf32>
        %parallel_loop3A_683 = arith.addf %parallel_loop3A_678, %parallel_loop3A_682 : vector<16xf32>
        %parallel_loop3A_684 = arith.constant 3 : i32
        %parallel_loop3A_685 = arith.shrsi %parallel_loop3A_669, %parallel_loop3A_684 : i32
        %parallel_loop3A_686 = arith.constant 7 : i32
        %parallel_loop3A_687 = arith.andi %parallel_loop3A_669, %parallel_loop3A_686 : i32
        %parallel_loop3A_688 = arith.constant 16 : i32
        %parallel_loop3A_689 = arith.muli %parallel_loop3A_687, %parallel_loop3A_688 : i32
        %parallel_loop3A_690 = arith.constant 2 : i32
        %parallel_loop3A_691 = arith.index_cast %parallel_loop3A_690 : i32 to index
        %parallel_loop3A_692 = arith.index_cast %parallel_loop3A_685 : i32 to index
        %parallel_loop3A_693 = arith.index_cast %parallel_loop3A_689 : i32 to index
        %parallel_loop3A_694 = tpu.vector_load %arg9[%parallel_loop3A_691, %parallel_loop3A_692, %parallel_loop3A_693] {strides = array<i32>} : memref<4x100x128xf32, #tpu.memory_space<vmem>>, vector<1x1x16xf32>,
        %parallel_loop3A_695 = vector.shape_cast %parallel_loop3A_694 : vector<1x1x16xf32> to vector<16xf32>
        %parallel_loop3A_696 = vector.shape_cast %parallel_loop3A_683 : vector<16xf32> to vector<1x1x16xf32>
        tpu.vector_store %arg9[%parallel_loop3A_691, %parallel_loop3A_692, %parallel_loop3A_693], %parallel_loop3A_696 {strides = array<i32>} : memref<4x100x128xf32, #tpu.memory_space<vmem>>, vector<1x1x16xf32>,
      } {sc.loop_unroll_factor = 8 : i64, sc.parallel_access}
      %add3A_500 = arith.constant 2 : i32
      %add3A_501 = arith.addi %mul3A_383, %add3A_500 : i32
      %add3A_502 = arith.addi %mul3A_2, %add3A_501 : i32
      %mul3A_503 = arith.constant 100 : i32
      %mul3A_504 = arith.muli %add3A_502, %mul3A_503 : i32
      %dma_start3A_505 = arith.constant 2 : i32
      %dma_start3A_506 = arith.constant 2 : i32
      %dma_start3A_507 = arith.constant 0 : i32
      %dma_start3A_508 = arith.constant 0 : i32
      %dma_start3A_509 = tpu.memref_slice %arg9[%dma_start3A_505, %dma_start3A_507, %dma_start3A_508] : memref<4x100x128xf32, #tpu.memory_space<vmem>> -> memref<1x100x128xf32, #tpu.memory_space<vmem>>
      %dma_start3A_510 = tpu.memref_squeeze %dma_start3A_509 : memref<1x100x128xf32, #tpu.memory_space<vmem>> -> memref<100x128xf32, #tpu.memory_space<vmem>>
      %dma_start3A_511 = arith.constant 0 : i32
      %dma_start3A_512 = tpu.memref_slice %arg5[%mul3A_504, %dma_start3A_511] : memref<102400x128xf32, #tpu.memory_space<hbm>> -> memref<100x128xf32, #tpu.memory_space<hbm>>
      %dma_start3A_513 = tpu.memref_slice %arg11[%dma_start3A_506] : memref<4x!tpu.dma_semaphore, #tpu.memory_space<semaphore_mem>> -> memref<1x!tpu.dma_semaphore, #tpu.memory_space<semaphore_mem>>
      %dma_start3A_514 = tpu.memref_squeeze %dma_start3A_513 : memref<1x!tpu.dma_semaphore, #tpu.memory_space<semaphore_mem>> -> memref<!tpu.dma_semaphore, #tpu.memory_space<semaphore_mem>>
      %dma_start3A_515 = arith.constant 0 : i32
      %dma_start3A_516 = tpu.memref_slice %arg5[%mul3A_504, %dma_start3A_515] : memref<102400x128xf32, #tpu.memory_space<hbm>> -> memref<100x128xf32, #tpu.memory_space<hbm>>
      %dma_start3A_517 = arith.constant 0 : i32
      %dma_start3A_518 = arith.constant 0 : i32
      %dma_start3A_519 = tpu.memref_slice %arg9[%dma_start3A_505, %dma_start3A_517, %dma_start3A_518] : memref<4x100x128xf32, #tpu.memory_space<vmem>> -> memref<1x100x128xf32, #tpu.memory_space<vmem>>
      %dma_start3A_520 = tpu.memref_squeeze %dma_start3A_519 : memref<1x100x128xf32, #tpu.memory_space<vmem>> -> memref<100x128xf32, #tpu.memory_space<vmem>>
      tpu.enqueue_dma source(%dma_start3A_520 : memref<100x128xf32, #tpu.memory_space<vmem>>) target(%dma_start3A_516 : memref<100x128xf32, #tpu.memory_space<hbm>>) target_semaphore(%dma_start3A_514 : memref<!tpu.dma_semaphore, #tpu.memory_space<semaphore_mem>>)
      %dma_wait3A_521 = arith.constant 3 : i32
      %dma_wait3A_522 = arith.constant 3 : i32
      %dma_wait3A_523 = arith.constant 0 : i32
      %dma_wait3A_524 = arith.constant 0 : i32
      %dma_wait3A_525 = tpu.memref_slice %arg8[%dma_wait3A_521, %dma_wait3A_523, %dma_wait3A_524] : memref<4x200x64xf32, #tpu.memory_space<vmem>> -> memref<1x200x64xf32, #tpu.memory_space<vmem>>
      %dma_wait3A_526 = tpu.memref_squeeze %dma_wait3A_525 : memref<1x200x64xf32, #tpu.memory_space<vmem>> -> memref<200x64xf32, #tpu.memory_space<vmem>>
      %dma_wait3A_527 = arith.constant 0 : i32
      %dma_wait3A_528 = arith.constant 0 : i32
      %dma_wait3A_529 = tpu.memref_slice %arg4[%dma_wait3A_527, %dma_wait3A_528] : memref<1000000x64xf32, #tpu.memory_space<hbm>> -> memref<200x64xf32, #tpu.memory_space<hbm>>
      %dma_wait3A_530 = tpu.memref_slice %arg10[%dma_wait3A_522] : memref<4x!tpu.dma_semaphore, #tpu.memory_space<semaphore_mem>> -> memref<1x!tpu.dma_semaphore, #tpu.memory_space<semaphore_mem>>
      %dma_wait3A_531 = tpu.memref_squeeze %dma_wait3A_530 : memref<1x!tpu.dma_semaphore, #tpu.memory_space<semaphore_mem>> -> memref<!tpu.dma_semaphore, #tpu.memory_space<semaphore_mem>>
      %dma_wait3A_532 = arith.constant 0 : i32
      %dma_wait3A_533 = arith.constant 0 : i32
      %dma_wait3A_534 = tpu.memref_slice %arg8[%dma_wait3A_521, %dma_wait3A_532, %dma_wait3A_533] : memref<4x200x64xf32, #tpu.memory_space<vmem>> -> memref<1x200x64xf32, #tpu.memory_space<vmem>>
      %dma_wait3A_535 = tpu.memref_squeeze %dma_wait3A_534 : memref<1x200x64xf32, #tpu.memory_space<vmem>> -> memref<200x64xf32, #tpu.memory_space<vmem>>
      %dma_wait3A_536 = arith.constant 0 : i32
      %dma_wait3A_537 = arith.constant 0 : i32
      %dma_wait3A_538 = tpu.memref_slice %arg4[%dma_wait3A_536, %dma_wait3A_537] : memref<1000000x64xf32, #tpu.memory_space<hbm>> -> memref<200x64xf32, #tpu.memory_space<hbm>>
      tpu.wait_dma2 semaphore(%dma_wait3A_531 : memref<!tpu.dma_semaphore, #tpu.memory_space<semaphore_mem>>) src(%dma_wait3A_538 : memref<200x64xf32, #tpu.memory_space<hbm>>) dst(%dma_wait3A_535 : memref<200x64xf32, #tpu.memory_space<vmem>>)
      %gt3A_539 = arith.constant 0 : i32
      %gt3A_540 = arith.cmpi sgt, %add3A_381, %gt3A_539 : i32
      %convert_element_type3A_541 = arith.extui %gt3A_540 : i1 to i32
      %cond3A_542 = arith.constant 0 : i32
      %cond3A_543 = arith.cmpi ne, %convert_element_type3A_541, %cond3A_542 : i32
      scf.if %cond3A_543 {
        %dma_wait3A_572 = arith.constant 3 : i32
        %dma_wait3A_573 = arith.constant 3 : i32
        %dma_wait3A_574 = arith.constant 0 : i32
        %dma_wait3A_575 = arith.constant 0 : i32
        %dma_wait3A_576 = tpu.memref_slice %arg9[%dma_wait3A_572, %dma_wait3A_574, %dma_wait3A_575] : memref<4x100x128xf32, #tpu.memory_space<vmem>> -> memref<1x100x128xf32, #tpu.memory_space<vmem>>
        %dma_wait3A_577 = tpu.memref_squeeze %dma_wait3A_576 : memref<1x100x128xf32, #tpu.memory_space<vmem>> -> memref<100x128xf32, #tpu.memory_space<vmem>>
        %dma_wait3A_578 = arith.constant 0 : i32
        %dma_wait3A_579 = arith.constant 0 : i32
        %dma_wait3A_580 = tpu.memref_slice %arg5[%dma_wait3A_578, %dma_wait3A_579] : memref<102400x128xf32, #tpu.memory_space<hbm>> -> memref<100x128xf32, #tpu.memory_space<hbm>>
        %dma_wait3A_581 = tpu.memref_slice %arg11[%dma_wait3A_573] : memref<4x!tpu.dma_semaphore, #tpu.memory_space<semaphore_mem>> -> memref<1x!tpu.dma_semaphore, #tpu.memory_space<semaphore_mem>>
        %dma_wait3A_582 = tpu.memref_squeeze %dma_wait3A_581 : memref<1x!tpu.dma_semaphore, #tpu.memory_space<semaphore_mem>> -> memref<!tpu.dma_semaphore, #tpu.memory_space<semaphore_mem>>
        %dma_wait3A_583 = arith.constant 0 : i32
        %dma_wait3A_584 = arith.constant 0 : i32
        %dma_wait3A_585 = tpu.memref_slice %arg5[%dma_wait3A_583, %dma_wait3A_584] : memref<102400x128xf32, #tpu.memory_space<hbm>> -> memref<100x128xf32, #tpu.memory_space<hbm>>
        %dma_wait3A_586 = arith.constant 0 : i32
        %dma_wait3A_587 = arith.constant 0 : i32
        %dma_wait3A_588 = tpu.memref_slice %arg9[%dma_wait3A_572, %dma_wait3A_586, %dma_wait3A_587] : memref<4x100x128xf32, #tpu.memory_space<vmem>> -> memref<1x100x128xf32, #tpu.memory_space<vmem>>
        %dma_wait3A_589 = tpu.memref_squeeze %dma_wait3A_588 : memref<1x100x128xf32, #tpu.memory_space<vmem>> -> memref<100x128xf32, #tpu.memory_space<vmem>>
        tpu.wait_dma2 semaphore(%dma_wait3A_582 : memref<!tpu.dma_semaphore, #tpu.memory_space<semaphore_mem>>) src(%dma_wait3A_589 : memref<100x128xf32, #tpu.memory_space<vmem>>) dst(%dma_wait3A_585 : memref<100x128xf32, #tpu.memory_space<hbm>>)
      } else {
      }
      %parallel_loop3A_544 = arith.constant 0 : i32
      %parallel_loop3A_545 = arith.constant 200 : i32
      %parallel_loop3A_546 = arith.constant 1 : i32
      scf.for %parallel_loop3A_572 = %parallel_loop3A_544 to %parallel_loop3A_545 step %parallel_loop3A_546  : i32 {
        %parallel_loop3A_573 = arith.constant 4 : i32
        %parallel_loop3A_574 = arith.muli %parallel_loop3A_572, %parallel_loop3A_573 : i32
        %parallel_loop3A_575 = arith.constant 0 : i32
        %parallel_loop3A_576 = arith.addi %parallel_loop3A_574, %parallel_loop3A_575 : i32
        %parallel_loop3A_577 = arith.constant 3 : i32
        %parallel_loop3A_578 = arith.index_cast %parallel_loop3A_577 : i32 to index
        %parallel_loop3A_579 = arith.index_cast %parallel_loop3A_572 : i32 to index
        %parallel_loop3A_580 = arith.constant 0 : index
        %parallel_loop3A_581 = tpu.vector_load %arg8[%parallel_loop3A_578, %parallel_loop3A_579, %parallel_loop3A_580] {strides = array<i32>} : memref<4x200x64xf32, #tpu.memory_space<vmem>>, vector<1x1x16xf32>,
        %parallel_loop3A_582 = vector.shape_cast %parallel_loop3A_581 : vector<1x1x16xf32> to vector<16xf32>
        %parallel_loop3A_583 = arith.constant 8.000000e+00 : f32
        %parallel_loop3A_584 = vector.broadcast %parallel_loop3A_583 : f32 to vector<16xf32>
        %parallel_loop3A_585 = arith.mulf %parallel_loop3A_582, %parallel_loop3A_584 : vector<16xf32>
        %parallel_loop3A_586 = arith.index_cast %parallel_loop3A_572 : i32 to index
        %parallel_loop3A_587 = arith.constant 0 : index
        %parallel_loop3A_588 = tpu.vector_load %arg7[%parallel_loop3A_586, %parallel_loop3A_587] {strides = array<i32>} : memref<200x64xf32, #tpu.memory_space<vmem>>, vector<1x16xf32>,
        %parallel_loop3A_589 = vector.shape_cast %parallel_loop3A_588 : vector<1x16xf32> to vector<16xf32>
        %parallel_loop3A_590 = arith.addf %parallel_loop3A_585, %parallel_loop3A_589 : vector<16xf32>
        %parallel_loop3A_591 = arith.constant 3 : i32
        %parallel_loop3A_592 = arith.shrsi %parallel_loop3A_576, %parallel_loop3A_591 : i32
        %parallel_loop3A_593 = arith.constant 7 : i32
        %parallel_loop3A_594 = arith.andi %parallel_loop3A_576, %parallel_loop3A_593 : i32
        %parallel_loop3A_595 = arith.constant 16 : i32
        %parallel_loop3A_596 = arith.muli %parallel_loop3A_594, %parallel_loop3A_595 : i32
        %parallel_loop3A_597 = arith.constant 3 : i32
        %parallel_loop3A_598 = arith.index_cast %parallel_loop3A_597 : i32 to index
        %parallel_loop3A_599 = arith.index_cast %parallel_loop3A_592 : i32 to index
        %parallel_loop3A_600 = arith.index_cast %parallel_loop3A_596 : i32 to index
        %parallel_loop3A_601 = tpu.vector_load %arg9[%parallel_loop3A_598, %parallel_loop3A_599, %parallel_loop3A_600] {strides = array<i32>} : memref<4x100x128xf32, #tpu.memory_space<vmem>>, vector<1x1x16xf32>,
        %parallel_loop3A_602 = vector.shape_cast %parallel_loop3A_601 : vector<1x1x16xf32> to vector<16xf32>
        %parallel_loop3A_603 = vector.shape_cast %parallel_loop3A_590 : vector<16xf32> to vector<1x1x16xf32>
        tpu.vector_store %arg9[%parallel_loop3A_598, %parallel_loop3A_599, %parallel_loop3A_600], %parallel_loop3A_603 {strides = array<i32>} : memref<4x100x128xf32, #tpu.memory_space<vmem>>, vector<1x1x16xf32>,
        %parallel_loop3A_604 = arith.constant 4 : i32
        %parallel_loop3A_605 = arith.muli %parallel_loop3A_572, %parallel_loop3A_604 : i32
        %parallel_loop3A_606 = arith.constant 1 : i32
        %parallel_loop3A_607 = arith.addi %parallel_loop3A_605, %parallel_loop3A_606 : i32
        %parallel_loop3A_608 = arith.constant 3 : i32
        %parallel_loop3A_609 = arith.index_cast %parallel_loop3A_608 : i32 to index
        %parallel_loop3A_610 = arith.index_cast %parallel_loop3A_572 : i32 to index
        %parallel_loop3A_611 = arith.constant 16 : index
        %parallel_loop3A_612 = tpu.vector_load %arg8[%parallel_loop3A_609, %parallel_loop3A_610, %parallel_loop3A_611] {strides = array<i32>} : memref<4x200x64xf32, #tpu.memory_space<vmem>>, vector<1x1x16xf32>,
        %parallel_loop3A_613 = vector.shape_cast %parallel_loop3A_612 : vector<1x1x16xf32> to vector<16xf32>
        %parallel_loop3A_614 = arith.constant 8.000000e+00 : f32
        %parallel_loop3A_615 = vector.broadcast %parallel_loop3A_614 : f32 to vector<16xf32>
        %parallel_loop3A_616 = arith.mulf %parallel_loop3A_613, %parallel_loop3A_615 : vector<16xf32>
        %parallel_loop3A_617 = arith.index_cast %parallel_loop3A_572 : i32 to index
        %parallel_loop3A_618 = arith.constant 16 : index
        %parallel_loop3A_619 = tpu.vector_load %arg7[%parallel_loop3A_617, %parallel_loop3A_618] {strides = array<i32>} : memref<200x64xf32, #tpu.memory_space<vmem>>, vector<1x16xf32>,
        %parallel_loop3A_620 = vector.shape_cast %parallel_loop3A_619 : vector<1x16xf32> to vector<16xf32>
        %parallel_loop3A_621 = arith.addf %parallel_loop3A_616, %parallel_loop3A_620 : vector<16xf32>
        %parallel_loop3A_622 = arith.constant 3 : i32
        %parallel_loop3A_623 = arith.shrsi %parallel_loop3A_607, %parallel_loop3A_622 : i32
        %parallel_loop3A_624 = arith.constant 7 : i32
        %parallel_loop3A_625 = arith.andi %parallel_loop3A_607, %parallel_loop3A_624 : i32
        %parallel_loop3A_626 = arith.constant 16 : i32
        %parallel_loop3A_627 = arith.muli %parallel_loop3A_625, %parallel_loop3A_626 : i32
        %parallel_loop3A_628 = arith.constant 3 : i32
        %parallel_loop3A_629 = arith.index_cast %parallel_loop3A_628 : i32 to index
        %parallel_loop3A_630 = arith.index_cast %parallel_loop3A_623 : i32 to index
        %parallel_loop3A_631 = arith.index_cast %parallel_loop3A_627 : i32 to index
        %parallel_loop3A_632 = tpu.vector_load %arg9[%parallel_loop3A_629, %parallel_loop3A_630, %parallel_loop3A_631] {strides = array<i32>} : memref<4x100x128xf32, #tpu.memory_space<vmem>>, vector<1x1x16xf32>,
        %parallel_loop3A_633 = vector.shape_cast %parallel_loop3A_632 : vector<1x1x16xf32> to vector<16xf32>
        %parallel_loop3A_634 = vector.shape_cast %parallel_loop3A_621 : vector<16xf32> to vector<1x1x16xf32>
        tpu.vector_store %arg9[%parallel_loop3A_629, %parallel_loop3A_630, %parallel_loop3A_631], %parallel_loop3A_634 {strides = array<i32>} : memref<4x100x128xf32, #tpu.memory_space<vmem>>, vector<1x1x16xf32>,
        %parallel_loop3A_635 = arith.constant 4 : i32
        %parallel_loop3A_636 = arith.muli %parallel_loop3A_572, %parallel_loop3A_635 : i32
        %parallel_loop3A_637 = arith.constant 2 : i32
        %parallel_loop3A_638 = arith.addi %parallel_loop3A_636, %parallel_loop3A_637 : i32
        %parallel_loop3A_639 = arith.constant 3 : i32
        %parallel_loop3A_640 = arith.index_cast %parallel_loop3A_639 : i32 to index
        %parallel_loop3A_641 = arith.index_cast %parallel_loop3A_572 : i32 to index
        %parallel_loop3A_642 = arith.constant 32 : index
        %parallel_loop3A_643 = tpu.vector_load %arg8[%parallel_loop3A_640, %parallel_loop3A_641, %parallel_loop3A_642] {strides = array<i32>} : memref<4x200x64xf32, #tpu.memory_space<vmem>>, vector<1x1x16xf32>,
        %parallel_loop3A_644 = vector.shape_cast %parallel_loop3A_643 : vector<1x1x16xf32> to vector<16xf32>
        %parallel_loop3A_645 = arith.constant 8.000000e+00 : f32
        %parallel_loop3A_646 = vector.broadcast %parallel_loop3A_645 : f32 to vector<16xf32>
        %parallel_loop3A_647 = arith.mulf %parallel_loop3A_644, %parallel_loop3A_646 : vector<16xf32>
        %parallel_loop3A_648 = arith.index_cast %parallel_loop3A_572 : i32 to index
        %parallel_loop3A_649 = arith.constant 32 : index
        %parallel_loop3A_650 = tpu.vector_load %arg7[%parallel_loop3A_648, %parallel_loop3A_649] {strides = array<i32>} : memref<200x64xf32, #tpu.memory_space<vmem>>, vector<1x16xf32>,
        %parallel_loop3A_651 = vector.shape_cast %parallel_loop3A_650 : vector<1x16xf32> to vector<16xf32>
        %parallel_loop3A_652 = arith.addf %parallel_loop3A_647, %parallel_loop3A_651 : vector<16xf32>
        %parallel_loop3A_653 = arith.constant 3 : i32
        %parallel_loop3A_654 = arith.shrsi %parallel_loop3A_638, %parallel_loop3A_653 : i32
        %parallel_loop3A_655 = arith.constant 7 : i32
        %parallel_loop3A_656 = arith.andi %parallel_loop3A_638, %parallel_loop3A_655 : i32
        %parallel_loop3A_657 = arith.constant 16 : i32
        %parallel_loop3A_658 = arith.muli %parallel_loop3A_656, %parallel_loop3A_657 : i32
        %parallel_loop3A_659 = arith.constant 3 : i32
        %parallel_loop3A_660 = arith.index_cast %parallel_loop3A_659 : i32 to index
        %parallel_loop3A_661 = arith.index_cast %parallel_loop3A_654 : i32 to index
        %parallel_loop3A_662 = arith.index_cast %parallel_loop3A_658 : i32 to index
        %parallel_loop3A_663 = tpu.vector_load %arg9[%parallel_loop3A_660, %parallel_loop3A_661, %parallel_loop3A_662] {strides = array<i32>} : memref<4x100x128xf32, #tpu.memory_space<vmem>>, vector<1x1x16xf32>,
        %parallel_loop3A_664 = vector.shape_cast %parallel_loop3A_663 : vector<1x1x16xf32> to vector<16xf32>
        %parallel_loop3A_665 = vector.shape_cast %parallel_loop3A_652 : vector<16xf32> to vector<1x1x16xf32>
        tpu.vector_store %arg9[%parallel_loop3A_660, %parallel_loop3A_661, %parallel_loop3A_662], %parallel_loop3A_665 {strides = array<i32>} : memref<4x100x128xf32, #tpu.memory_space<vmem>>, vector<1x1x16xf32>,
        %parallel_loop3A_666 = arith.constant 4 : i32
        %parallel_loop3A_667 = arith.muli %parallel_loop3A_572, %parallel_loop3A_666 : i32
        %parallel_loop3A_668 = arith.constant 3 : i32
        %parallel_loop3A_669 = arith.addi %parallel_loop3A_667, %parallel_loop3A_668 : i32
        %parallel_loop3A_670 = arith.constant 3 : i32
        %parallel_loop3A_671 = arith.index_cast %parallel_loop3A_670 : i32 to index
        %parallel_loop3A_672 = arith.index_cast %parallel_loop3A_572 : i32 to index
        %parallel_loop3A_673 = arith.constant 48 : index
        %parallel_loop3A_674 = tpu.vector_load %arg8[%parallel_loop3A_671, %parallel_loop3A_672, %parallel_loop3A_673] {strides = array<i32>} : memref<4x200x64xf32, #tpu.memory_space<vmem>>, vector<1x1x16xf32>,
        %parallel_loop3A_675 = vector.shape_cast %parallel_loop3A_674 : vector<1x1x16xf32> to vector<16xf32>
        %parallel_loop3A_676 = arith.constant 8.000000e+00 : f32
        %parallel_loop3A_677 = vector.broadcast %parallel_loop3A_676 : f32 to vector<16xf32>
        %parallel_loop3A_678 = arith.mulf %parallel_loop3A_675, %parallel_loop3A_677 : vector<16xf32>
        %parallel_loop3A_679 = arith.index_cast %parallel_loop3A_572 : i32 to index
        %parallel_loop3A_680 = arith.constant 48 : index
        %parallel_loop3A_681 = tpu.vector_load %arg7[%parallel_loop3A_679, %parallel_loop3A_680] {strides = array<i32>} : memref<200x64xf32, #tpu.memory_space<vmem>>, vector<1x16xf32>,
        %parallel_loop3A_682 = vector.shape_cast %parallel_loop3A_681 : vector<1x16xf32> to vector<16xf32>
        %parallel_loop3A_683 = arith.addf %parallel_loop3A_678, %parallel_loop3A_682 : vector<16xf32>
        %parallel_loop3A_684 = arith.constant 3 : i32
        %parallel_loop3A_685 = arith.shrsi %parallel_loop3A_669, %parallel_loop3A_684 : i32
        %parallel_loop3A_686 = arith.constant 7 : i32
        %parallel_loop3A_687 = arith.andi %parallel_loop3A_669, %parallel_loop3A_686 : i32
        %parallel_loop3A_688 = arith.constant 16 : i32
        %parallel_loop3A_689 = arith.muli %parallel_loop3A_687, %parallel_loop3A_688 : i32
        %parallel_loop3A_690 = arith.constant 3 : i32
        %parallel_loop3A_691 = arith.index_cast %parallel_loop3A_690 : i32 to index
        %parallel_loop3A_692 = arith.index_cast %parallel_loop3A_685 : i32 to index
        %parallel_loop3A_693 = arith.index_cast %parallel_loop3A_689 : i32 to index
        %parallel_loop3A_694 = tpu.vector_load %arg9[%parallel_loop3A_691, %parallel_loop3A_692, %parallel_loop3A_693] {strides = array<i32>} : memref<4x100x128xf32, #tpu.memory_space<vmem>>, vector<1x1x16xf32>,
        %parallel_loop3A_695 = vector.shape_cast %parallel_loop3A_694 : vector<1x1x16xf32> to vector<16xf32>
        %parallel_loop3A_696 = vector.shape_cast %parallel_loop3A_683 : vector<16xf32> to vector<1x1x16xf32>
        tpu.vector_store %arg9[%parallel_loop3A_691, %parallel_loop3A_692, %parallel_loop3A_693], %parallel_loop3A_696 {strides = array<i32>} : memref<4x100x128xf32, #tpu.memory_space<vmem>>, vector<1x1x16xf32>,
      } {sc.loop_unroll_factor = 8 : i64, sc.parallel_access}
      %add3A_547 = arith.constant 3 : i32
      %add3A_548 = arith.addi %mul3A_383, %add3A_547 : i32
      %add3A_549 = arith.addi %mul3A_2, %add3A_548 : i32
      %mul3A_550 = arith.constant 100 : i32
      %mul3A_551 = arith.muli %add3A_549, %mul3A_550 : i32
      %dma_start3A_552 = arith.constant 3 : i32
      %dma_start3A_553 = arith.constant 3 : i32
      %dma_start3A_554 = arith.constant 0 : i32
      %dma_start3A_555 = arith.constant 0 : i32
      %dma_start3A_556 = tpu.memref_slice %arg9[%dma_start3A_552, %dma_start3A_554, %dma_start3A_555] : memref<4x100x128xf32, #tpu.memory_space<vmem>> -> memref<1x100x128xf32, #tpu.memory_space<vmem>>
      %dma_start3A_557 = tpu.memref_squeeze %dma_start3A_556 : memref<1x100x128xf32, #tpu.memory_space<vmem>> -> memref<100x128xf32, #tpu.memory_space<vmem>>
      %dma_start3A_558 = arith.constant 0 : i32
      %dma_start3A_559 = tpu.memref_slice %arg5[%mul3A_551, %dma_start3A_558] : memref<102400x128xf32, #tpu.memory_space<hbm>> -> memref<100x128xf32, #tpu.memory_space<hbm>>
      %dma_start3A_560 = tpu.memref_slice %arg11[%dma_start3A_553] : memref<4x!tpu.dma_semaphore, #tpu.memory_space<semaphore_mem>> -> memref<1x!tpu.dma_semaphore, #tpu.memory_space<semaphore_mem>>
      %dma_start3A_561 = tpu.memref_squeeze %dma_start3A_560 : memref<1x!tpu.dma_semaphore, #tpu.memory_space<semaphore_mem>> -> memref<!tpu.dma_semaphore, #tpu.memory_space<semaphore_mem>>
      %dma_start3A_562 = arith.constant 0 : i32
      %dma_start3A_563 = tpu.memref_slice %arg5[%mul3A_551, %dma_start3A_562] : memref<102400x128xf32, #tpu.memory_space<hbm>> -> memref<100x128xf32, #tpu.memory_space<hbm>>
      %dma_start3A_564 = arith.constant 0 : i32
      %dma_start3A_565 = arith.constant 0 : i32
      %dma_start3A_566 = tpu.memref_slice %arg9[%dma_start3A_552, %dma_start3A_564, %dma_start3A_565] : memref<4x100x128xf32, #tpu.memory_space<vmem>> -> memref<1x100x128xf32, #tpu.memory_space<vmem>>
      %dma_start3A_567 = tpu.memref_squeeze %dma_start3A_566 : memref<1x100x128xf32, #tpu.memory_space<vmem>> -> memref<100x128xf32, #tpu.memory_space<vmem>>
      tpu.enqueue_dma source(%dma_start3A_567 : memref<100x128xf32, #tpu.memory_space<vmem>>) target(%dma_start3A_563 : memref<100x128xf32, #tpu.memory_space<hbm>>) target_semaphore(%dma_start3A_561 : memref<!tpu.dma_semaphore, #tpu.memory_space<semaphore_mem>>)
      %lt3A = arith.constant 7 : i32
      %lt3A_568 = arith.cmpi slt, %add3A_381, %lt3A : i32
      %convert_element_type3A_569 = arith.extui %lt3A_568 : i1 to i32
      %cond3A_570 = arith.constant 0 : i32
      %cond3A_571 = arith.cmpi ne, %convert_element_type3A_569, %cond3A_570 : i32
      scf.if %cond3A_571 {
        %add3A_572 = arith.constant 4 : i32
        %add3A_573 = arith.addi %mul3A_383, %add3A_572 : i32
        %add3A_574 = arith.constant 0 : i32
        %add3A_575 = arith.addi %add3A_573, %add3A_574 : i32
        %dma_start3A_576 = arith.constant 0 : i32
        %dma_start3A_577 = arith.constant 0 : i32
        %dma_start3A_578 = arith.constant 0 : i32
        %dma_start3A_579 = arith.constant 0 : i32
        %dma_start3A_580 = tpu.memref_slice %arg8[%dma_start3A_576, %dma_start3A_578, %dma_start3A_579] : memref<4x200x64xf32, #tpu.memory_space<vmem>> -> memref<1x40x64xf32, #tpu.memory_space<vmem>>
        %dma_start3A_581 = tpu.memref_squeeze %dma_start3A_580 : memref<1x40x64xf32, #tpu.memory_space<vmem>> -> memref<40x64xf32, #tpu.memory_space<vmem>>
        %dma_start3A_582 = arith.constant 0 : i32
        %dma_start3A_583 = tpu.memref_slice %arg6[%add3A_575, %dma_start3A_582] : memref<32x200xi32, #tpu.memory_space<vmem>> -> memref<1x40xi32, #tpu.memory_space<vmem>>
        %dma_start3A_584 = tpu.memref_squeeze %dma_start3A_583 : memref<1x40xi32, #tpu.memory_space<vmem>> -> memref<40xi32, #tpu.memory_space<vmem>>
        %dma_start3A_585 = arith.constant 0 : i32
        %dma_start3A_586 = arith.constant 0 : i32
        %dma_start3A_587 = tpu.memref_slice %arg4[%dma_start3A_585, %dma_start3A_586] : memref<1000000x64xf32, #tpu.memory_space<hbm>> -> memref<1000000x64xf32, #tpu.memory_space<hbm>>
        %dma_start3A_588 = tpu.memref_slice %arg10[%dma_start3A_577] : memref<4x!tpu.dma_semaphore, #tpu.memory_space<semaphore_mem>> -> memref<1x!tpu.dma_semaphore, #tpu.memory_space<semaphore_mem>>
        %dma_start3A_589 = tpu.memref_squeeze %dma_start3A_588 : memref<1x!tpu.dma_semaphore, #tpu.memory_space<semaphore_mem>> -> memref<!tpu.dma_semaphore, #tpu.memory_space<semaphore_mem>>
        tpu.enqueue_indirect_dma source(%dma_start3A_587 : memref<1000000x64xf32, #tpu.memory_space<hbm>>) target(%dma_start3A_581 : memref<40x64xf32, #tpu.memory_space<vmem>>) offsets(%dma_start3A_584 : memref<40xi32, #tpu.memory_space<vmem>>) semaphore(%dma_start3A_589 : memref<!tpu.dma_semaphore, #tpu.memory_space<semaphore_mem>>)
        %dma_start3A_590 = arith.constant 0 : i32
        %dma_start3A_591 = arith.constant 0 : i32
        %dma_start3A_592 = arith.constant 40 : i32
        %dma_start3A_593 = arith.constant 0 : i32
        %dma_start3A_594 = tpu.memref_slice %arg8[%dma_start3A_590, %dma_start3A_592, %dma_start3A_593] : memref<4x200x64xf32, #tpu.memory_space<vmem>> -> memref<1x40x64xf32, #tpu.memory_space<vmem>>
        %dma_start3A_595 = tpu.memref_squeeze %dma_start3A_594 : memref<1x40x64xf32, #tpu.memory_space<vmem>> -> memref<40x64xf32, #tpu.memory_space<vmem>>
        %dma_start3A_596 = arith.constant 40 : i32
        %dma_start3A_597 = tpu.memref_slice %arg6[%add3A_575, %dma_start3A_596] : memref<32x200xi32, #tpu.memory_space<vmem>> -> memref<1x40xi32, #tpu.memory_space<vmem>>
        %dma_start3A_598 = tpu.memref_squeeze %dma_start3A_597 : memref<1x40xi32, #tpu.memory_space<vmem>> -> memref<40xi32, #tpu.memory_space<vmem>>
        %dma_start3A_599 = arith.constant 0 : i32
        %dma_start3A_600 = arith.constant 0 : i32
        %dma_start3A_601 = tpu.memref_slice %arg4[%dma_start3A_599, %dma_start3A_600] : memref<1000000x64xf32, #tpu.memory_space<hbm>> -> memref<1000000x64xf32, #tpu.memory_space<hbm>>
        %dma_start3A_602 = tpu.memref_slice %arg10[%dma_start3A_591] : memref<4x!tpu.dma_semaphore, #tpu.memory_space<semaphore_mem>> -> memref<1x!tpu.dma_semaphore, #tpu.memory_space<semaphore_mem>>
        %dma_start3A_603 = tpu.memref_squeeze %dma_start3A_602 : memref<1x!tpu.dma_semaphore, #tpu.memory_space<semaphore_mem>> -> memref<!tpu.dma_semaphore, #tpu.memory_space<semaphore_mem>>
        tpu.enqueue_indirect_dma source(%dma_start3A_601 : memref<1000000x64xf32, #tpu.memory_space<hbm>>) target(%dma_start3A_595 : memref<40x64xf32, #tpu.memory_space<vmem>>) offsets(%dma_start3A_598 : memref<40xi32, #tpu.memory_space<vmem>>) semaphore(%dma_start3A_603 : memref<!tpu.dma_semaphore, #tpu.memory_space<semaphore_mem>>)
        %dma_start3A_604 = arith.constant 0 : i32
        %dma_start3A_605 = arith.constant 0 : i32
        %dma_start3A_606 = arith.constant 80 : i32
        %dma_start3A_607 = arith.constant 0 : i32
        %dma_start3A_608 = tpu.memref_slice %arg8[%dma_start3A_604, %dma_start3A_606, %dma_start3A_607] : memref<4x200x64xf32, #tpu.memory_space<vmem>> -> memref<1x40x64xf32, #tpu.memory_space<vmem>>
        %dma_start3A_609 = tpu.memref_squeeze %dma_start3A_608 : memref<1x40x64xf32, #tpu.memory_space<vmem>> -> memref<40x64xf32, #tpu.memory_space<vmem>>
        %dma_start3A_610 = arith.constant 80 : i32
        %dma_start3A_611 = tpu.memref_slice %arg6[%add3A_575, %dma_start3A_610] : memref<32x200xi32, #tpu.memory_space<vmem>> -> memref<1x40xi32, #tpu.memory_space<vmem>>
        %dma_start3A_612 = tpu.memref_squeeze %dma_start3A_611 : memref<1x40xi32, #tpu.memory_space<vmem>> -> memref<40xi32, #tpu.memory_space<vmem>>
        %dma_start3A_613 = arith.constant 0 : i32
        %dma_start3A_614 = arith.constant 0 : i32
        %dma_start3A_615 = tpu.memref_slice %arg4[%dma_start3A_613, %dma_start3A_614] : memref<1000000x64xf32, #tpu.memory_space<hbm>> -> memref<1000000x64xf32, #tpu.memory_space<hbm>>
        %dma_start3A_616 = tpu.memref_slice %arg10[%dma_start3A_605] : memref<4x!tpu.dma_semaphore, #tpu.memory_space<semaphore_mem>> -> memref<1x!tpu.dma_semaphore, #tpu.memory_space<semaphore_mem>>
        %dma_start3A_617 = tpu.memref_squeeze %dma_start3A_616 : memref<1x!tpu.dma_semaphore, #tpu.memory_space<semaphore_mem>> -> memref<!tpu.dma_semaphore, #tpu.memory_space<semaphore_mem>>
        tpu.enqueue_indirect_dma source(%dma_start3A_615 : memref<1000000x64xf32, #tpu.memory_space<hbm>>) target(%dma_start3A_609 : memref<40x64xf32, #tpu.memory_space<vmem>>) offsets(%dma_start3A_612 : memref<40xi32, #tpu.memory_space<vmem>>) semaphore(%dma_start3A_617 : memref<!tpu.dma_semaphore, #tpu.memory_space<semaphore_mem>>)
        %dma_start3A_618 = arith.constant 0 : i32
        %dma_start3A_619 = arith.constant 0 : i32
        %dma_start3A_620 = arith.constant 120 : i32
        %dma_start3A_621 = arith.constant 0 : i32
        %dma_start3A_622 = tpu.memref_slice %arg8[%dma_start3A_618, %dma_start3A_620, %dma_start3A_621] : memref<4x200x64xf32, #tpu.memory_space<vmem>> -> memref<1x40x64xf32, #tpu.memory_space<vmem>>
        %dma_start3A_623 = tpu.memref_squeeze %dma_start3A_622 : memref<1x40x64xf32, #tpu.memory_space<vmem>> -> memref<40x64xf32, #tpu.memory_space<vmem>>
        %dma_start3A_624 = arith.constant 120 : i32
        %dma_start3A_625 = tpu.memref_slice %arg6[%add3A_575, %dma_start3A_624] : memref<32x200xi32, #tpu.memory_space<vmem>> -> memref<1x40xi32, #tpu.memory_space<vmem>>
        %dma_start3A_626 = tpu.memref_squeeze %dma_start3A_625 : memref<1x40xi32, #tpu.memory_space<vmem>> -> memref<40xi32, #tpu.memory_space<vmem>>
        %dma_start3A_627 = arith.constant 0 : i32
        %dma_start3A_628 = arith.constant 0 : i32
        %dma_start3A_629 = tpu.memref_slice %arg4[%dma_start3A_627, %dma_start3A_628] : memref<1000000x64xf32, #tpu.memory_space<hbm>> -> memref<1000000x64xf32, #tpu.memory_space<hbm>>
        %dma_start3A_630 = tpu.memref_slice %arg10[%dma_start3A_619] : memref<4x!tpu.dma_semaphore, #tpu.memory_space<semaphore_mem>> -> memref<1x!tpu.dma_semaphore, #tpu.memory_space<semaphore_mem>>
        %dma_start3A_631 = tpu.memref_squeeze %dma_start3A_630 : memref<1x!tpu.dma_semaphore, #tpu.memory_space<semaphore_mem>> -> memref<!tpu.dma_semaphore, #tpu.memory_space<semaphore_mem>>
        tpu.enqueue_indirect_dma source(%dma_start3A_629 : memref<1000000x64xf32, #tpu.memory_space<hbm>>) target(%dma_start3A_623 : memref<40x64xf32, #tpu.memory_space<vmem>>) offsets(%dma_start3A_626 : memref<40xi32, #tpu.memory_space<vmem>>) semaphore(%dma_start3A_631 : memref<!tpu.dma_semaphore, #tpu.memory_space<semaphore_mem>>)
        %dma_start3A_632 = arith.constant 0 : i32
        %dma_start3A_633 = arith.constant 0 : i32
        %dma_start3A_634 = arith.constant 160 : i32
        %dma_start3A_635 = arith.constant 0 : i32
        %dma_start3A_636 = tpu.memref_slice %arg8[%dma_start3A_632, %dma_start3A_634, %dma_start3A_635] : memref<4x200x64xf32, #tpu.memory_space<vmem>> -> memref<1x40x64xf32, #tpu.memory_space<vmem>>
        %dma_start3A_637 = tpu.memref_squeeze %dma_start3A_636 : memref<1x40x64xf32, #tpu.memory_space<vmem>> -> memref<40x64xf32, #tpu.memory_space<vmem>>
        %dma_start3A_638 = arith.constant 160 : i32
        %dma_start3A_639 = tpu.memref_slice %arg6[%add3A_575, %dma_start3A_638] : memref<32x200xi32, #tpu.memory_space<vmem>> -> memref<1x40xi32, #tpu.memory_space<vmem>>
        %dma_start3A_640 = tpu.memref_squeeze %dma_start3A_639 : memref<1x40xi32, #tpu.memory_space<vmem>> -> memref<40xi32, #tpu.memory_space<vmem>>
        %dma_start3A_641 = arith.constant 0 : i32
        %dma_start3A_642 = arith.constant 0 : i32
        %dma_start3A_643 = tpu.memref_slice %arg4[%dma_start3A_641, %dma_start3A_642] : memref<1000000x64xf32, #tpu.memory_space<hbm>> -> memref<1000000x64xf32, #tpu.memory_space<hbm>>
        %dma_start3A_644 = tpu.memref_slice %arg10[%dma_start3A_633] : memref<4x!tpu.dma_semaphore, #tpu.memory_space<semaphore_mem>> -> memref<1x!tpu.dma_semaphore, #tpu.memory_space<semaphore_mem>>
        %dma_start3A_645 = tpu.memref_squeeze %dma_start3A_644 : memref<1x!tpu.dma_semaphore, #tpu.memory_space<semaphore_mem>> -> memref<!tpu.dma_semaphore, #tpu.memory_space<semaphore_mem>>
        tpu.enqueue_indirect_dma source(%dma_start3A_643 : memref<1000000x64xf32, #tpu.memory_space<hbm>>) target(%dma_start3A_637 : memref<40x64xf32, #tpu.memory_space<vmem>>) offsets(%dma_start3A_640 : memref<40xi32, #tpu.memory_space<vmem>>) semaphore(%dma_start3A_645 : memref<!tpu.dma_semaphore, #tpu.memory_space<semaphore_mem>>)
        %add3A_646 = arith.constant 4 : i32
        %add3A_647 = arith.addi %mul3A_383, %add3A_646 : i32
        %add3A_648 = arith.constant 1 : i32
        %add3A_649 = arith.addi %add3A_647, %add3A_648 : i32
        %dma_start3A_650 = arith.constant 1 : i32
        %dma_start3A_651 = arith.constant 1 : i32
        %dma_start3A_652 = arith.constant 0 : i32
        %dma_start3A_653 = arith.constant 0 : i32
        %dma_start3A_654 = tpu.memref_slice %arg8[%dma_start3A_650, %dma_start3A_652, %dma_start3A_653] : memref<4x200x64xf32, #tpu.memory_space<vmem>> -> memref<1x40x64xf32, #tpu.memory_space<vmem>>
        %dma_start3A_655 = tpu.memref_squeeze %dma_start3A_654 : memref<1x40x64xf32, #tpu.memory_space<vmem>> -> memref<40x64xf32, #tpu.memory_space<vmem>>
        %dma_start3A_656 = arith.constant 0 : i32
        %dma_start3A_657 = tpu.memref_slice %arg6[%add3A_649, %dma_start3A_656] : memref<32x200xi32, #tpu.memory_space<vmem>> -> memref<1x40xi32, #tpu.memory_space<vmem>>
        %dma_start3A_658 = tpu.memref_squeeze %dma_start3A_657 : memref<1x40xi32, #tpu.memory_space<vmem>> -> memref<40xi32, #tpu.memory_space<vmem>>
        %dma_start3A_659 = arith.constant 0 : i32
        %dma_start3A_660 = arith.constant 0 : i32
        %dma_start3A_661 = tpu.memref_slice %arg4[%dma_start3A_659, %dma_start3A_660] : memref<1000000x64xf32, #tpu.memory_space<hbm>> -> memref<1000000x64xf32, #tpu.memory_space<hbm>>
        %dma_start3A_662 = tpu.memref_slice %arg10[%dma_start3A_651] : memref<4x!tpu.dma_semaphore, #tpu.memory_space<semaphore_mem>> -> memref<1x!tpu.dma_semaphore, #tpu.memory_space<semaphore_mem>>
        %dma_start3A_663 = tpu.memref_squeeze %dma_start3A_662 : memref<1x!tpu.dma_semaphore, #tpu.memory_space<semaphore_mem>> -> memref<!tpu.dma_semaphore, #tpu.memory_space<semaphore_mem>>
        tpu.enqueue_indirect_dma source(%dma_start3A_661 : memref<1000000x64xf32, #tpu.memory_space<hbm>>) target(%dma_start3A_655 : memref<40x64xf32, #tpu.memory_space<vmem>>) offsets(%dma_start3A_658 : memref<40xi32, #tpu.memory_space<vmem>>) semaphore(%dma_start3A_663 : memref<!tpu.dma_semaphore, #tpu.memory_space<semaphore_mem>>)
        %dma_start3A_664 = arith.constant 1 : i32
        %dma_start3A_665 = arith.constant 1 : i32
        %dma_start3A_666 = arith.constant 40 : i32
        %dma_start3A_667 = arith.constant 0 : i32
        %dma_start3A_668 = tpu.memref_slice %arg8[%dma_start3A_664, %dma_start3A_666, %dma_start3A_667] : memref<4x200x64xf32, #tpu.memory_space<vmem>> -> memref<1x40x64xf32, #tpu.memory_space<vmem>>
        %dma_start3A_669 = tpu.memref_squeeze %dma_start3A_668 : memref<1x40x64xf32, #tpu.memory_space<vmem>> -> memref<40x64xf32, #tpu.memory_space<vmem>>
        %dma_start3A_670 = arith.constant 40 : i32
        %dma_start3A_671 = tpu.memref_slice %arg6[%add3A_649, %dma_start3A_670] : memref<32x200xi32, #tpu.memory_space<vmem>> -> memref<1x40xi32, #tpu.memory_space<vmem>>
        %dma_start3A_672 = tpu.memref_squeeze %dma_start3A_671 : memref<1x40xi32, #tpu.memory_space<vmem>> -> memref<40xi32, #tpu.memory_space<vmem>>
        %dma_start3A_673 = arith.constant 0 : i32
        %dma_start3A_674 = arith.constant 0 : i32
        %dma_start3A_675 = tpu.memref_slice %arg4[%dma_start3A_673, %dma_start3A_674] : memref<1000000x64xf32, #tpu.memory_space<hbm>> -> memref<1000000x64xf32, #tpu.memory_space<hbm>>
        %dma_start3A_676 = tpu.memref_slice %arg10[%dma_start3A_665] : memref<4x!tpu.dma_semaphore, #tpu.memory_space<semaphore_mem>> -> memref<1x!tpu.dma_semaphore, #tpu.memory_space<semaphore_mem>>
        %dma_start3A_677 = tpu.memref_squeeze %dma_start3A_676 : memref<1x!tpu.dma_semaphore, #tpu.memory_space<semaphore_mem>> -> memref<!tpu.dma_semaphore, #tpu.memory_space<semaphore_mem>>
        tpu.enqueue_indirect_dma source(%dma_start3A_675 : memref<1000000x64xf32, #tpu.memory_space<hbm>>) target(%dma_start3A_669 : memref<40x64xf32, #tpu.memory_space<vmem>>) offsets(%dma_start3A_672 : memref<40xi32, #tpu.memory_space<vmem>>) semaphore(%dma_start3A_677 : memref<!tpu.dma_semaphore, #tpu.memory_space<semaphore_mem>>)
        %dma_start3A_678 = arith.constant 1 : i32
        %dma_start3A_679 = arith.constant 1 : i32
        %dma_start3A_680 = arith.constant 80 : i32
        %dma_start3A_681 = arith.constant 0 : i32
        %dma_start3A_682 = tpu.memref_slice %arg8[%dma_start3A_678, %dma_start3A_680, %dma_start3A_681] : memref<4x200x64xf32, #tpu.memory_space<vmem>> -> memref<1x40x64xf32, #tpu.memory_space<vmem>>
        %dma_start3A_683 = tpu.memref_squeeze %dma_start3A_682 : memref<1x40x64xf32, #tpu.memory_space<vmem>> -> memref<40x64xf32, #tpu.memory_space<vmem>>
        %dma_start3A_684 = arith.constant 80 : i32
        %dma_start3A_685 = tpu.memref_slice %arg6[%add3A_649, %dma_start3A_684] : memref<32x200xi32, #tpu.memory_space<vmem>> -> memref<1x40xi32, #tpu.memory_space<vmem>>
        %dma_start3A_686 = tpu.memref_squeeze %dma_start3A_685 : memref<1x40xi32, #tpu.memory_space<vmem>> -> memref<40xi32, #tpu.memory_space<vmem>>
        %dma_start3A_687 = arith.constant 0 : i32
        %dma_start3A_688 = arith.constant 0 : i32
        %dma_start3A_689 = tpu.memref_slice %arg4[%dma_start3A_687, %dma_start3A_688] : memref<1000000x64xf32, #tpu.memory_space<hbm>> -> memref<1000000x64xf32, #tpu.memory_space<hbm>>
        %dma_start3A_690 = tpu.memref_slice %arg10[%dma_start3A_679] : memref<4x!tpu.dma_semaphore, #tpu.memory_space<semaphore_mem>> -> memref<1x!tpu.dma_semaphore, #tpu.memory_space<semaphore_mem>>
        %dma_start3A_691 = tpu.memref_squeeze %dma_start3A_690 : memref<1x!tpu.dma_semaphore, #tpu.memory_space<semaphore_mem>> -> memref<!tpu.dma_semaphore, #tpu.memory_space<semaphore_mem>>
        tpu.enqueue_indirect_dma source(%dma_start3A_689 : memref<1000000x64xf32, #tpu.memory_space<hbm>>) target(%dma_start3A_683 : memref<40x64xf32, #tpu.memory_space<vmem>>) offsets(%dma_start3A_686 : memref<40xi32, #tpu.memory_space<vmem>>) semaphore(%dma_start3A_691 : memref<!tpu.dma_semaphore, #tpu.memory_space<semaphore_mem>>)
        %dma_start3A_692 = arith.constant 1 : i32
        %dma_start3A_693 = arith.constant 1 : i32
        %dma_start3A_694 = arith.constant 120 : i32
        %dma_start3A_695 = arith.constant 0 : i32
        %dma_start3A_696 = tpu.memref_slice %arg8[%dma_start3A_692, %dma_start3A_694, %dma_start3A_695] : memref<4x200x64xf32, #tpu.memory_space<vmem>> -> memref<1x40x64xf32, #tpu.memory_space<vmem>>
        %dma_start3A_697 = tpu.memref_squeeze %dma_start3A_696 : memref<1x40x64xf32, #tpu.memory_space<vmem>> -> memref<40x64xf32, #tpu.memory_space<vmem>>
        %dma_start3A_698 = arith.constant 120 : i32
        %dma_start3A_699 = tpu.memref_slice %arg6[%add3A_649, %dma_start3A_698] : memref<32x200xi32, #tpu.memory_space<vmem>> -> memref<1x40xi32, #tpu.memory_space<vmem>>
        %dma_start3A_700 = tpu.memref_squeeze %dma_start3A_699 : memref<1x40xi32, #tpu.memory_space<vmem>> -> memref<40xi32, #tpu.memory_space<vmem>>
        %dma_start3A_701 = arith.constant 0 : i32
        %dma_start3A_702 = arith.constant 0 : i32
        %dma_start3A_703 = tpu.memref_slice %arg4[%dma_start3A_701, %dma_start3A_702] : memref<1000000x64xf32, #tpu.memory_space<hbm>> -> memref<1000000x64xf32, #tpu.memory_space<hbm>>
        %dma_start3A_704 = tpu.memref_slice %arg10[%dma_start3A_693] : memref<4x!tpu.dma_semaphore, #tpu.memory_space<semaphore_mem>> -> memref<1x!tpu.dma_semaphore, #tpu.memory_space<semaphore_mem>>
        %dma_start3A_705 = tpu.memref_squeeze %dma_start3A_704 : memref<1x!tpu.dma_semaphore, #tpu.memory_space<semaphore_mem>> -> memref<!tpu.dma_semaphore, #tpu.memory_space<semaphore_mem>>
        tpu.enqueue_indirect_dma source(%dma_start3A_703 : memref<1000000x64xf32, #tpu.memory_space<hbm>>) target(%dma_start3A_697 : memref<40x64xf32, #tpu.memory_space<vmem>>) offsets(%dma_start3A_700 : memref<40xi32, #tpu.memory_space<vmem>>) semaphore(%dma_start3A_705 : memref<!tpu.dma_semaphore, #tpu.memory_space<semaphore_mem>>)
        %dma_start3A_706 = arith.constant 1 : i32
        %dma_start3A_707 = arith.constant 1 : i32
        %dma_start3A_708 = arith.constant 160 : i32
        %dma_start3A_709 = arith.constant 0 : i32
        %dma_start3A_710 = tpu.memref_slice %arg8[%dma_start3A_706, %dma_start3A_708, %dma_start3A_709] : memref<4x200x64xf32, #tpu.memory_space<vmem>> -> memref<1x40x64xf32, #tpu.memory_space<vmem>>
        %dma_start3A_711 = tpu.memref_squeeze %dma_start3A_710 : memref<1x40x64xf32, #tpu.memory_space<vmem>> -> memref<40x64xf32, #tpu.memory_space<vmem>>
        %dma_start3A_712 = arith.constant 160 : i32
        %dma_start3A_713 = tpu.memref_slice %arg6[%add3A_649, %dma_start3A_712] : memref<32x200xi32, #tpu.memory_space<vmem>> -> memref<1x40xi32, #tpu.memory_space<vmem>>
        %dma_start3A_714 = tpu.memref_squeeze %dma_start3A_713 : memref<1x40xi32, #tpu.memory_space<vmem>> -> memref<40xi32, #tpu.memory_space<vmem>>
        %dma_start3A_715 = arith.constant 0 : i32
        %dma_start3A_716 = arith.constant 0 : i32
        %dma_start3A_717 = tpu.memref_slice %arg4[%dma_start3A_715, %dma_start3A_716] : memref<1000000x64xf32, #tpu.memory_space<hbm>> -> memref<1000000x64xf32, #tpu.memory_space<hbm>>
        %dma_start3A_718 = tpu.memref_slice %arg10[%dma_start3A_707] : memref<4x!tpu.dma_semaphore, #tpu.memory_space<semaphore_mem>> -> memref<1x!tpu.dma_semaphore, #tpu.memory_space<semaphore_mem>>
        %dma_start3A_719 = tpu.memref_squeeze %dma_start3A_718 : memref<1x!tpu.dma_semaphore, #tpu.memory_space<semaphore_mem>> -> memref<!tpu.dma_semaphore, #tpu.memory_space<semaphore_mem>>
        tpu.enqueue_indirect_dma source(%dma_start3A_717 : memref<1000000x64xf32, #tpu.memory_space<hbm>>) target(%dma_start3A_711 : memref<40x64xf32, #tpu.memory_space<vmem>>) offsets(%dma_start3A_714 : memref<40xi32, #tpu.memory_space<vmem>>) semaphore(%dma_start3A_719 : memref<!tpu.dma_semaphore, #tpu.memory_space<semaphore_mem>>)
        %add3A_720 = arith.constant 4 : i32
        %add3A_721 = arith.addi %mul3A_383, %add3A_720 : i32
        %add3A_722 = arith.constant 2 : i32
        %add3A_723 = arith.addi %add3A_721, %add3A_722 : i32
        %dma_start3A_724 = arith.constant 2 : i32
        %dma_start3A_725 = arith.constant 2 : i32
        %dma_start3A_726 = arith.constant 0 : i32
        %dma_start3A_727 = arith.constant 0 : i32
        %dma_start3A_728 = tpu.memref_slice %arg8[%dma_start3A_724, %dma_start3A_726, %dma_start3A_727] : memref<4x200x64xf32, #tpu.memory_space<vmem>> -> memref<1x40x64xf32, #tpu.memory_space<vmem>>
        %dma_start3A_729 = tpu.memref_squeeze %dma_start3A_728 : memref<1x40x64xf32, #tpu.memory_space<vmem>> -> memref<40x64xf32, #tpu.memory_space<vmem>>
        %dma_start3A_730 = arith.constant 0 : i32
        %dma_start3A_731 = tpu.memref_slice %arg6[%add3A_723, %dma_start3A_730] : memref<32x200xi32, #tpu.memory_space<vmem>> -> memref<1x40xi32, #tpu.memory_space<vmem>>
        %dma_start3A_732 = tpu.memref_squeeze %dma_start3A_731 : memref<1x40xi32, #tpu.memory_space<vmem>> -> memref<40xi32, #tpu.memory_space<vmem>>
        %dma_start3A_733 = arith.constant 0 : i32
        %dma_start3A_734 = arith.constant 0 : i32
        %dma_start3A_735 = tpu.memref_slice %arg4[%dma_start3A_733, %dma_start3A_734] : memref<1000000x64xf32, #tpu.memory_space<hbm>> -> memref<1000000x64xf32, #tpu.memory_space<hbm>>
        %dma_start3A_736 = tpu.memref_slice %arg10[%dma_start3A_725] : memref<4x!tpu.dma_semaphore, #tpu.memory_space<semaphore_mem>> -> memref<1x!tpu.dma_semaphore, #tpu.memory_space<semaphore_mem>>
        %dma_start3A_737 = tpu.memref_squeeze %dma_start3A_736 : memref<1x!tpu.dma_semaphore, #tpu.memory_space<semaphore_mem>> -> memref<!tpu.dma_semaphore, #tpu.memory_space<semaphore_mem>>
        tpu.enqueue_indirect_dma source(%dma_start3A_735 : memref<1000000x64xf32, #tpu.memory_space<hbm>>) target(%dma_start3A_729 : memref<40x64xf32, #tpu.memory_space<vmem>>) offsets(%dma_start3A_732 : memref<40xi32, #tpu.memory_space<vmem>>) semaphore(%dma_start3A_737 : memref<!tpu.dma_semaphore, #tpu.memory_space<semaphore_mem>>)
        %dma_start3A_738 = arith.constant 2 : i32
        %dma_start3A_739 = arith.constant 2 : i32
        %dma_start3A_740 = arith.constant 40 : i32
        %dma_start3A_741 = arith.constant 0 : i32
        %dma_start3A_742 = tpu.memref_slice %arg8[%dma_start3A_738, %dma_start3A_740, %dma_start3A_741] : memref<4x200x64xf32, #tpu.memory_space<vmem>> -> memref<1x40x64xf32, #tpu.memory_space<vmem>>
        %dma_start3A_743 = tpu.memref_squeeze %dma_start3A_742 : memref<1x40x64xf32, #tpu.memory_space<vmem>> -> memref<40x64xf32, #tpu.memory_space<vmem>>
        %dma_start3A_744 = arith.constant 40 : i32
        %dma_start3A_745 = tpu.memref_slice %arg6[%add3A_723, %dma_start3A_744] : memref<32x200xi32, #tpu.memory_space<vmem>> -> memref<1x40xi32, #tpu.memory_space<vmem>>
        %dma_start3A_746 = tpu.memref_squeeze %dma_start3A_745 : memref<1x40xi32, #tpu.memory_space<vmem>> -> memref<40xi32, #tpu.memory_space<vmem>>
        %dma_start3A_747 = arith.constant 0 : i32
        %dma_start3A_748 = arith.constant 0 : i32
        %dma_start3A_749 = tpu.memref_slice %arg4[%dma_start3A_747, %dma_start3A_748] : memref<1000000x64xf32, #tpu.memory_space<hbm>> -> memref<1000000x64xf32, #tpu.memory_space<hbm>>
        %dma_start3A_750 = tpu.memref_slice %arg10[%dma_start3A_739] : memref<4x!tpu.dma_semaphore, #tpu.memory_space<semaphore_mem>> -> memref<1x!tpu.dma_semaphore, #tpu.memory_space<semaphore_mem>>
        %dma_start3A_751 = tpu.memref_squeeze %dma_start3A_750 : memref<1x!tpu.dma_semaphore, #tpu.memory_space<semaphore_mem>> -> memref<!tpu.dma_semaphore, #tpu.memory_space<semaphore_mem>>
        tpu.enqueue_indirect_dma source(%dma_start3A_749 : memref<1000000x64xf32, #tpu.memory_space<hbm>>) target(%dma_start3A_743 : memref<40x64xf32, #tpu.memory_space<vmem>>) offsets(%dma_start3A_746 : memref<40xi32, #tpu.memory_space<vmem>>) semaphore(%dma_start3A_751 : memref<!tpu.dma_semaphore, #tpu.memory_space<semaphore_mem>>)
        %dma_start3A_752 = arith.constant 2 : i32
        %dma_start3A_753 = arith.constant 2 : i32
        %dma_start3A_754 = arith.constant 80 : i32
        %dma_start3A_755 = arith.constant 0 : i32
        %dma_start3A_756 = tpu.memref_slice %arg8[%dma_start3A_752, %dma_start3A_754, %dma_start3A_755] : memref<4x200x64xf32, #tpu.memory_space<vmem>> -> memref<1x40x64xf32, #tpu.memory_space<vmem>>
        %dma_start3A_757 = tpu.memref_squeeze %dma_start3A_756 : memref<1x40x64xf32, #tpu.memory_space<vmem>> -> memref<40x64xf32, #tpu.memory_space<vmem>>
        %dma_start3A_758 = arith.constant 80 : i32
        %dma_start3A_759 = tpu.memref_slice %arg6[%add3A_723, %dma_start3A_758] : memref<32x200xi32, #tpu.memory_space<vmem>> -> memref<1x40xi32, #tpu.memory_space<vmem>>
        %dma_start3A_760 = tpu.memref_squeeze %dma_start3A_759 : memref<1x40xi32, #tpu.memory_space<vmem>> -> memref<40xi32, #tpu.memory_space<vmem>>
        %dma_start3A_761 = arith.constant 0 : i32
        %dma_start3A_762 = arith.constant 0 : i32
        %dma_start3A_763 = tpu.memref_slice %arg4[%dma_start3A_761, %dma_start3A_762] : memref<1000000x64xf32, #tpu.memory_space<hbm>> -> memref<1000000x64xf32, #tpu.memory_space<hbm>>
        %dma_start3A_764 = tpu.memref_slice %arg10[%dma_start3A_753] : memref<4x!tpu.dma_semaphore, #tpu.memory_space<semaphore_mem>> -> memref<1x!tpu.dma_semaphore, #tpu.memory_space<semaphore_mem>>
        %dma_start3A_765 = tpu.memref_squeeze %dma_start3A_764 : memref<1x!tpu.dma_semaphore, #tpu.memory_space<semaphore_mem>> -> memref<!tpu.dma_semaphore, #tpu.memory_space<semaphore_mem>>
        tpu.enqueue_indirect_dma source(%dma_start3A_763 : memref<1000000x64xf32, #tpu.memory_space<hbm>>) target(%dma_start3A_757 : memref<40x64xf32, #tpu.memory_space<vmem>>) offsets(%dma_start3A_760 : memref<40xi32, #tpu.memory_space<vmem>>) semaphore(%dma_start3A_765 : memref<!tpu.dma_semaphore, #tpu.memory_space<semaphore_mem>>)
        %dma_start3A_766 = arith.constant 2 : i32
        %dma_start3A_767 = arith.constant 2 : i32
        %dma_start3A_768 = arith.constant 120 : i32
        %dma_start3A_769 = arith.constant 0 : i32
        %dma_start3A_770 = tpu.memref_slice %arg8[%dma_start3A_766, %dma_start3A_768, %dma_start3A_769] : memref<4x200x64xf32, #tpu.memory_space<vmem>> -> memref<1x40x64xf32, #tpu.memory_space<vmem>>
        %dma_start3A_771 = tpu.memref_squeeze %dma_start3A_770 : memref<1x40x64xf32, #tpu.memory_space<vmem>> -> memref<40x64xf32, #tpu.memory_space<vmem>>
        %dma_start3A_772 = arith.constant 120 : i32
        %dma_start3A_773 = tpu.memref_slice %arg6[%add3A_723, %dma_start3A_772] : memref<32x200xi32, #tpu.memory_space<vmem>> -> memref<1x40xi32, #tpu.memory_space<vmem>>
        %dma_start3A_774 = tpu.memref_squeeze %dma_start3A_773 : memref<1x40xi32, #tpu.memory_space<vmem>> -> memref<40xi32, #tpu.memory_space<vmem>>
        %dma_start3A_775 = arith.constant 0 : i32
        %dma_start3A_776 = arith.constant 0 : i32
        %dma_start3A_777 = tpu.memref_slice %arg4[%dma_start3A_775, %dma_start3A_776] : memref<1000000x64xf32, #tpu.memory_space<hbm>> -> memref<1000000x64xf32, #tpu.memory_space<hbm>>
        %dma_start3A_778 = tpu.memref_slice %arg10[%dma_start3A_767] : memref<4x!tpu.dma_semaphore, #tpu.memory_space<semaphore_mem>> -> memref<1x!tpu.dma_semaphore, #tpu.memory_space<semaphore_mem>>
        %dma_start3A_779 = tpu.memref_squeeze %dma_start3A_778 : memref<1x!tpu.dma_semaphore, #tpu.memory_space<semaphore_mem>> -> memref<!tpu.dma_semaphore, #tpu.memory_space<semaphore_mem>>
        tpu.enqueue_indirect_dma source(%dma_start3A_777 : memref<1000000x64xf32, #tpu.memory_space<hbm>>) target(%dma_start3A_771 : memref<40x64xf32, #tpu.memory_space<vmem>>) offsets(%dma_start3A_774 : memref<40xi32, #tpu.memory_space<vmem>>) semaphore(%dma_start3A_779 : memref<!tpu.dma_semaphore, #tpu.memory_space<semaphore_mem>>)
        %dma_start3A_780 = arith.constant 2 : i32
        %dma_start3A_781 = arith.constant 2 : i32
        %dma_start3A_782 = arith.constant 160 : i32
        %dma_start3A_783 = arith.constant 0 : i32
        %dma_start3A_784 = tpu.memref_slice %arg8[%dma_start3A_780, %dma_start3A_782, %dma_start3A_783] : memref<4x200x64xf32, #tpu.memory_space<vmem>> -> memref<1x40x64xf32, #tpu.memory_space<vmem>>
        %dma_start3A_785 = tpu.memref_squeeze %dma_start3A_784 : memref<1x40x64xf32, #tpu.memory_space<vmem>> -> memref<40x64xf32, #tpu.memory_space<vmem>>
        %dma_start3A_786 = arith.constant 160 : i32
        %dma_start3A_787 = tpu.memref_slice %arg6[%add3A_723, %dma_start3A_786] : memref<32x200xi32, #tpu.memory_space<vmem>> -> memref<1x40xi32, #tpu.memory_space<vmem>>
        %dma_start3A_788 = tpu.memref_squeeze %dma_start3A_787 : memref<1x40xi32, #tpu.memory_space<vmem>> -> memref<40xi32, #tpu.memory_space<vmem>>
        %dma_start3A_789 = arith.constant 0 : i32
        %dma_start3A_790 = arith.constant 0 : i32
        %dma_start3A_791 = tpu.memref_slice %arg4[%dma_start3A_789, %dma_start3A_790] : memref<1000000x64xf32, #tpu.memory_space<hbm>> -> memref<1000000x64xf32, #tpu.memory_space<hbm>>
        %dma_start3A_792 = tpu.memref_slice %arg10[%dma_start3A_781] : memref<4x!tpu.dma_semaphore, #tpu.memory_space<semaphore_mem>> -> memref<1x!tpu.dma_semaphore, #tpu.memory_space<semaphore_mem>>
        %dma_start3A_793 = tpu.memref_squeeze %dma_start3A_792 : memref<1x!tpu.dma_semaphore, #tpu.memory_space<semaphore_mem>> -> memref<!tpu.dma_semaphore, #tpu.memory_space<semaphore_mem>>
        tpu.enqueue_indirect_dma source(%dma_start3A_791 : memref<1000000x64xf32, #tpu.memory_space<hbm>>) target(%dma_start3A_785 : memref<40x64xf32, #tpu.memory_space<vmem>>) offsets(%dma_start3A_788 : memref<40xi32, #tpu.memory_space<vmem>>) semaphore(%dma_start3A_793 : memref<!tpu.dma_semaphore, #tpu.memory_space<semaphore_mem>>)
        %add3A_794 = arith.constant 4 : i32
        %add3A_795 = arith.addi %mul3A_383, %add3A_794 : i32
        %add3A_796 = arith.constant 3 : i32
        %add3A_797 = arith.addi %add3A_795, %add3A_796 : i32
        %dma_start3A_798 = arith.constant 3 : i32
        %dma_start3A_799 = arith.constant 3 : i32
        %dma_start3A_800 = arith.constant 0 : i32
        %dma_start3A_801 = arith.constant 0 : i32
        %dma_start3A_802 = tpu.memref_slice %arg8[%dma_start3A_798, %dma_start3A_800, %dma_start3A_801] : memref<4x200x64xf32, #tpu.memory_space<vmem>> -> memref<1x40x64xf32, #tpu.memory_space<vmem>>
        %dma_start3A_803 = tpu.memref_squeeze %dma_start3A_802 : memref<1x40x64xf32, #tpu.memory_space<vmem>> -> memref<40x64xf32, #tpu.memory_space<vmem>>
        %dma_start3A_804 = arith.constant 0 : i32
        %dma_start3A_805 = tpu.memref_slice %arg6[%add3A_797, %dma_start3A_804] : memref<32x200xi32, #tpu.memory_space<vmem>> -> memref<1x40xi32, #tpu.memory_space<vmem>>
        %dma_start3A_806 = tpu.memref_squeeze %dma_start3A_805 : memref<1x40xi32, #tpu.memory_space<vmem>> -> memref<40xi32, #tpu.memory_space<vmem>>
        %dma_start3A_807 = arith.constant 0 : i32
        %dma_start3A_808 = arith.constant 0 : i32
        %dma_start3A_809 = tpu.memref_slice %arg4[%dma_start3A_807, %dma_start3A_808] : memref<1000000x64xf32, #tpu.memory_space<hbm>> -> memref<1000000x64xf32, #tpu.memory_space<hbm>>
        %dma_start3A_810 = tpu.memref_slice %arg10[%dma_start3A_799] : memref<4x!tpu.dma_semaphore, #tpu.memory_space<semaphore_mem>> -> memref<1x!tpu.dma_semaphore, #tpu.memory_space<semaphore_mem>>
        %dma_start3A_811 = tpu.memref_squeeze %dma_start3A_810 : memref<1x!tpu.dma_semaphore, #tpu.memory_space<semaphore_mem>> -> memref<!tpu.dma_semaphore, #tpu.memory_space<semaphore_mem>>
        tpu.enqueue_indirect_dma source(%dma_start3A_809 : memref<1000000x64xf32, #tpu.memory_space<hbm>>) target(%dma_start3A_803 : memref<40x64xf32, #tpu.memory_space<vmem>>) offsets(%dma_start3A_806 : memref<40xi32, #tpu.memory_space<vmem>>) semaphore(%dma_start3A_811 : memref<!tpu.dma_semaphore, #tpu.memory_space<semaphore_mem>>)
        %dma_start3A_812 = arith.constant 3 : i32
        %dma_start3A_813 = arith.constant 3 : i32
        %dma_start3A_814 = arith.constant 40 : i32
        %dma_start3A_815 = arith.constant 0 : i32
        %dma_start3A_816 = tpu.memref_slice %arg8[%dma_start3A_812, %dma_start3A_814, %dma_start3A_815] : memref<4x200x64xf32, #tpu.memory_space<vmem>> -> memref<1x40x64xf32, #tpu.memory_space<vmem>>
        %dma_start3A_817 = tpu.memref_squeeze %dma_start3A_816 : memref<1x40x64xf32, #tpu.memory_space<vmem>> -> memref<40x64xf32, #tpu.memory_space<vmem>>
        %dma_start3A_818 = arith.constant 40 : i32
        %dma_start3A_819 = tpu.memref_slice %arg6[%add3A_797, %dma_start3A_818] : memref<32x200xi32, #tpu.memory_space<vmem>> -> memref<1x40xi32, #tpu.memory_space<vmem>>
        %dma_start3A_820 = tpu.memref_squeeze %dma_start3A_819 : memref<1x40xi32, #tpu.memory_space<vmem>> -> memref<40xi32, #tpu.memory_space<vmem>>
        %dma_start3A_821 = arith.constant 0 : i32
        %dma_start3A_822 = arith.constant 0 : i32
        %dma_start3A_823 = tpu.memref_slice %arg4[%dma_start3A_821, %dma_start3A_822] : memref<1000000x64xf32, #tpu.memory_space<hbm>> -> memref<1000000x64xf32, #tpu.memory_space<hbm>>
        %dma_start3A_824 = tpu.memref_slice %arg10[%dma_start3A_813] : memref<4x!tpu.dma_semaphore, #tpu.memory_space<semaphore_mem>> -> memref<1x!tpu.dma_semaphore, #tpu.memory_space<semaphore_mem>>
        %dma_start3A_825 = tpu.memref_squeeze %dma_start3A_824 : memref<1x!tpu.dma_semaphore, #tpu.memory_space<semaphore_mem>> -> memref<!tpu.dma_semaphore, #tpu.memory_space<semaphore_mem>>
        tpu.enqueue_indirect_dma source(%dma_start3A_823 : memref<1000000x64xf32, #tpu.memory_space<hbm>>) target(%dma_start3A_817 : memref<40x64xf32, #tpu.memory_space<vmem>>) offsets(%dma_start3A_820 : memref<40xi32, #tpu.memory_space<vmem>>) semaphore(%dma_start3A_825 : memref<!tpu.dma_semaphore, #tpu.memory_space<semaphore_mem>>)
        %dma_start3A_826 = arith.constant 3 : i32
        %dma_start3A_827 = arith.constant 3 : i32
        %dma_start3A_828 = arith.constant 80 : i32
        %dma_start3A_829 = arith.constant 0 : i32
        %dma_start3A_830 = tpu.memref_slice %arg8[%dma_start3A_826, %dma_start3A_828, %dma_start3A_829] : memref<4x200x64xf32, #tpu.memory_space<vmem>> -> memref<1x40x64xf32, #tpu.memory_space<vmem>>
        %dma_start3A_831 = tpu.memref_squeeze %dma_start3A_830 : memref<1x40x64xf32, #tpu.memory_space<vmem>> -> memref<40x64xf32, #tpu.memory_space<vmem>>
        %dma_start3A_832 = arith.constant 80 : i32
        %dma_start3A_833 = tpu.memref_slice %arg6[%add3A_797, %dma_start3A_832] : memref<32x200xi32, #tpu.memory_space<vmem>> -> memref<1x40xi32, #tpu.memory_space<vmem>>
        %dma_start3A_834 = tpu.memref_squeeze %dma_start3A_833 : memref<1x40xi32, #tpu.memory_space<vmem>> -> memref<40xi32, #tpu.memory_space<vmem>>
        %dma_start3A_835 = arith.constant 0 : i32
        %dma_start3A_836 = arith.constant 0 : i32
        %dma_start3A_837 = tpu.memref_slice %arg4[%dma_start3A_835, %dma_start3A_836] : memref<1000000x64xf32, #tpu.memory_space<hbm>> -> memref<1000000x64xf32, #tpu.memory_space<hbm>>
        %dma_start3A_838 = tpu.memref_slice %arg10[%dma_start3A_827] : memref<4x!tpu.dma_semaphore, #tpu.memory_space<semaphore_mem>> -> memref<1x!tpu.dma_semaphore, #tpu.memory_space<semaphore_mem>>
        %dma_start3A_839 = tpu.memref_squeeze %dma_start3A_838 : memref<1x!tpu.dma_semaphore, #tpu.memory_space<semaphore_mem>> -> memref<!tpu.dma_semaphore, #tpu.memory_space<semaphore_mem>>
        tpu.enqueue_indirect_dma source(%dma_start3A_837 : memref<1000000x64xf32, #tpu.memory_space<hbm>>) target(%dma_start3A_831 : memref<40x64xf32, #tpu.memory_space<vmem>>) offsets(%dma_start3A_834 : memref<40xi32, #tpu.memory_space<vmem>>) semaphore(%dma_start3A_839 : memref<!tpu.dma_semaphore, #tpu.memory_space<semaphore_mem>>)
        %dma_start3A_840 = arith.constant 3 : i32
        %dma_start3A_841 = arith.constant 3 : i32
        %dma_start3A_842 = arith.constant 120 : i32
        %dma_start3A_843 = arith.constant 0 : i32
        %dma_start3A_844 = tpu.memref_slice %arg8[%dma_start3A_840, %dma_start3A_842, %dma_start3A_843] : memref<4x200x64xf32, #tpu.memory_space<vmem>> -> memref<1x40x64xf32, #tpu.memory_space<vmem>>
        %dma_start3A_845 = tpu.memref_squeeze %dma_start3A_844 : memref<1x40x64xf32, #tpu.memory_space<vmem>> -> memref<40x64xf32, #tpu.memory_space<vmem>>
        %dma_start3A_846 = arith.constant 120 : i32
        %dma_start3A_847 = tpu.memref_slice %arg6[%add3A_797, %dma_start3A_846] : memref<32x200xi32, #tpu.memory_space<vmem>> -> memref<1x40xi32, #tpu.memory_space<vmem>>
        %dma_start3A_848 = tpu.memref_squeeze %dma_start3A_847 : memref<1x40xi32, #tpu.memory_space<vmem>> -> memref<40xi32, #tpu.memory_space<vmem>>
        %dma_start3A_849 = arith.constant 0 : i32
        %dma_start3A_850 = arith.constant 0 : i32
        %dma_start3A_851 = tpu.memref_slice %arg4[%dma_start3A_849, %dma_start3A_850] : memref<1000000x64xf32, #tpu.memory_space<hbm>> -> memref<1000000x64xf32, #tpu.memory_space<hbm>>
        %dma_start3A_852 = tpu.memref_slice %arg10[%dma_start3A_841] : memref<4x!tpu.dma_semaphore, #tpu.memory_space<semaphore_mem>> -> memref<1x!tpu.dma_semaphore, #tpu.memory_space<semaphore_mem>>
        %dma_start3A_853 = tpu.memref_squeeze %dma_start3A_852 : memref<1x!tpu.dma_semaphore, #tpu.memory_space<semaphore_mem>> -> memref<!tpu.dma_semaphore, #tpu.memory_space<semaphore_mem>>
        tpu.enqueue_indirect_dma source(%dma_start3A_851 : memref<1000000x64xf32, #tpu.memory_space<hbm>>) target(%dma_start3A_845 : memref<40x64xf32, #tpu.memory_space<vmem>>) offsets(%dma_start3A_848 : memref<40xi32, #tpu.memory_space<vmem>>) semaphore(%dma_start3A_853 : memref<!tpu.dma_semaphore, #tpu.memory_space<semaphore_mem>>)
        %dma_start3A_854 = arith.constant 3 : i32
        %dma_start3A_855 = arith.constant 3 : i32
        %dma_start3A_856 = arith.constant 160 : i32
        %dma_start3A_857 = arith.constant 0 : i32
        %dma_start3A_858 = tpu.memref_slice %arg8[%dma_start3A_854, %dma_start3A_856, %dma_start3A_857] : memref<4x200x64xf32, #tpu.memory_space<vmem>> -> memref<1x40x64xf32, #tpu.memory_space<vmem>>
        %dma_start3A_859 = tpu.memref_squeeze %dma_start3A_858 : memref<1x40x64xf32, #tpu.memory_space<vmem>> -> memref<40x64xf32, #tpu.memory_space<vmem>>
        %dma_start3A_860 = arith.constant 160 : i32
        %dma_start3A_861 = tpu.memref_slice %arg6[%add3A_797, %dma_start3A_860] : memref<32x200xi32, #tpu.memory_space<vmem>> -> memref<1x40xi32, #tpu.memory_space<vmem>>
        %dma_start3A_862 = tpu.memref_squeeze %dma_start3A_861 : memref<1x40xi32, #tpu.memory_space<vmem>> -> memref<40xi32, #tpu.memory_space<vmem>>
        %dma_start3A_863 = arith.constant 0 : i32
        %dma_start3A_864 = arith.constant 0 : i32
        %dma_start3A_865 = tpu.memref_slice %arg4[%dma_start3A_863, %dma_start3A_864] : memref<1000000x64xf32, #tpu.memory_space<hbm>> -> memref<1000000x64xf32, #tpu.memory_space<hbm>>
        %dma_start3A_866 = tpu.memref_slice %arg10[%dma_start3A_855] : memref<4x!tpu.dma_semaphore, #tpu.memory_space<semaphore_mem>> -> memref<1x!tpu.dma_semaphore, #tpu.memory_space<semaphore_mem>>
        %dma_start3A_867 = tpu.memref_squeeze %dma_start3A_866 : memref<1x!tpu.dma_semaphore, #tpu.memory_space<semaphore_mem>> -> memref<!tpu.dma_semaphore, #tpu.memory_space<semaphore_mem>>
        tpu.enqueue_indirect_dma source(%dma_start3A_865 : memref<1000000x64xf32, #tpu.memory_space<hbm>>) target(%dma_start3A_859 : memref<40x64xf32, #tpu.memory_space<vmem>>) offsets(%dma_start3A_862 : memref<40xi32, #tpu.memory_space<vmem>>) semaphore(%dma_start3A_867 : memref<!tpu.dma_semaphore, #tpu.memory_space<semaphore_mem>>)
      } else {
      }
    }
    %scan3A_305 = arith.constant 8 : i32
    %dma_wait3A = arith.constant 0 : i32
    %dma_wait3A_306 = arith.constant 0 : i32
    %dma_wait3A_307 = arith.constant 0 : i32
    %dma_wait3A_308 = arith.constant 0 : i32
    %dma_wait3A_309 = tpu.memref_slice %arg9[%dma_wait3A, %dma_wait3A_307, %dma_wait3A_308] : memref<4x100x128xf32, #tpu.memory_space<vmem>> -> memref<1x100x128xf32, #tpu.memory_space<vmem>>
    %dma_wait3A_310 = tpu.memref_squeeze %dma_wait3A_309 : memref<1x100x128xf32, #tpu.memory_space<vmem>> -> memref<100x128xf32, #tpu.memory_space<vmem>>
    %dma_wait3A_311 = arith.constant 0 : i32
    %dma_wait3A_312 = arith.constant 0 : i32
    %dma_wait3A_313 = tpu.memref_slice %arg5[%dma_wait3A_311, %dma_wait3A_312] : memref<102400x128xf32, #tpu.memory_space<hbm>> -> memref<100x128xf32, #tpu.memory_space<hbm>>
    %dma_wait3A_314 = tpu.memref_slice %arg11[%dma_wait3A_306] : memref<4x!tpu.dma_semaphore, #tpu.memory_space<semaphore_mem>> -> memref<1x!tpu.dma_semaphore, #tpu.memory_space<semaphore_mem>>
    %dma_wait3A_315 = tpu.memref_squeeze %dma_wait3A_314 : memref<1x!tpu.dma_semaphore, #tpu.memory_space<semaphore_mem>> -> memref<!tpu.dma_semaphore, #tpu.memory_space<semaphore_mem>>
    %dma_wait3A_316 = arith.constant 0 : i32
    %dma_wait3A_317 = arith.constant 0 : i32
    %dma_wait3A_318 = tpu.memref_slice %arg5[%dma_wait3A_316, %dma_wait3A_317] : memref<102400x128xf32, #tpu.memory_space<hbm>> -> memref<100x128xf32, #tpu.memory_space<hbm>>
    %dma_wait3A_319 = arith.constant 0 : i32
    %dma_wait3A_320 = arith.constant 0 : i32
    %dma_wait3A_321 = tpu.memref_slice %arg9[%dma_wait3A, %dma_wait3A_319, %dma_wait3A_320] : memref<4x100x128xf32, #tpu.memory_space<vmem>> -> memref<1x100x128xf32, #tpu.memory_space<vmem>>
    %dma_wait3A_322 = tpu.memref_squeeze %dma_wait3A_321 : memref<1x100x128xf32, #tpu.memory_space<vmem>> -> memref<100x128xf32, #tpu.memory_space<vmem>>
    tpu.wait_dma2 semaphore(%dma_wait3A_315 : memref<!tpu.dma_semaphore, #tpu.memory_space<semaphore_mem>>) src(%dma_wait3A_322 : memref<100x128xf32, #tpu.memory_space<vmem>>) dst(%dma_wait3A_318 : memref<100x128xf32, #tpu.memory_space<hbm>>)
    %dma_wait3A_323 = arith.constant 1 : i32
    %dma_wait3A_324 = arith.constant 1 : i32
    %dma_wait3A_325 = arith.constant 0 : i32
    %dma_wait3A_326 = arith.constant 0 : i32
    %dma_wait3A_327 = tpu.memref_slice %arg9[%dma_wait3A_323, %dma_wait3A_325, %dma_wait3A_326] : memref<4x100x128xf32, #tpu.memory_space<vmem>> -> memref<1x100x128xf32, #tpu.memory_space<vmem>>
    %dma_wait3A_328 = tpu.memref_squeeze %dma_wait3A_327 : memref<1x100x128xf32, #tpu.memory_space<vmem>> -> memref<100x128xf32, #tpu.memory_space<vmem>>
    %dma_wait3A_329 = arith.constant 0 : i32
    %dma_wait3A_330 = arith.constant 0 : i32
    %dma_wait3A_331 = tpu.memref_slice %arg5[%dma_wait3A_329, %dma_wait3A_330] : memref<102400x128xf32, #tpu.memory_space<hbm>> -> memref<100x128xf32, #tpu.memory_space<hbm>>
    %dma_wait3A_332 = tpu.memref_slice %arg11[%dma_wait3A_324] : memref<4x!tpu.dma_semaphore, #tpu.memory_space<semaphore_mem>> -> memref<1x!tpu.dma_semaphore, #tpu.memory_space<semaphore_mem>>
    %dma_wait3A_333 = tpu.memref_squeeze %dma_wait3A_332 : memref<1x!tpu.dma_semaphore, #tpu.memory_space<semaphore_mem>> -> memref<!tpu.dma_semaphore, #tpu.memory_space<semaphore_mem>>
    %dma_wait3A_334 = arith.constant 0 : i32
    %dma_wait3A_335 = arith.constant 0 : i32
    %dma_wait3A_336 = tpu.memref_slice %arg5[%dma_wait3A_334, %dma_wait3A_335] : memref<102400x128xf32, #tpu.memory_space<hbm>> -> memref<100x128xf32, #tpu.memory_space<hbm>>
    %dma_wait3A_337 = arith.constant 0 : i32
    %dma_wait3A_338 = arith.constant 0 : i32
    %dma_wait3A_339 = tpu.memref_slice %arg9[%dma_wait3A_323, %dma_wait3A_337, %dma_wait3A_338] : memref<4x100x128xf32, #tpu.memory_space<vmem>> -> memref<1x100x128xf32, #tpu.memory_space<vmem>>
    %dma_wait3A_340 = tpu.memref_squeeze %dma_wait3A_339 : memref<1x100x128xf32, #tpu.memory_space<vmem>> -> memref<100x128xf32, #tpu.memory_space<vmem>>
    tpu.wait_dma2 semaphore(%dma_wait3A_333 : memref<!tpu.dma_semaphore, #tpu.memory_space<semaphore_mem>>) src(%dma_wait3A_340 : memref<100x128xf32, #tpu.memory_space<vmem>>) dst(%dma_wait3A_336 : memref<100x128xf32, #tpu.memory_space<hbm>>)
    %dma_wait3A_341 = arith.constant 2 : i32
    %dma_wait3A_342 = arith.constant 2 : i32
    %dma_wait3A_343 = arith.constant 0 : i32
    %dma_wait3A_344 = arith.constant 0 : i32
    %dma_wait3A_345 = tpu.memref_slice %arg9[%dma_wait3A_341, %dma_wait3A_343, %dma_wait3A_344] : memref<4x100x128xf32, #tpu.memory_space<vmem>> -> memref<1x100x128xf32, #tpu.memory_space<vmem>>
    %dma_wait3A_346 = tpu.memref_squeeze %dma_wait3A_345 : memref<1x100x128xf32, #tpu.memory_space<vmem>> -> memref<100x128xf32, #tpu.memory_space<vmem>>
    %dma_wait3A_347 = arith.constant 0 : i32
    %dma_wait3A_348 = arith.constant 0 : i32
    %dma_wait3A_349 = tpu.memref_slice %arg5[%dma_wait3A_347, %dma_wait3A_348] : memref<102400x128xf32, #tpu.memory_space<hbm>> -> memref<100x128xf32, #tpu.memory_space<hbm>>
    %dma_wait3A_350 = tpu.memref_slice %arg11[%dma_wait3A_342] : memref<4x!tpu.dma_semaphore, #tpu.memory_space<semaphore_mem>> -> memref<1x!tpu.dma_semaphore, #tpu.memory_space<semaphore_mem>>
    %dma_wait3A_351 = tpu.memref_squeeze %dma_wait3A_350 : memref<1x!tpu.dma_semaphore, #tpu.memory_space<semaphore_mem>> -> memref<!tpu.dma_semaphore, #tpu.memory_space<semaphore_mem>>
    %dma_wait3A_352 = arith.constant 0 : i32
    %dma_wait3A_353 = arith.constant 0 : i32
    %dma_wait3A_354 = tpu.memref_slice %arg5[%dma_wait3A_352, %dma_wait3A_353] : memref<102400x128xf32, #tpu.memory_space<hbm>> -> memref<100x128xf32, #tpu.memory_space<hbm>>
    %dma_wait3A_355 = arith.constant 0 : i32
    %dma_wait3A_356 = arith.constant 0 : i32
    %dma_wait3A_357 = tpu.memref_slice %arg9[%dma_wait3A_341, %dma_wait3A_355, %dma_wait3A_356] : memref<4x100x128xf32, #tpu.memory_space<vmem>> -> memref<1x100x128xf32, #tpu.memory_space<vmem>>
    %dma_wait3A_358 = tpu.memref_squeeze %dma_wait3A_357 : memref<1x100x128xf32, #tpu.memory_space<vmem>> -> memref<100x128xf32, #tpu.memory_space<vmem>>
    tpu.wait_dma2 semaphore(%dma_wait3A_351 : memref<!tpu.dma_semaphore, #tpu.memory_space<semaphore_mem>>) src(%dma_wait3A_358 : memref<100x128xf32, #tpu.memory_space<vmem>>) dst(%dma_wait3A_354 : memref<100x128xf32, #tpu.memory_space<hbm>>)
    %dma_wait3A_359 = arith.constant 3 : i32
    %dma_wait3A_360 = arith.constant 3 : i32
    %dma_wait3A_361 = arith.constant 0 : i32
    %dma_wait3A_362 = arith.constant 0 : i32
    %dma_wait3A_363 = tpu.memref_slice %arg9[%dma_wait3A_359, %dma_wait3A_361, %dma_wait3A_362] : memref<4x100x128xf32, #tpu.memory_space<vmem>> -> memref<1x100x128xf32, #tpu.memory_space<vmem>>
    %dma_wait3A_364 = tpu.memref_squeeze %dma_wait3A_363 : memref<1x100x128xf32, #tpu.memory_space<vmem>> -> memref<100x128xf32, #tpu.memory_space<vmem>>
    %dma_wait3A_365 = arith.constant 0 : i32
    %dma_wait3A_366 = arith.constant 0 : i32
    %dma_wait3A_367 = tpu.memref_slice %arg5[%dma_wait3A_365, %dma_wait3A_366] : memref<102400x128xf32, #tpu.memory_space<hbm>> -> memref<100x128xf32, #tpu.memory_space<hbm>>
    %dma_wait3A_368 = tpu.memref_slice %arg11[%dma_wait3A_360] : memref<4x!tpu.dma_semaphore, #tpu.memory_space<semaphore_mem>> -> memref<1x!tpu.dma_semaphore, #tpu.memory_space<semaphore_mem>>
    %dma_wait3A_369 = tpu.memref_squeeze %dma_wait3A_368 : memref<1x!tpu.dma_semaphore, #tpu.memory_space<semaphore_mem>> -> memref<!tpu.dma_semaphore, #tpu.memory_space<semaphore_mem>>
    %dma_wait3A_370 = arith.constant 0 : i32
    %dma_wait3A_371 = arith.constant 0 : i32
    %dma_wait3A_372 = tpu.memref_slice %arg5[%dma_wait3A_370, %dma_wait3A_371] : memref<102400x128xf32, #tpu.memory_space<hbm>> -> memref<100x128xf32, #tpu.memory_space<hbm>>
    %dma_wait3A_373 = arith.constant 0 : i32
    %dma_wait3A_374 = arith.constant 0 : i32
    %dma_wait3A_375 = tpu.memref_slice %arg9[%dma_wait3A_359, %dma_wait3A_373, %dma_wait3A_374] : memref<4x100x128xf32, #tpu.memory_space<vmem>> -> memref<1x100x128xf32, #tpu.memory_space<vmem>>
    %dma_wait3A_376 = tpu.memref_squeeze %dma_wait3A_375 : memref<1x100x128xf32, #tpu.memory_space<vmem>> -> memref<100x128xf32, #tpu.memory_space<vmem>>
    tpu.wait_dma2 semaphore(%dma_wait3A_369 : memref<!tpu.dma_semaphore, #tpu.memory_space<semaphore_mem>>) src(%dma_wait3A_376 : memref<100x128xf32, #tpu.memory_space<vmem>>) dst(%dma_wait3A_372 : memref<100x128xf32, #tpu.memory_space<hbm>>)
    return
  }
}

</mosaic_0001>

<sc_bundles>
// kernel: _pre_layer_sc.3.cloned.1.call-start
scs
__scs_entry_jumppad:
0x0: {  	(pc) =	sbr.rel $0x88, $3  }
0x1: {  	(tag) =	ssettag $0x0;
	lr =	simm.s32 $0x1  }
0x2: {  	[smem:$0x3F9E] =	sst lr;
	_ =	strace $0xD0000000  }
0x3: {  	_ = 	snop  }
0x4: {  	_ = 	snop  }
0x5: {  	_ = 	snop  }
0x6: {  	_ = 	snop  }
0x7: {  	_ = 	snop  }
__scs_overlays_trampoline_lowered:
0x8: {  	[smem:$0x3FAD] =	sst s0  }
0x9: {  	[smem:$0x3FAE] =	sst s1  }
0xa: {  	[smem:$0x3FAF] =	sst s2  }
0xb: {  	[smem:$0x3FB0] =	sst s3  }
0xc: {  	[smem:$0x3FB1] =	sst s4  }
0xd: {  	[smem:$0x3FB2] =	sst s5  }
0xe: {  	[smem:$0x3FB3] =	sst s6  }
0xf: {  	[smem:$0x3FB4] =	sst s7  }
0x10: {  	[smem:$0x3FB5] =	sst s8  }
0x11: {  	[smem:$0x3FB6] =	sst s9;
	s0 =	simm.s32 @!p0 $0x0  }
0x12: {  	s1 =	sld [smem:$0x3F9C];
	s0 =	simm.s32 @p0 $0x1  }
0x13: {  	[smem:$0x3FB7] =	sst s0;
	s0 =	simm.s32 @!p1 $0x0  }
0x14: {  	s2 =	sld [smem:$0x3F9B];
	s0 =	simm.s32 @p1 $0x1  }
0x15: {  	[smem:$0x3FB8] =	sst s0;
	s0 =	simm.s32 @!p2 $0x0  }
0x16: {  	s3 =	sld [smem:$0x3FDB];
	s0 =	simm.s32 @p2 $0x1  }
0x17: {  	s4 =	simm.s32 $0x1BF5;
	[smem:$0x3FBA] =	sst s0  }
0x18: {  	s0 =	sld [smem:$0x3F9D];
	_ =	swait.ge [sflag:s4], $0x0  }
0x19: {  	s7 =	sld [smem:$0x3F9E]  }
0x1a: {  	s8 =	sadd.s32 $0xFFFFE003, lr  }
0x1b: {  	s9 =	sadd.s32 $0xFFFFFEF7, lr;
	s5 =	simm.s32 $0xFFFFFFFF;
	p2 =	slt.u32 s8, $0xFFFFF086  }
0x1c: {  	p1 =	slt.u32 s9, $0xF7A;
	s5 =	simm.s32 @!p2 $0x0  }
0x1d: {  	s5 =	simm.s32 @p1 $0x1;
	p0 =	seq.s32 s7, s2  }
0x1e: {  	s7 =	smul.u32 @!p0 $0xF7A, s2;
	p2 =	seq.s32 @!p0 s5, $0x0  }
0x1f: {  	s9 =	smul.u32 $0xF7A, s1;
	s8 =	simm.s32 @!p0 $0x1BF5;
	p2 =	por !p2, p0  }
0x20: {  	[sflag:s8] =	ssyncset.s32 @!p0 $0xFFFFF086;
	s6 =	sadd.s32 @!p0 s3, s7;
	s7 =	simm.s32 @!p0 $0x108  }
0x21: {  	s3 =	sadd.s32 s3, s9;
	s6 =	sadd.s32 @!p0 $0x88, s6;
	s7 =	simm.s32 @p2 $0x1082  }
0x22: {  	[simem:s7], [sflag:s8] =	dma.local @!p0 [hbm:s6], $0xF7A  }
0x23: {  	s9 =	sor.u32 $0xD0000000, s2;
	s6 =	simm.s32 $0x108;
	_ =	swait.ge @!p0 [sflag:s8], $0x0  }
0x24: {  	s3 =	sadd.s32 $0x88, s3;
	s6 =	simm.s32 @!p1 $0x1082;
	[sflag:s4] =	ssyncset.s32 $0xFFFFF086  }
0x25: {  	[simem:s6], [sflag:s4] =	dma.local [hbm:s3], $0xF7A  }
0x26: {  	[smem:$0x3F9E] =	sst s1;
	(tag) =	ssettag s2;
	_ =	strace s9  }
0x27: {  	s1 =	sld [smem:$0x3FAE]  }
0x28: {  	s2 =	sld [smem:$0x3FAF]  }
0x29: {  	s4 =	sld [smem:$0x3FB1]  }
0x2a: {  	p0 =	seq.s32 s5, $0x0;
	s5 =	sld [smem:$0x3FB2]  }
0x2b: {  	s6 =	sld [smem:$0x3FB3]  }
0x2c: {  	s7 =	sld [smem:$0x3FB4]  }
0x2d: {  	s3 =	simm.s32 $0x108;
	s8 =	sld [smem:$0x3FB5]  }
0x2e: {  	s3 =	simm.s32 @!p0 $0x1082;
	s9 =	sld [smem:$0x3FB6]  }
0x2f: {  	lr =	sadd.s32 s0, s3;
	s0 =	sld [smem:$0x3FAD]  }
0x30: {  	s3 =	sld [smem:$0x3FB0]  }
0x31: {  	[smem:$0x3FB9] =	sst s10  }
0x32: {  	s10 =	sld [smem:$0x3FB7];
	_ =	sdelay $0x3  }
0x33: {  	p0 =	seq.s32 s10, $0x1;
	s10 =	sld [smem:$0x3FB9];
	_ =	sdelay $0x3  }
0x34: {  	[smem:$0x3FB9] =	sst s10  }
0x35: {  	s10 =	sld [smem:$0x3FB8];
	_ =	sdelay $0x3  }
0x36: {  	p1 =	seq.s32 s10, $0x1;
	s10 =	sld [smem:$0x3FB9];
	_ =	sdelay $0x3  }
0x37: {  	[smem:$0x3FB9] =	sst s10  }
0x38: {  	s10 =	sld [smem:$0x3FBA]  }
0x39: {  	_ = 	snop;
	(pc) =	sbr.ind lr, $3  }
0x3a: {  	_ = 	snop  }
0x3b: {  	_ = 	snop  }
0x3c: {  	p2 =	seq.s32 s10, $0x1;
	s10 =	sld [smem:$0x3FB9]  }
0x3d: {  	_ =	shalt  }
0x3e: {  	_ =	shalt  }
0x3f: {  	_ =	shalt  }
0x40: {  	_ =	shalt  }
0x41: {  	_ =	shalt  }
0x42: {  	_ =	shalt  }
0x43: {  	_ =	shalt  }
0x44: {  	_ =	shalt  }
0x45: {  	_ =	shalt  }
0x46: {  	_ =	shalt  }
0x47: {  	_ =	shalt  }
0x48: {  	_ =	shalt  }
0x49: {  	_ =	shalt  }
0x4a: {  	_ =	shalt  }
0x4b: {  	_ =	shalt  }
0x4c: {  	_ =	shalt  }
0x4d: {  	_ =	shalt  }
0x4e: {  	_ =	shalt  }
0x4f: {  	_ =	shalt  }
0x50: {  	_ =	shalt  }
0x51: {  	_ =	shalt  }
0x52: {  	_ =	shalt  }
0x53: {  	_ =	shalt  }
0x54: {  	_ =	shalt  }
0x55: {  	_ =	shalt  }
0x56: {  	_ =	shalt  }
0x57: {  	_ =	shalt  }
0x58: {  	_ =	shalt  }
0x59: {  	_ =	shalt  }
0x5a: {  	_ =	shalt  }
0x5b: {  	_ =	shalt  }
0x5c: {  	_ =	shalt  }
0x5d: {  	_ =	shalt  }
0x5e: {  	_ =	shalt  }
0x5f: {  	_ =	shalt  }
0x60: {  	_ =	shalt  }
0x61: {  	_ =	shalt  }
0x62: {  	_ =	shalt  }
0x63: {  	_ =	shalt  }
0x64: {  	_ =	shalt  }
0x65: {  	_ =	shalt  }
0x66: {  	_ =	shalt  }
0x67: {  	_ =	shalt  }
0x68: {  	_ =	shalt  }
0x69: {  	_ =	shalt  }
0x6a: {  	_ =	shalt  }
0x6b: {  	_ =	shalt  }
0x6c: {  	_ =	shalt  }
0x6d: {  	_ =	shalt  }
0x6e: {  	_ =	shalt  }
0x6f: {  	_ =	shalt  }
0x70: {  	_ =	shalt  }
0x71: {  	_ =	shalt  }
0x72: {  	_ =	shalt  }
0x73: {  	_ =	shalt  }
0x74: {  	_ =	shalt  }
0x75: {  	_ =	shalt  }
0x76: {  	_ =	shalt  }
0x77: {  	_ =	shalt  }
0x78: {  	_ =	shalt  }
0x79: {  	_ =	shalt  }
0x7a: {  	_ =	shalt  }
0x7b: {  	_ =	shalt  }
0x7c: {  	_ =	shalt  }
0x7d: {  	_ =	shalt  }
0x7e: {  	_ =	shalt  }
0x7f: {  	_ =	shalt  }
0x80: {  	_ =	shalt  }
0x81: {  	_ =	shalt  }
0x82: {  	_ =	shalt  }
0x83: {  	_ =	shalt  }
0x84: {  	_ =	shalt  }
0x85: {  	_ =	shalt  }
0x86: {  	_ =	shalt  }
0x87: {  	_ =	shalt  }
.Lfunc_end0:
.L_simem_size_0:
called_computation_lowered:
.L_overlay_start_0:
0x88: {  	s2 =	sld [smem:$0x3FD9]  }
0x89: {  	s3 =	sld [smem:$0x3FFE];
	_ =	sdelay $0x1  }
0x8a: {  	s1 =	srdreg.scid  }
0x8b: {  	s0 =	sand.u32 $0x1, s1  }
0x8c: {  	s17 =	sshll.u32 s0, $0xA;
	s2 =	sadd.s32 s3, s2  }
0x8d: {  	s2 =	sadd.s32 s2, s17  }
0x8e: {  	[smem:$0x3FC5] =	sst s2  }
0x8f: {  	_ = 	snop  }
0x90: {  	s2 =	sld [smem:$0x3FD0];
	(tm) =	ssettm $0x1  }
0x91: {  	s18 =	sld [smem:$0x3FFB];
	_ =	sdelay $0x3  }
0x92: {  	_ =	strace s18  }
0x93: {  	s3 =	sld [smem:$0x3FFC];
	_ =	sdelay $0x3  }
0x94: {  	_ =	strace s3  }
0x95: {  	s3 =	sld [smem:$0x3FFD];
	_ =	sdelay $0x3  }
0x96: {  	_ =	strace s3  }
0x97: {  	_ =	strace $0x8FFFFFFF  }
0x98: {  	s19 =	sld [smem:$0x3FDB];
	_ =	sdelay $0x1  }
0x99: {  	s4 =	simm.s32 $_scs_section_size  }
0x9a: {  	s5 =	simm.s32 $_size__tile_overlayer_lowered;
	s6 =	simm.s32 $_tile_overlayer_lowered  }
0x9b: {  	s22 =	simm.s32 $0x1BFF;
	s21 =	sshll.u32 s6, $0x1;
	s3 =	sadd.s32 s4, s19  }
0x9c: {  	s7 =	simm.s32 $0x0;
	s20 =	sshll.u32 s5, $0x1;
	s5 =	sadd.s32 s21, s3  }
0x9d: {  	[timem:s7], [sflag:s22] =	dma.local [hbm:s5], s20  }
0x9e: {  	_ =	swait.ge [sflag:s22], s20  }
0x9f: {  	s4 =	ssub.s32 $0x0, s20;
	[sflag:s22] =	ssyncset.done $0x0  }
0xa0: {  	[sflag:s22] =	ssyncadd.s32 s4;
	_ =	sdelay $0x1  }
0xa1: {  	s23 =	simm.s32 $0x1B8B  }
0xa2: {  	_ =	swait.ge [sflag:s23], $0x1  }
0xa3: {  	[sflag:s23] =	ssyncset.done $0x0  }
0xa4: {  	s25 =	simm.s32 $0x1B8E;
	s24 =	sld [smem:$0x3FFE];
	[sflag:s23] =	ssyncadd.s32 $0xFFFFFFFF  }
0xa5: {  	s26 =	simm.s32 $execute0_lowered;
	[smem:$0x3FD2] =	sst s25  }
0xa6: {  	s5 =	sshll.u32 s26, $0x1;
	_ =	strace $0x80000046;
	[dreg:$0x1] =	wrdreg $0xFFFFFFFF  }
0xa7: {  	s28 =	simm.s32 $_size_execute0_lowered;
	s3 =	sadd.s32 s3, s5;
	[dreg:$0x0] =	wrdreg $0x0  }
0xa8: {  	s5 =	sshll.u32 s28, $0x1;
	[dreg:$0x2] =	wrdreg s3  }
0xa9: {  	[dreg:$0x3] =	wrdreg s5  }
0xaa: {  	[dreg:$0x4] =	wrdreg $0xC0  }
0xab: {  	_ =	task [dreg:s7], $0x5FFFF  }
0xac: {  	[dreg:$0x1] =	wrdreg $0xFFFFFFFF  }
0xad: {  	[dreg:$0x0] =	wrdreg $0x60  }
0xae: {  	[dreg:$0x2] =	wrdreg s24  }
0xaf: {  	[dreg:$0x3] =	wrdreg s2  }
0xb0: {  	[dreg:$0x4] =	wrdreg $0x9  }
0xb1: {  	_ =	task.clear_ibuf [dreg:s7], $0x5FFFF;
	_ =	strace $0x90000046  }
0xb2: {  	s29 =	simm.s32 $0x9;
	_ =	strace $0x80000048  }
0xb3: {  	_ =	swait.ge [sflag:s29], $0x1  }
0xb4: {  	[sflag:s29] =	ssyncadd.s32 $0xFFFFFFFF  }
0xb5: {  	_ =	strace $0x90000048  }
0xb6: {  	_ =	sfence  }
0xb7: {  	s30 =	sld [smem:$0x0];
	_ =	sdelay $0x2  }
0xb8: {  	s31 =	sshll.u32 s1, $0xD;
	s1 =	sshrl.u32 s1, $0x2  }
0xb9: {  	s3 =	sand.u32 $0x4000, s31;
	s1 =	sadd.s32 s1, s30  }
0xba: {  	s0 =	sor.u32 s3, s0;
	s1 =	sshll.u32 s1, $0x11  }
0xbb: {  	s0 =	sor.u32 s1, s0  }
0xbc: {  	s0 =	sadd.s32 $0x8F2B, s0  }
0xbd: {  	[sflag:s0] =	ssyncadd.remote.s32 $0x1  }
0xbe: {  	_ =	sfence.sel $0xFFFF  }
0xbf: {  	[dreg:$0x0] =	wrdreg $0xFFFFFFFF;
	(pc) =	sbr.abs _section_cstart, $3  }
0xc0: {  	[dreg:$0x1] =	wrdreg $0xFFFFFFFF  }
0xc1: {  	_ =	task.clear_ibuf [dreg:s7], $0x2FFFF;
	_ =	strace $0x9FFFFFFF  }
0xc2: {  	(tm) =	ssettm $0x7FFFFFFF  }
0xc3: {  	_ =	shalt  }
tec
execute0_lowered:
.L_overlay_start_1:
0x0: {  	(tag) =	ssettag $0x1  }
0x1: {  	s0 =	srdreg.scid;
	s1 =	rddreg [dreg:$0x0]  }
0x2: {  	s3 =	stileid.u32;
	s2 =	rddreg [dreg:$0x1];
	s11 =	simm.s32 $0x28  }
0x3: {  	s18 =	simm.s32 $0xF500;
	s26 =	simm.s32 $0xFF00;
	s14 =	simm.s32 $0x10900  }
0x4: {  	s22 =	simm.s32 $0x1;
	s31 =	simm.s32 $0x11300;
	s8 =	simm.s32 $0x3  }
0x5: {  	s9 =	simm.s32 $0x17700;
	s12 =	simm.s32 $0x4;
	s0 =	sand.u32 $0x1, s0  }
0x6: {  	s13 =	simm.s32 $0x1A900;
	s4 =	sshll.u32 s3, $0x6;
	s5 =	sshll.u32 s0, $0x5  }
0x7: {  	s15 =	simm.s32 $0x0;
	s3 =	simm.s32 $0x0;
	s4 =	sor.u32 s5, s4  }
0x8: {  	s7 =	sadd.s32 $0x6C00, s1;
	s0 =	ssub.s32 $0x2, s0;
	s5 =	smul.u32 $0x19, s4  }
.Ltmp0:
0x9: {  	[smem:$0x7FF] =	sst s3;
	s6 =	sshrl.u32 s0, $0x1;
	(pc) =	sbr.rel .LBB2_1-.Ltmp0, $4  }
0xa: {  	_ =	strace $0x80000047;
	[dreg:$0x3] =	wrdreg s7;
	s0 =	ssub.s32 s0, s6  }
0xb: {  	s7 =	simm.s32 $0x14500;
	s0 =	smax.u32 s0, $0x1;
	s5 =	sadd.s32 s5, s1  }
0xc: {  	s6 =	sadd.s32 $0xF42C00, s1;
	[dreg:$0x5] =	wrdreg s0;
	s30 =	sadd.s32 $0x800, s5  }
0xd: {  	s0 =	simm.s32 $0xEB00;
	s5 =	simm.s32 $0x2;
	[dreg:$0x4] =	wrdreg s30  }
.LBB2_12:
0xe: {  	s1 =	simm.s32 $0x5  }
0xf: {  	_ =	swait.ge [sflag:s1], $0x3200  }
0x10: {  	[sflag:s1] =	ssyncset.done $0x0  }
0x11: {  	s28 =	simm.s32 $0x6;
	[sflag:s1] =	ssyncadd.s32 $0xFFFFCE00  }
0x12: {  	_ =	swait.ge [sflag:s28], $0x3200  }
0x13: {  	[sflag:s28] =	ssyncset.done $0x0  }
0x14: {  	s29 =	simm.s32 $0x7;
	[sflag:s28] =	ssyncadd.s32 $0xFFFFCE00  }
0x15: {  	_ =	swait.ge [sflag:s29], $0x3200  }
0x16: {  	[sflag:s29] =	ssyncset.done $0x0  }
0x17: {  	s10 =	simm.s32 $0x8;
	[sflag:s29] =	ssyncadd.s32 $0xFFFFCE00  }
0x18: {  	_ =	swait.ge [sflag:s10], $0x3200  }
0x19: {  	s15 =	rddreg [dreg:$0x6]  }
0x1a: {  	s30 =	rddreg [dreg:$0x5];
	s15 =	sadd.s32 $0x1, s15  }
0x1b: {  	p0 =	sne.s32 s15, s30  }
.Ltmp1:
0x1c: {  	_ = 	snop;
	(pc) =	sbr.rel @!p0 .LBB2_13-.Ltmp1, $3  }
0x1d: {  	_ =	sdelay $0x1  }
0x1e: {  	[sflag:s10] =	ssyncset.done $0x0  }
0x1f: {  	[sflag:s10] =	ssyncadd.s32 $0xFFFFCE00  }
.LBB2_1:
0x20: {  	[dreg:$0x6] =	wrdreg s15  }
0x21: {  	s1 =	rddreg [dreg:$0x4];
	s10 =	simm.s32 $0x9  }
0x22: {  	[tilespmem:s3], [sflag:$0x9] =	stream.linear.gather [hbm4b:s1+s3], $0x1900, $0x38;
	[tilespmem:$0x1DB00] =	vst v63  }
0x23: {  	_ =	swait.ge [sflag:s10], $0x1900  }
0x24: {  	[sflag:s10] =	ssyncset.done $0x0  }
0x25: {  	s16 =	simm.s32 $0x1900;
	s15 =	rddreg [dreg:$0x3];
	[sflag:s10] =	ssyncadd.s32 $0xFFFFE700  }
0x26: {  	[tilespmem:s16], [sflag:$0x9] =	stream.linear.gather [hbm4b:s15+s3], $0x3200, $0x38;
	[tilespmem:$0x1DB00] =	vst v63  }
0x27: {  	_ =	swait.ge [sflag:s10], $0x3200  }
0x28: {  	[sflag:s10] =	ssyncset.done $0x0  }
0x29: {  	s17 =	simm.s32 $0x4B00;
	[sflag:s10] =	ssyncadd.s32 $0xFFFFCE00  }
0x2a: {  	[tilespmem:s17], [sflag:$0x1] =	stream.indirect.gather [hbm4b:s6+s11], $0x40, s3, s11, $0xb8;
	[tilespmem:$0x1DB00] =	vst v63  }
0x2b: {  	s19 =	simm.s32 $0x5500  }
0x2c: {  	[tilespmem:s19], [sflag:$0x1] =	stream.indirect.gather [hbm4b:s6+s11], $0x40, s11, s11, $0xb8;
	[tilespmem:$0x1DB00] =	vst v63  }
0x2d: {  	s20 =	simm.s32 $0x50;
	s21 =	simm.s32 $0x5F00  }
0x2e: {  	[tilespmem:s21], [sflag:$0x1] =	stream.indirect.gather [hbm4b:s6+s11], $0x40, s20, s11, $0xb8;
	[tilespmem:$0x1DB00] =	vst v63  }
0x2f: {  	s23 =	simm.s32 $0x78;
	s24 =	simm.s32 $0x6900  }
0x30: {  	[tilespmem:s24], [sflag:$0x1] =	stream.indirect.gather [hbm4b:s6+s11], $0x40, s23, s11, $0xb8;
	[tilespmem:$0x1DB00] =	vst v63  }
0x31: {  	s25 =	simm.s32 $0xA0;
	s28 =	simm.s32 $0x7300  }
0x32: {  	[tilespmem:s28], [sflag:$0x1] =	stream.indirect.gather [hbm4b:s6+s11], $0x40, s25, s11, $0xb8;
	[tilespmem:$0x1DB00] =	vst v63  }
0x33: {  	s29 =	simm.s32 $0xC8;
	s30 =	simm.s32 $0x7D00  }
0x34: {  	[tilespmem:s30], [sflag:$0x2] =	stream.indirect.gather [hbm4b:s6+s11], $0x40, s29, s11, $0xb8;
	[tilespmem:$0x1DB00] =	vst v63  }
0x35: {  	s15 =	simm.s32 $0xF0;
	s16 =	simm.s32 $0x8700  }
0x36: {  	[tilespmem:s16], [sflag:$0x2] =	stream.indirect.gather [hbm4b:s6+s11], $0x40, s15, s11, $0xb8;
	[tilespmem:$0x1DB00] =	vst v63  }
0x37: {  	s17 =	simm.s32 $0x118;
	s19 =	simm.s32 $0x9100  }
0x38: {  	[tilespmem:s19], [sflag:$0x2] =	stream.indirect.gather [hbm4b:s6+s11], $0x40, s17, s11, $0xb8;
	[tilespmem:$0x1DB00] =	vst v63  }
0x39: {  	s20 =	simm.s32 $0x140;
	s21 =	simm.s32 $0x9B00  }
0x3a: {  	[tilespmem:s21], [sflag:$0x2] =	stream.indirect.gather [hbm4b:s6+s11], $0x40, s20, s11, $0xb8;
	[tilespmem:$0x1DB00] =	vst v63  }
0x3b: {  	s23 =	simm.s32 $0x168;
	s24 =	simm.s32 $0xA500  }
0x3c: {  	[tilespmem:s24], [sflag:$0x2] =	stream.indirect.gather [hbm4b:s6+s11], $0x40, s23, s11, $0xb8;
	[tilespmem:$0x1DB00] =	vst v63  }
0x3d: {  	s25 =	simm.s32 $0x190;
	s28 =	simm.s32 $0xAF00  }
0x3e: {  	[tilespmem:s28], [sflag:$0x3] =	stream.indirect.gather [hbm4b:s6+s11], $0x40, s25, s11, $0xb8;
	[tilespmem:$0x1DB00] =	vst v63  }
0x3f: {  	s29 =	simm.s32 $0x1B8;
	s30 =	simm.s32 $0xB900  }
0x40: {  	[tilespmem:s30], [sflag:$0x3] =	stream.indirect.gather [hbm4b:s6+s11], $0x40, s29, s11, $0xb8;
	[tilespmem:$0x1DB00] =	vst v63  }
0x41: {  	s15 =	simm.s32 $0x1E0;
	s16 =	simm.s32 $0xC300  }
0x42: {  	[tilespmem:s16], [sflag:$0x3] =	stream.indirect.gather [hbm4b:s6+s11], $0x40, s15, s11, $0xb8;
	[tilespmem:$0x1DB00] =	vst v63  }
0x43: {  	s17 =	simm.s32 $0x208;
	s19 =	simm.s32 $0xCD00  }
0x44: {  	[tilespmem:s19], [sflag:$0x3] =	stream.indirect.gather [hbm4b:s6+s11], $0x40, s17, s11, $0xb8;
	[tilespmem:$0x1DB00] =	vst v63  }
0x45: {  	s20 =	simm.s32 $0x230;
	s21 =	simm.s32 $0xD700  }
0x46: {  	[tilespmem:s21], [sflag:$0x3] =	stream.indirect.gather [hbm4b:s6+s11], $0x40, s20, s11, $0xb8;
	[tilespmem:$0x1DB00] =	vst v63  }
0x47: {  	s23 =	simm.s32 $0x258;
	s24 =	simm.s32 $0xE100  }
0x48: {  	[tilespmem:s24], [sflag:$0x4] =	stream.indirect.gather [hbm4b:s6+s11], $0x40, s23, s11, $0xb8;
	[tilespmem:$0x1DB00] =	vst v63  }
0x49: {  	s25 =	simm.s32 $0x280  }
0x4a: {  	[tilespmem:s0], [sflag:$0x4] =	stream.indirect.gather [hbm4b:s6+s11], $0x40, s25, s11, $0xb8;
	[tilespmem:$0x1DB00] =	vst v63  }
0x4b: {  	s28 =	simm.s32 $0x2A8  }
0x4c: {  	[tilespmem:s18], [sflag:$0x4] =	stream.indirect.gather [hbm4b:s6+s11], $0x40, s28, s11, $0xb8;
	[tilespmem:$0x1DB00] =	vst v63  }
0x4d: {  	s29 =	simm.s32 $0x2D0  }
0x4e: {  	[tilespmem:s26], [sflag:$0x4] =	stream.indirect.gather [hbm4b:s6+s11], $0x40, s29, s11, $0xb8;
	[tilespmem:$0x1DB00] =	vst v63  }
0x4f: {  	s30 =	simm.s32 $0x2F8;
	s15 =	simm.s32 $0x0  }
0x50: {  	[tilespmem:s14], [sflag:$0x4] =	stream.indirect.gather [hbm4b:s6+s11], $0x40, s30, s11, $0xb8;
	[tilespmem:$0x1DB00] =	vst v63  }
.LBB2_2:
0x51: {  	_ =	swait.ge [sflag:s22], $0x3200  }
0x52: {  	p0 =	seq.s32 s15, $0x0;
	[sflag:s22] =	ssyncset.done $0x0  }
0x53: {  	s1 =	simm.s32 @!p0 $0x5;
	[sflag:s22] =	ssyncadd.s32 $0xFFFFCE00  }
0x54: {  	_ =	swait.ge @!p0 [sflag:s1], $0x3200  }
0x55: {  	[sflag:s1] =	ssyncset.done @!p0 $0x0  }
0x56: {  	s29 =	simm.s32 $0x4C00;
	[sflag:s1] =	ssyncadd.s32 @!p0 $0xFFFFCE00  }
0x57: {  	v0 =	vld [tilespmem:s29+$0xC0]  }
0x58: {  	s21 =	simm.s32 $0x1A00;
	v1 =	vld [tilespmem:s29+$0xFFFFFF40]  }
0x59: {  	v2 =	vld [tilespmem:s21+$0xC0]  }
0x5a: {  	v3 =	vld [tilespmem:s29+$0xFFFFFF80]  }
0x5b: {  	v4 =	vld [tilespmem:s29+$0xFFFFFFC0]  }
0x5c: {  	v5 =	vld [tilespmem:s29+$0x0]  }
0x5d: {  	v6 =	vld [tilespmem:s29+$0x40]  }
0x5e: {  	v8 =	vld [tilespmem:s21+$0xFFFFFF00];
	v0 =	vmul.f32 $8.000000000e+00, v0  }
0x5f: {  	v9 =	vld [tilespmem:s21+$0xFFFFFF40]  }
0x60: {  	v12 =	vld [tilespmem:s21+$0xFFFFFFC0];
	v0 =	vadd.f32 v2, v0  }
0x61: {  	s19 =	simm.s32 $0x11400;
	v2 =	vld [tilespmem:s29+$0xFFFFFF00]  }
0x62: {  	v11 =	vld [tilespmem:s21+$0xFFFFFF80];
	v1 =	vmul.f32 $8.000000000e+00, v1;
	[tilespmem:s19+$0xC0] =	vst v0  }
0x63: {  	v0 =	vld [tilespmem:s29+$0xD0]  }
0x64: {  	v7 =	vld [tilespmem:s29+$0x80];
	v4 =	vmul.f32 $8.000000000e+00, v4;
	v1 =	vadd.f32 v9, v1  }
0x65: {  	v3 =	vmul.f32 $8.000000000e+00, v3;
	v10 =	vld [tilespmem:s21+$0xD0]  }
0x66: {  	v9 =	vld [tilespmem:s21+$0x40];
	v4 =	vadd.f32 v12, v4;
	[tilespmem:s19+$0xFFFFFF40] =	vst v1;
	v2 =	vmul.f32 $8.000000000e+00, v2  }
0x67: {  	v1 =	vadd.f32 v11, v3;
	v3 =	vmul.f32 $8.000000000e+00, v5;
	v5 =	vld [tilespmem:s29+$0xFFFFFF50]  }
0x68: {  	[tilespmem:s19+$0xFFFFFFC0] =	vst v4;
	v2 =	vadd.f32 v8, v2;
	v8 =	vld [tilespmem:s21+$0x0];
	v0 =	vmul.f32 $8.000000000e+00, v0  }
0x69: {  	v11 =	vld [tilespmem:s21+$0xFFFFFFD0]  }
0x6a: {  	s23 =	simm.s32 $0x1C0;
	[tilespmem:s19+$0xFFFFFF00] =	vst v2;
	v2 =	vld [tilespmem:s21+$0x80];
	v0 =	vadd.f32 v10, v0  }
0x6b: {  	s10 =	sor.u32 $0x50, s23;
	[tilespmem:s19+$0xFFFFFF80] =	vst v1;
	v10 =	vld [tilespmem:s29+$0xFFFFFF10]  }
0x6c: {  	[tilespmem:s10+$0x11300] =	vst v0;
	v0 =	vmul.f32 $8.000000000e+00, v6;
	v6 =	vmul.f32 $8.000000000e+00, v7;
	v7 =	vld [tilespmem:s29+$0xFFFFFF90]  }
0x6d: {  	v3 =	vadd.f32 v8, v3;
	v8 =	vld [tilespmem:s21+$0xFFFFFF10]  }
0x6e: {  	v1 =	vld [tilespmem:s29+$0xE0]  }
0x6f: {  	v4 =	vld [tilespmem:s21+$0xE0]  }
0x70: {  	v0 =	vadd.f32 v9, v0;
	v9 =	vld [tilespmem:s21+$0xFFFFFF90]  }
0x71: {  	[tilespmem:s19+$0x0] =	vst v3;
	v2 =	vadd.f32 v2, v6;
	v3 =	vld [tilespmem:s29+$0xFFFFFFD0]  }
0x72: {  	v10 =	vmul.f32 $8.000000000e+00, v10;
	[tilespmem:s19+$0x40] =	vst v0;
	v0 =	vld [tilespmem:s29+$0x10]  }
0x73: {  	[tilespmem:s19+$0x80] =	vst v2;
	v2 =	vld [tilespmem:s29+$0x50];
	v7 =	vmul.f32 $8.000000000e+00, v7  }
0x74: {  	v6 =	vld [tilespmem:s29+$0x90];
	v8 =	vadd.f32 v8, v10;
	v1 =	vmul.f32 $8.000000000e+00, v1  }
0x75: {  	v10 =	vld [tilespmem:s21+$0x10];
	v7 =	vadd.f32 v9, v7  }
0x76: {  	[tilespmem:s19+$0xFFFFFF10] =	vst v8;
	v8 =	vld [tilespmem:s21+$0x90];
	v1 =	vadd.f32 v4, v1  }
0x77: {  	s17 =	sor.u32 $0x60, s23;
	v3 =	vmul.f32 $8.000000000e+00, v3;
	v4 =	vld [tilespmem:s21+$0xFFFFFF50];
	[tilespmem:s19+$0xFFFFFF90] =	vst v7  }
0x78: {  	[tilespmem:s17+$0x11300] =	vst v1;
	v9 =	vld [tilespmem:s29+$0xFFFFFFA0]  }
0x79: {  	s10 =	simm.s32 $0xC0;
	v0 =	vmul.f32 $8.000000000e+00, v0;
	v3 =	vadd.f32 v11, v3;
	v1 =	vld [tilespmem:s29+$0xF0]  }
0x7a: {  	s16 =	sor.u32 $0x50, s10;
	v62 =	vld [tilespmem:s21+$0xF0]  }
0x7b: {  	v5 =	vmul.f32 $8.000000000e+00, v5;
	[tilespmem:s16+$0x11300] =	vst v3;
	v0 =	vadd.f32 v10, v0;
	v10 =	vld [tilespmem:s21+$0xFFFFFFA0]  }
0x7c: {  	v3 =	vld [tilespmem:s29+$0xFFFFFFE0]  }
0x7d: {  	v6 =	vmul.f32 $8.000000000e+00, v6;
	v4 =	vadd.f32 v4, v5;
	v5 =	vld [tilespmem:s21+$0x50]  }
0x7e: {  	v11 =	vld [tilespmem:s21+$0xFFFFFFE0];
	[tilespmem:s19+$0x10] =	vst v0  }
0x7f: {  	v0 =	vadd.f32 v8, v6;
	v6 =	vld [tilespmem:s29+$0x20]  }
0x80: {  	v2 =	vmul.f32 $8.000000000e+00, v2;
	[tilespmem:s19+$0xFFFFFF50] =	vst v4;
	v4 =	vld [tilespmem:s29+$0xFFFFFF20]  }
0x81: {  	v7 =	vld [tilespmem:s29+$0xFFFFFF60]  }
0x82: {  	s20 =	simm.s32 $0x140;
	[tilespmem:s19+$0x90] =	vst v0;
	v2 =	vadd.f32 v5, v2;
	v5 =	vld [tilespmem:s21+$0xFFFFFF20]  }
0x83: {  	s17 =	sor.u32 $0x50, s20;
	v0 =	vld [tilespmem:s29+$0xA0];
	v3 =	vmul.f32 $8.000000000e+00, v3  }
0x84: {  	v8 =	vld [tilespmem:s21+$0xFFFFFF60];
	[tilespmem:s17+$0x11300] =	vst v2  }
0x85: {  	v3 =	vadd.f32 v11, v3;
	v4 =	vmul.f32 $8.000000000e+00, v4;
	v2 =	vld [tilespmem:s29+$0x60]  }
0x86: {  	s24 =	sor.u32 $0x60, s10;
	v13 =	vld [tilespmem:s21+$0x60]  }
0x87: {  	v7 =	vmul.f32 $8.000000000e+00, v7;
	[tilespmem:s24+$0x11300] =	vst v3;
	v4 =	vadd.f32 v5, v4;
	v5 =	vld [tilespmem:s21+$0x20]  }
0x88: {  	v9 =	vmul.f32 $8.000000000e+00, v9;
	v3 =	vld [tilespmem:s29+$0xFFFFFFF0]  }
0x89: {  	[tilespmem:s19+$0xFFFFFF20] =	vst v4;
	v4 =	vadd.f32 v8, v7;
	v7 =	vld [tilespmem:s21+$0xA0]  }
0x8a: {  	v6 =	vmul.f32 $8.000000000e+00, v6;
	v8 =	vadd.f32 v10, v9;
	v9 =	vld [tilespmem:s29+$0xFFFFFF30]  }
0x8b: {  	v2 =	vmul.f32 $8.000000000e+00, v2;
	[tilespmem:s19+$0xFFFFFF60] =	vst v4;
	v4 =	vld [tilespmem:s21+$0xFFFFFF30]  }
0x8c: {  	v0 =	vmul.f32 $8.000000000e+00, v0;
	[tilespmem:s19+$0xFFFFFFA0] =	vst v8;
	v10 =	vld [tilespmem:s29+$0xFFFFFF70];
	v5 =	vadd.f32 v5, v6  }
0x8d: {  	v6 =	vld [tilespmem:s29+$0xFFFFFFB0];
	v2 =	vadd.f32 v13, v2  }
0x8e: {  	s25 =	sor.u32 $0x60, s20;
	v63 =	vld [tilespmem:s21+$0xFFFFFF70];
	[tilespmem:s19+$0x20] =	vst v5;
	v0 =	vadd.f32 v7, v0  }
0x8f: {  	[tilespmem:s25+$0x11300] =	vst v2;
	v5 =	vld [tilespmem:s29+$0x30]  }
0x90: {  	v7 =	vld [tilespmem:s29+$0x70];
	[tilespmem:s19+$0xA0] =	vst v0  }
0x91: {  	v0 =	vmul.f32 $8.000000000e+00, v1;
	v11 =	vld [tilespmem:s29+$0xB0]  }
0x92: {  	v2 =	vld [tilespmem:s21+$0xFFFFFFB0];
	v1 =	vmul.f32 $8.000000000e+00, v9  }
0x93: {  	v8 =	vadd.f32 v62, v0;
	v0 =	vld [tilespmem:s21+$0xFFFFFFF0]  }
0x94: {  	s29 =	sor.u32 $0x70, s23;
	v10 =	vmul.f32 $8.000000000e+00, v10;
	v6 =	vmul.f32 $8.000000000e+00, v6;
	v9 =	vadd.f32 v4, v1;
	v1 =	vld [tilespmem:s21+$0x30]  }
0x95: {  	s28 =	simm.s32 $0x4E00;
	s30 =	sor.u32 $0x70, s20;
	[tilespmem:s29+$0x11300] =	vst v8;
	v8 =	vmul.f32 $8.000000000e+00, v3;
	v4 =	vmul.f32 $8.000000000e+00, v5;
	v5 =	vld [tilespmem:s21+$0x70]  }
0x96: {  	s1 =	sor.u32 $0x70, s10;
	s17 =	sshll.u32 s15, $0x2;
	s25 =	simm.s32 $0x0;
	v10 =	vadd.f32 v63, v10;
	[tilespmem:s19+$0xFFFFFF30] =	vst v9;
	v7 =	vmul.f32 $8.000000000e+00, v7;
	v9 =	vld [tilespmem:s21+$0xB0];
	v3 =	vmul.f32 $8.000000000e+00, v11  }
.LBB2_3:
0x97: {  	v11 =	vld [tilespmem:s28+$0xC0];
	s25 =	sadd.s32 $0x8, s25;
	v2 =	vadd.f32 v2, v6  }
0x98: {  	s21 =	sadd.s32 $0x200, s21;
	v6 =	vld [tilespmem:s28+$0xFFFFFF40];
	p1 =	slt.u32 s25, $0xC0;
	[tilespmem:s19+$0xFFFFFF70] =	vst v10;
	v0 =	vadd.f32 v0, v8  }
0x99: {  	v8 =	vld [tilespmem:s21+$0xC0];
	[tilespmem:s19+$0xFFFFFFB0] =	vst v2;
	v1 =	vadd.f32 v1, v4  }
0x9a: {  	v2 =	vld [tilespmem:s28+$0xFFFFFF80];
	[tilespmem:s1+$0x11300] =	vst v0;
	v0 =	vadd.f32 v5, v7  }
0x9b: {  	v4 =	vld [tilespmem:s28+$0xFFFFFFC0];
	[tilespmem:s19+$0x30] =	vst v1;
	v1 =	vadd.f32 v9, v3  }
0x9c: {  	v3 =	vld [tilespmem:s28+$0x0];
	v5 =	vmul.f32 $8.000000000e+00, v11;
	[tilespmem:s30+$0x11300] =	vst v0  }
0x9d: {  	v0 =	vmul.f32 $8.000000000e+00, v6;
	v6 =	vld [tilespmem:s28+$0x40];
	[tilespmem:s19+$0xB0] =	vst v1  }
0x9e: {  	v1 =	vld [tilespmem:s28+$0x80];
	v5 =	vadd.f32 v8, v5  }
0x9f: {  	s19 =	sadd.s32 $0x200, s19;
	v7 =	vld [tilespmem:s28+$0xFFFFFF00];
	v2 =	vmul.f32 $8.000000000e+00, v2  }
0xa0: {  	v8 =	vld [tilespmem:s21+$0xFFFFFF00];
	v4 =	vmul.f32 $8.000000000e+00, v4;
	[tilespmem:s19+$0xC0] =	vst v5  }
0xa1: {  	v3 =	vmul.f32 $8.000000000e+00, v3;
	v5 =	vld [tilespmem:s28+$0xD0]  }
0xa2: {  	v9 =	vld [tilespmem:s21+$0xFFFFFF40];
	v6 =	vmul.f32 $8.000000000e+00, v6  }
0xa3: {  	v1 =	vmul.f32 $8.000000000e+00, v1;
	v10 =	vld [tilespmem:s21+$0xD0]  }
0xa4: {  	v7 =	vmul.f32 $8.000000000e+00, v7;
	v11 =	vld [tilespmem:s21+$0xFFFFFF80]  }
0xa5: {  	v12 =	vld [tilespmem:s21+$0xFFFFFFC0]  }
0xa6: {  	v7 =	vadd.f32 v8, v7;
	v8 =	vld [tilespmem:s21+$0x0];
	v5 =	vmul.f32 $8.000000000e+00, v5  }
0xa7: {  	v0 =	vadd.f32 v9, v0;
	v9 =	vld [tilespmem:s21+$0x40]  }
0xa8: {  	s23 =	sadd.s32 $0x200, s23;
	[tilespmem:s19+$0xFFFFFF00] =	vst v7;
	v7 =	vld [tilespmem:s21+$0x80];
	v5 =	vadd.f32 v10, v5  }
0xa9: {  	s10 =	sor.u32 $0x50, s23;
	s1 =	sadd.s32 $0xFFFFFF00, s23;
	s30 =	sadd.s32 $0xFFFFFF80, s23;
	v10 =	vld [tilespmem:s28+$0xFFFFFF10];
	[tilespmem:s19+$0xFFFFFF40] =	vst v0;
	v0 =	vadd.f32 v11, v2  }
0xaa: {  	s24 =	sor.u32 $0x50, s1;
	s16 =	sor.u32 $0x60, s1;
	s20 =	sor.u32 $0x50, s30;
	v2 =	vld [tilespmem:s28+$0xFFFFFF50];
	v4 =	vadd.f32 v12, v4;
	[tilespmem:s10+$0x11300] =	vst v5  }
0xab: {  	s1 =	sor.u32 $0x70, s1;
	s10 =	sor.u32 $0x60, s30;
	s30 =	sor.u32 $0x70, s30;
	[tilespmem:s19+$0xFFFFFF80] =	vst v0;
	v0 =	vadd.f32 v8, v3;
	v3 =	vld [tilespmem:s28+$0xE0]  }
0xac: {  	v5 =	vld [tilespmem:s28+$0xFFFFFF90];
	[tilespmem:s19+$0xFFFFFFC0] =	vst v4;
	v4 =	vadd.f32 v9, v6  }
0xad: {  	[tilespmem:s19+$0x0] =	vst v0;
	v0 =	vadd.f32 v7, v1;
	v1 =	vld [tilespmem:s21+$0xE0]  }
0xae: {  	v6 =	vmul.f32 $8.000000000e+00, v10;
	v7 =	vld [tilespmem:s28+$0xFFFFFFD0];
	[tilespmem:s19+$0x40] =	vst v4  }
0xaf: {  	v2 =	vmul.f32 $8.000000000e+00, v2;
	v4 =	vld [tilespmem:s28+$0x10];
	[tilespmem:s19+$0x80] =	vst v0  }
0xb0: {  	v0 =	vld [tilespmem:s28+$0x50];
	v3 =	vmul.f32 $8.000000000e+00, v3  }
0xb1: {  	v5 =	vmul.f32 $8.000000000e+00, v5;
	v8 =	vld [tilespmem:s28+$0x90]  }
0xb2: {  	v9 =	vld [tilespmem:s21+$0xFFFFFF10];
	v1 =	vadd.f32 v1, v3  }
0xb3: {  	s29 =	sor.u32 $0x60, s23;
	v3 =	vld [tilespmem:s21+$0xFFFFFF50];
	v7 =	vmul.f32 $8.000000000e+00, v7  }
0xb4: {  	v10 =	vld [tilespmem:s21+$0xFFFFFF90];
	v4 =	vmul.f32 $8.000000000e+00, v4;
	[tilespmem:s29+$0x11300] =	vst v1  }
0xb5: {  	v0 =	vmul.f32 $8.000000000e+00, v0;
	v1 =	vld [tilespmem:s28+$0xF0]  }
0xb6: {  	v11 =	vld [tilespmem:s21+$0xFFFFFFD0];
	v8 =	vmul.f32 $8.000000000e+00, v8  }
0xb7: {  	v6 =	vadd.f32 v9, v6;
	v9 =	vld [tilespmem:s21+$0xF0]  }
0xb8: {  	v2 =	vadd.f32 v3, v2;
	v3 =	vld [tilespmem:s21+$0x10]  }
0xb9: {  	[tilespmem:s19+$0xFFFFFF10] =	vst v6;
	v5 =	vadd.f32 v10, v5;
	v6 =	vld [tilespmem:s21+$0x50]  }
0xba: {  	[tilespmem:s19+$0xFFFFFF50] =	vst v2;
	v2 =	vld [tilespmem:s21+$0x90];
	v1 =	vmul.f32 $8.000000000e+00, v1  }
0xbb: {  	v10 =	vld [tilespmem:s28+$0xFFFFFF20];
	[tilespmem:s19+$0xFFFFFF90] =	vst v5;
	v5 =	vadd.f32 v11, v7  }
0xbc: {  	v7 =	vld [tilespmem:s28+$0xFFFFFF60];
	v1 =	vadd.f32 v9, v1  }
0xbd: {  	v9 =	vld [tilespmem:s28+$0xFFFFFFA0];
	[tilespmem:s24+$0x11300] =	vst v5;
	v3 =	vadd.f32 v3, v4;
	s24 =	sor.u32 $0x70, s23  }
0xbe: {  	v4 =	vld [tilespmem:s28+$0xFFFFFFE0];
	v0 =	vadd.f32 v6, v0;
	[tilespmem:s24+$0x11300] =	vst v1  }
0xbf: {  	v1 =	vld [tilespmem:s21+$0xFFFFFF20];
	[tilespmem:s19+$0x10] =	vst v3;
	v2 =	vadd.f32 v2, v8  }
0xc0: {  	v3 =	vmul.f32 $8.000000000e+00, v10;
	v5 =	vld [tilespmem:s28+$0x20];
	[tilespmem:s20+$0x11300] =	vst v0  }
0xc1: {  	v0 =	vmul.f32 $8.000000000e+00, v7;
	v6 =	vld [tilespmem:s28+$0x60];
	[tilespmem:s19+$0x90] =	vst v2  }
0xc2: {  	v2 =	vmul.f32 $8.000000000e+00, v9;
	v7 =	vld [tilespmem:s28+$0xA0]  }
0xc3: {  	v8 =	vld [tilespmem:s21+$0xFFFFFF60];
	v4 =	vmul.f32 $8.000000000e+00, v4  }
0xc4: {  	v1 =	vadd.f32 v1, v3;
	v3 =	vld [tilespmem:s21+$0xFFFFFFA0]  }
0xc5: {  	v9 =	vld [tilespmem:s21+$0xFFFFFFE0];
	v5 =	vmul.f32 $8.000000000e+00, v5  }
0xc6: {  	[tilespmem:s19+$0xFFFFFF20] =	vst v1;
	v1 =	vld [tilespmem:s21+$0x20];
	v6 =	vmul.f32 $8.000000000e+00, v6  }
0xc7: {  	v10 =	vld [tilespmem:s21+$0x60];
	v7 =	vmul.f32 $8.000000000e+00, v7  }
0xc8: {  	v0 =	vadd.f32 v8, v0;
	v8 =	vld [tilespmem:s21+$0xA0]  }
0xc9: {  	v11 =	vld [tilespmem:s28+$0xFFFFFF30];
	v2 =	vadd.f32 v3, v2  }
0xca: {  	v3 =	vld [tilespmem:s21+$0xFFFFFF30];
	[tilespmem:s19+$0xFFFFFF60] =	vst v0;
	v0 =	vadd.f32 v9, v4  }
0xcb: {  	v4 =	vld [tilespmem:s28+$0xFFFFFF70];
	[tilespmem:s19+$0xFFFFFFA0] =	vst v2;
	v1 =	vadd.f32 v1, v5  }
0xcc: {  	v2 =	vld [tilespmem:s28+$0xFFFFFFB0];
	[tilespmem:s16+$0x11300] =	vst v0;
	v0 =	vadd.f32 v10, v6  }
0xcd: {  	v5 =	vld [tilespmem:s28+$0xFFFFFFF0];
	[tilespmem:s19+$0x20] =	vst v1;
	v1 =	vadd.f32 v8, v7  }
0xce: {  	v6 =	vmul.f32 $8.000000000e+00, v11;
	v7 =	vld [tilespmem:s28+$0x30];
	[tilespmem:s10+$0x11300] =	vst v0  }
0xcf: {  	v9 =	vld [tilespmem:s28+$0x70];
	[tilespmem:s19+$0xA0] =	vst v1  }
0xd0: {  	v0 =	vadd.f32 v3, v6;
	v10 =	vmul.f32 $8.000000000e+00, v4;
	v3 =	vld [tilespmem:s28+$0xB0]  }
0xd1: {  	v11 =	vld [tilespmem:s21+$0xFFFFFF70];
	v6 =	vmul.f32 $8.000000000e+00, v2  }
.Ltmp2:
0xd2: {  	[tilespmem:s19+$0xFFFFFF30] =	vst v0;
	v2 =	vld [tilespmem:s21+$0xFFFFFFB0];
	v8 =	vmul.f32 $8.000000000e+00, v5;
	(pc) =	sbr.rel @p1 .LBB2_3-.Ltmp2, $4  }
0xd3: {  	v0 =	vld [tilespmem:s21+$0xFFFFFFF0];
	v4 =	vmul.f32 $8.000000000e+00, v7  }
0xd4: {  	v1 =	vld [tilespmem:s21+$0x30];
	v7 =	vmul.f32 $8.000000000e+00, v9  }
0xd5: {  	v5 =	vld [tilespmem:s21+$0x70];
	v3 =	vmul.f32 $8.000000000e+00, v3  }
0xd6: {  	s28 =	sadd.s32 $0x200, s28;
	v10 =	vadd.f32 v11, v10;
	v9 =	vld [tilespmem:s21+$0xB0]  }
0xd7: {  	v2 =	vadd.f32 v2, v6  }
0xd8: {  	[tilespmem:s19+$0xFFFFFF70] =	vst v10;
	v0 =	vadd.f32 v0, v8  }
0xd9: {  	[tilespmem:s19+$0xFFFFFFB0] =	vst v2;
	v1 =	vadd.f32 v1, v4  }
0xda: {  	s29 =	sadd.s32 s4, s17;
	[tilespmem:s1+$0x11300] =	vst v0;
	v0 =	vadd.f32 v5, v7  }
0xdb: {  	s1 =	smul.u32 $0x640, s29;
	[tilespmem:s19+$0x30] =	vst v1;
	v1 =	vadd.f32 v9, v3  }
0xdc: {  	[tilespmem:s30+$0x11300] =	vst v0  }
0xdd: {  	s1 =	sadd.s32 s2, s1;
	[tilespmem:s19+$0xB0] =	vst v1  }
0xde: {  	[hbm4b:s1+s3] =	stream.linear.scatter [tilespmem:s31], [sflag:$0x5], $0x3200, $0x38;
	[tilespmem:$0x1DB00] =	vst v63  }
0xdf: {  	_ =	swait.ge [sflag:s5], $0x3200  }
0xe0: {  	[sflag:s5] =	ssyncset.done $0x0  }
0xe1: {  	s1 =	simm.s32 @!p0 $0x6;
	[sflag:s5] =	ssyncadd.s32 $0xFFFFCE00  }
0xe2: {  	_ =	swait.ge @!p0 [sflag:s1], $0x3200  }
0xe3: {  	[sflag:s1] =	ssyncset.done @!p0 $0x0  }
0xe4: {  	s30 =	simm.s32 $0x7EF0;
	[sflag:s1] =	ssyncadd.s32 @!p0 $0xFFFFCE00  }
0xe5: {  	v0 =	vld [tilespmem:s30+$0xFFFFFFD0]  }
0xe6: {  	s21 =	simm.s32 $0x1A00;
	v1 =	vld [tilespmem:s30+$0xFFFFFE50]  }
0xe7: {  	v2 =	vld [tilespmem:s21+$0xC0]  }
0xe8: {  	v3 =	vld [tilespmem:s30+$0xFFFFFE90]  }
0xe9: {  	v4 =	vld [tilespmem:s30+$0xFFFFFED0]  }
0xea: {  	v5 =	vld [tilespmem:s30+$0xFFFFFF10]  }
0xeb: {  	v6 =	vld [tilespmem:s30+$0xFFFFFF50]  }
0xec: {  	v8 =	vld [tilespmem:s21+$0xFFFFFF00];
	v0 =	vmul.f32 $8.000000000e+00, v0  }
0xed: {  	v9 =	vld [tilespmem:s21+$0xFFFFFF40]  }
0xee: {  	v12 =	vld [tilespmem:s21+$0xFFFFFFC0];
	v0 =	vadd.f32 v2, v0  }
0xef: {  	s19 =	simm.s32 $0x146F0;
	v2 =	vld [tilespmem:s30+$0xFFFFFE10]  }
0xf0: {  	v11 =	vld [tilespmem:s21+$0xFFFFFF80];
	v1 =	vmul.f32 $8.000000000e+00, v1;
	[tilespmem:s19+$0xFFFFFFD0] =	vst v0  }
0xf1: {  	v0 =	vld [tilespmem:s30+$0xFFFFFFE0]  }
0xf2: {  	v7 =	vld [tilespmem:s30+$0xFFFFFF90];
	v4 =	vmul.f32 $8.000000000e+00, v4;
	v1 =	vadd.f32 v9, v1  }
0xf3: {  	v3 =	vmul.f32 $8.000000000e+00, v3;
	v10 =	vld [tilespmem:s21+$0xD0]  }
0xf4: {  	v9 =	vld [tilespmem:s21+$0x40];
	v4 =	vadd.f32 v12, v4;
	[tilespmem:s19+$0xFFFFFE50] =	vst v1;
	v2 =	vmul.f32 $8.000000000e+00, v2  }
0xf5: {  	v1 =	vadd.f32 v11, v3;
	v3 =	vmul.f32 $8.000000000e+00, v5;
	v5 =	vld [tilespmem:s30+$0xFFFFFE60]  }
0xf6: {  	[tilespmem:s19+$0xFFFFFED0] =	vst v4;
	v2 =	vadd.f32 v8, v2;
	v8 =	vld [tilespmem:s21+$0x0];
	v0 =	vmul.f32 $8.000000000e+00, v0  }
0xf7: {  	v11 =	vld [tilespmem:s21+$0xFFFFFFD0]  }
0xf8: {  	[tilespmem:s19+$0xFFFFFE10] =	vst v2;
	v2 =	vld [tilespmem:s21+$0x80];
	v0 =	vadd.f32 v10, v0  }
0xf9: {  	[tilespmem:s19+$0xFFFFFE90] =	vst v1;
	v10 =	vld [tilespmem:s30+$0xFFFFFE20]  }
0xfa: {  	[tilespmem:s19+$0xFFFFFFE0] =	vst v0;
	v0 =	vmul.f32 $8.000000000e+00, v6;
	v6 =	vmul.f32 $8.000000000e+00, v7;
	v7 =	vld [tilespmem:s30+$0xFFFFFEA0]  }
0xfb: {  	v3 =	vadd.f32 v8, v3;
	v8 =	vld [tilespmem:s21+$0xFFFFFF10]  }
0xfc: {  	v1 =	vld [tilespmem:s30+$0xFFFFFFF0]  }
0xfd: {  	v4 =	vld [tilespmem:s21+$0xE0]  }
0xfe: {  	v0 =	vadd.f32 v9, v0;
	v9 =	vld [tilespmem:s21+$0xFFFFFF90]  }
0xff: {  	[tilespmem:s19+$0xFFFFFF10] =	vst v3;
	v2 =	vadd.f32 v2, v6;
	v3 =	vld [tilespmem:s30+$0xFFFFFEE0]  }
0x100: {  	v10 =	vmul.f32 $8.000000000e+00, v10;
	[tilespmem:s19+$0xFFFFFF50] =	vst v0;
	v0 =	vld [tilespmem:s30+$0xFFFFFF20]  }
0x101: {  	[tilespmem:s19+$0xFFFFFF90] =	vst v2;
	v2 =	vld [tilespmem:s30+$0xFFFFFF60];
	v7 =	vmul.f32 $8.000000000e+00, v7  }
0x102: {  	v6 =	vld [tilespmem:s30+$0xFFFFFFA0];
	v8 =	vadd.f32 v8, v10;
	v1 =	vmul.f32 $8.000000000e+00, v1  }
0x103: {  	v10 =	vld [tilespmem:s21+$0x10];
	v7 =	vadd.f32 v9, v7  }
0x104: {  	[tilespmem:s19+$0xFFFFFE20] =	vst v8;
	v8 =	vld [tilespmem:s21+$0x90];
	v1 =	vadd.f32 v4, v1  }
0x105: {  	v3 =	vmul.f32 $8.000000000e+00, v3;
	v4 =	vld [tilespmem:s21+$0xFFFFFF50];
	[tilespmem:s19+$0xFFFFFEA0] =	vst v7  }
0x106: {  	[tilespmem:s19+$0xFFFFFFF0] =	vst v1;
	v9 =	vld [tilespmem:s30+$0xFFFFFEB0]  }
0x107: {  	v0 =	vmul.f32 $8.000000000e+00, v0;
	v3 =	vadd.f32 v11, v3;
	v1 =	vld [tilespmem:s30+$0x0]  }
0x108: {  	v62 =	vld [tilespmem:s21+$0xF0]  }
0x109: {  	v5 =	vmul.f32 $8.000000000e+00, v5;
	[tilespmem:s19+$0xFFFFFEE0] =	vst v3;
	v0 =	vadd.f32 v10, v0;
	v10 =	vld [tilespmem:s21+$0xFFFFFFA0]  }
0x10a: {  	v3 =	vld [tilespmem:s30+$0xFFFFFEF0]  }
0x10b: {  	v6 =	vmul.f32 $8.000000000e+00, v6;
	v4 =	vadd.f32 v4, v5;
	v5 =	vld [tilespmem:s21+$0x50]  }
0x10c: {  	v11 =	vld [tilespmem:s21+$0xFFFFFFE0];
	[tilespmem:s19+$0xFFFFFF20] =	vst v0  }
0x10d: {  	v0 =	vadd.f32 v8, v6;
	v6 =	vld [tilespmem:s30+$0xFFFFFF30]  }
0x10e: {  	v2 =	vmul.f32 $8.000000000e+00, v2;
	[tilespmem:s19+$0xFFFFFE60] =	vst v4;
	v4 =	vld [tilespmem:s30+$0xFFFFFE30]  }
0x10f: {  	v7 =	vld [tilespmem:s30+$0xFFFFFE70]  }
0x110: {  	[tilespmem:s19+$0xFFFFFFA0] =	vst v0;
	v2 =	vadd.f32 v5, v2;
	v5 =	vld [tilespmem:s21+$0xFFFFFF20]  }
0x111: {  	v0 =	vld [tilespmem:s30+$0xFFFFFFB0];
	v3 =	vmul.f32 $8.000000000e+00, v3  }
0x112: {  	v8 =	vld [tilespmem:s21+$0xFFFFFF60];
	[tilespmem:s19+$0xFFFFFF60] =	vst v2  }
0x113: {  	v3 =	vadd.f32 v11, v3;
	v4 =	vmul.f32 $8.000000000e+00, v4;
	v2 =	vld [tilespmem:s30+$0xFFFFFF70]  }
0x114: {  	v13 =	vld [tilespmem:s21+$0x60]  }
0x115: {  	v7 =	vmul.f32 $8.000000000e+00, v7;
	[tilespmem:s19+$0xFFFFFEF0] =	vst v3;
	v4 =	vadd.f32 v5, v4;
	v5 =	vld [tilespmem:s21+$0x20]  }
0x116: {  	v9 =	vmul.f32 $8.000000000e+00, v9;
	v3 =	vld [tilespmem:s30+$0xFFFFFF00]  }
0x117: {  	[tilespmem:s19+$0xFFFFFE30] =	vst v4;
	v4 =	vadd.f32 v8, v7;
	v7 =	vld [tilespmem:s21+$0xA0]  }
0x118: {  	v6 =	vmul.f32 $8.000000000e+00, v6;
	v8 =	vadd.f32 v10, v9;
	v9 =	vld [tilespmem:s30+$0xFFFFFE40]  }
0x119: {  	v2 =	vmul.f32 $8.000000000e+00, v2;
	[tilespmem:s19+$0xFFFFFE70] =	vst v4;
	v4 =	vld [tilespmem:s21+$0xFFFFFF30]  }
0x11a: {  	v0 =	vmul.f32 $8.000000000e+00, v0;
	[tilespmem:s19+$0xFFFFFEB0] =	vst v8;
	v10 =	vld [tilespmem:s30+$0xFFFFFE80];
	v5 =	vadd.f32 v5, v6  }
0x11b: {  	v8 =	vld [tilespmem:s30+$0xFFFFFEC0];
	v2 =	vadd.f32 v13, v2  }
0x11c: {  	v11 =	vld [tilespmem:s21+$0xFFFFFF70];
	[tilespmem:s19+$0xFFFFFF30] =	vst v5;
	v0 =	vadd.f32 v7, v0  }
0x11d: {  	[tilespmem:s19+$0xFFFFFF70] =	vst v2;
	v5 =	vld [tilespmem:s30+$0xFFFFFF40]  }
0x11e: {  	v7 =	vld [tilespmem:s30+$0xFFFFFF80];
	[tilespmem:s19+$0xFFFFFFB0] =	vst v0  }
0x11f: {  	v1 =	vmul.f32 $8.000000000e+00, v1;
	v0 =	vld [tilespmem:s30+$0xFFFFFFC0]  }
0x120: {  	v6 =	vld [tilespmem:s21+$0xFFFFFFB0];
	v2 =	vmul.f32 $8.000000000e+00, v9  }
0x121: {  	v9 =	vadd.f32 v62, v1;
	v1 =	vld [tilespmem:s21+$0xFFFFFFF0]  }
0x122: {  	v63 =	vadd.f32 v4, v2;
	v10 =	vmul.f32 $8.000000000e+00, v10;
	v8 =	vmul.f32 $8.000000000e+00, v8;
	v2 =	vld [tilespmem:s21+$0x30]  }
0x123: {  	[tilespmem:s19+$0x0] =	vst v9;
	v9 =	vmul.f32 $8.000000000e+00, v3;
	v3 =	vld [tilespmem:s21+$0x70];
	v4 =	vmul.f32 $8.000000000e+00, v5  }
0x124: {  	s23 =	simm.s32 $0x0;
	s25 =	simm.s32 $0x80F0;
	[tilespmem:s19+$0xFFFFFE40] =	vst v63;
	v10 =	vadd.f32 v11, v10;
	v5 =	vmul.f32 $8.000000000e+00, v7;
	v7 =	vld [tilespmem:s21+$0xB0];
	v0 =	vmul.f32 $8.000000000e+00, v0  }
.LBB2_5:
0x125: {  	v11 =	vld [tilespmem:s25+$0xFFFFFFD0];
	s23 =	sadd.s32 $0x8, s23;
	v6 =	vadd.f32 v6, v8  }
0x126: {  	s21 =	sadd.s32 $0x200, s21;
	v8 =	vld [tilespmem:s25+$0xFFFFFE50];
	p1 =	slt.u32 s23, $0xC0;
	[tilespmem:s19+$0xFFFFFE80] =	vst v10;
	v1 =	vadd.f32 v1, v9  }
0x127: {  	v9 =	vld [tilespmem:s21+$0xC0];
	[tilespmem:s19+$0xFFFFFEC0] =	vst v6;
	v2 =	vadd.f32 v2, v4  }
0x128: {  	v4 =	vld [tilespmem:s25+$0xFFFFFE90];
	[tilespmem:s19+$0xFFFFFF00] =	vst v1;
	v1 =	vadd.f32 v3, v5  }
0x129: {  	v3 =	vld [tilespmem:s25+$0xFFFFFED0];
	[tilespmem:s19+$0xFFFFFF40] =	vst v2;
	v0 =	vadd.f32 v7, v0  }
0x12a: {  	v2 =	vld [tilespmem:s25+$0xFFFFFF10];
	v5 =	vmul.f32 $8.000000000e+00, v11;
	[tilespmem:s19+$0xFFFFFF80] =	vst v1  }
0x12b: {  	v1 =	vmul.f32 $8.000000000e+00, v8;
	v6 =	vld [tilespmem:s25+$0xFFFFFF50];
	[tilespmem:s19+$0xFFFFFFC0] =	vst v0  }
0x12c: {  	v0 =	vld [tilespmem:s25+$0xFFFFFF90];
	v5 =	vadd.f32 v9, v5  }
0x12d: {  	s19 =	sadd.s32 $0x200, s19;
	v7 =	vld [tilespmem:s25+$0xFFFFFE10];
	v4 =	vmul.f32 $8.000000000e+00, v4  }
0x12e: {  	v8 =	vld [tilespmem:s21+$0xFFFFFF00];
	v3 =	vmul.f32 $8.000000000e+00, v3;
	[tilespmem:s19+$0xFFFFFFD0] =	vst v5  }
0x12f: {  	v2 =	vmul.f32 $8.000000000e+00, v2;
	v5 =	vld [tilespmem:s25+$0xFFFFFFE0]  }
0x130: {  	v9 =	vld [tilespmem:s21+$0xFFFFFF40];
	v6 =	vmul.f32 $8.000000000e+00, v6  }
0x131: {  	v0 =	vmul.f32 $8.000000000e+00, v0;
	v10 =	vld [tilespmem:s21+$0xD0]  }
0x132: {  	v7 =	vmul.f32 $8.000000000e+00, v7;
	v11 =	vld [tilespmem:s21+$0xFFFFFF80]  }
0x133: {  	v12 =	vld [tilespmem:s21+$0xFFFFFFC0]  }
0x134: {  	v7 =	vadd.f32 v8, v7;
	v8 =	vld [tilespmem:s21+$0x0];
	v5 =	vmul.f32 $8.000000000e+00, v5  }
0x135: {  	v1 =	vadd.f32 v9, v1;
	v9 =	vld [tilespmem:s21+$0x40]  }
0x136: {  	[tilespmem:s19+$0xFFFFFE10] =	vst v7;
	v7 =	vld [tilespmem:s21+$0x80];
	v5 =	vadd.f32 v10, v5  }
0x137: {  	v10 =	vld [tilespmem:s25+$0xFFFFFE20];
	[tilespmem:s19+$0xFFFFFE50] =	vst v1;
	v1 =	vadd.f32 v11, v4  }
0x138: {  	v4 =	vld [tilespmem:s25+$0xFFFFFE60];
	v3 =	vadd.f32 v12, v3;
	[tilespmem:s19+$0xFFFFFFE0] =	vst v5  }
0x139: {  	[tilespmem:s19+$0xFFFFFE90] =	vst v1;
	v1 =	vadd.f32 v8, v2;
	v2 =	vld [tilespmem:s25+$0xFFFFFFF0]  }
0x13a: {  	v5 =	vld [tilespmem:s25+$0xFFFFFEA0];
	[tilespmem:s19+$0xFFFFFED0] =	vst v3;
	v3 =	vadd.f32 v9, v6  }
0x13b: {  	[tilespmem:s19+$0xFFFFFF10] =	vst v1;
	v0 =	vadd.f32 v7, v0;
	v1 =	vld [tilespmem:s21+$0xE0]  }
0x13c: {  	v6 =	vmul.f32 $8.000000000e+00, v10;
	v7 =	vld [tilespmem:s25+$0xFFFFFEE0];
	[tilespmem:s19+$0xFFFFFF50] =	vst v3  }
0x13d: {  	v3 =	vmul.f32 $8.000000000e+00, v4;
	v4 =	vld [tilespmem:s25+$0xFFFFFF20];
	[tilespmem:s19+$0xFFFFFF90] =	vst v0  }
0x13e: {  	v0 =	vld [tilespmem:s25+$0xFFFFFF60];
	v2 =	vmul.f32 $8.000000000e+00, v2  }
0x13f: {  	v5 =	vmul.f32 $8.000000000e+00, v5;
	v8 =	vld [tilespmem:s25+$0xFFFFFFA0]  }
0x140: {  	v9 =	vld [tilespmem:s21+$0xFFFFFF10];
	v1 =	vadd.f32 v1, v2  }
0x141: {  	v2 =	vld [tilespmem:s21+$0xFFFFFF50];
	v7 =	vmul.f32 $8.000000000e+00, v7  }
0x142: {  	v10 =	vld [tilespmem:s21+$0xFFFFFF90];
	v4 =	vmul.f32 $8.000000000e+00, v4;
	[tilespmem:s19+$0xFFFFFFF0] =	vst v1  }
0x143: {  	v0 =	vmul.f32 $8.000000000e+00, v0;
	v1 =	vld [tilespmem:s25+$0x0]  }
0x144: {  	v11 =	vld [tilespmem:s21+$0xFFFFFFD0];
	v8 =	vmul.f32 $8.000000000e+00, v8  }
0x145: {  	v6 =	vadd.f32 v9, v6;
	v9 =	vld [tilespmem:s21+$0xF0]  }
0x146: {  	v2 =	vadd.f32 v2, v3;
	v3 =	vld [tilespmem:s21+$0x10]  }
0x147: {  	[tilespmem:s19+$0xFFFFFE20] =	vst v6;
	v5 =	vadd.f32 v10, v5;
	v6 =	vld [tilespmem:s21+$0x50]  }
0x148: {  	[tilespmem:s19+$0xFFFFFE60] =	vst v2;
	v2 =	vld [tilespmem:s21+$0x90];
	v1 =	vmul.f32 $8.000000000e+00, v1  }
0x149: {  	v10 =	vld [tilespmem:s25+$0xFFFFFE30];
	[tilespmem:s19+$0xFFFFFEA0] =	vst v5;
	v5 =	vadd.f32 v11, v7  }
0x14a: {  	v7 =	vld [tilespmem:s25+$0xFFFFFE70];
	v1 =	vadd.f32 v9, v1  }
0x14b: {  	v9 =	vld [tilespmem:s25+$0xFFFFFEB0];
	[tilespmem:s19+$0xFFFFFEE0] =	vst v5;
	v3 =	vadd.f32 v3, v4  }
0x14c: {  	v4 =	vld [tilespmem:s25+$0xFFFFFEF0];
	v0 =	vadd.f32 v6, v0;
	[tilespmem:s19+$0x0] =	vst v1  }
0x14d: {  	v1 =	vld [tilespmem:s21+$0xFFFFFF20];
	[tilespmem:s19+$0xFFFFFF20] =	vst v3;
	v2 =	vadd.f32 v2, v8  }
0x14e: {  	v3 =	vmul.f32 $8.000000000e+00, v10;
	v5 =	vld [tilespmem:s25+$0xFFFFFF30];
	[tilespmem:s19+$0xFFFFFF60] =	vst v0  }
0x14f: {  	v0 =	vmul.f32 $8.000000000e+00, v7;
	v6 =	vld [tilespmem:s25+$0xFFFFFF70];
	[tilespmem:s19+$0xFFFFFFA0] =	vst v2  }
0x150: {  	v2 =	vmul.f32 $8.000000000e+00, v9;
	v7 =	vld [tilespmem:s25+$0xFFFFFFB0]  }
0x151: {  	v8 =	vld [tilespmem:s21+$0xFFFFFF60];
	v4 =	vmul.f32 $8.000000000e+00, v4  }
0x152: {  	v1 =	vadd.f32 v1, v3;
	v3 =	vld [tilespmem:s21+$0xFFFFFFA0]  }
0x153: {  	v9 =	vld [tilespmem:s21+$0xFFFFFFE0];
	v5 =	vmul.f32 $8.000000000e+00, v5  }
0x154: {  	[tilespmem:s19+$0xFFFFFE30] =	vst v1;
	v1 =	vld [tilespmem:s21+$0x20];
	v6 =	vmul.f32 $8.000000000e+00, v6  }
0x155: {  	v10 =	vld [tilespmem:s21+$0x60];
	v7 =	vmul.f32 $8.000000000e+00, v7  }
0x156: {  	v0 =	vadd.f32 v8, v0;
	v8 =	vld [tilespmem:s21+$0xA0]  }
0x157: {  	v11 =	vld [tilespmem:s25+$0xFFFFFE40];
	v2 =	vadd.f32 v3, v2  }
0x158: {  	v3 =	vld [tilespmem:s21+$0xFFFFFF30];
	[tilespmem:s19+$0xFFFFFE70] =	vst v0;
	v0 =	vadd.f32 v9, v4  }
0x159: {  	v4 =	vld [tilespmem:s25+$0xFFFFFE80];
	[tilespmem:s19+$0xFFFFFEB0] =	vst v2;
	v1 =	vadd.f32 v1, v5  }
0x15a: {  	v2 =	vld [tilespmem:s25+$0xFFFFFEC0];
	[tilespmem:s19+$0xFFFFFEF0] =	vst v0;
	v0 =	vadd.f32 v10, v6  }
0x15b: {  	v5 =	vld [tilespmem:s25+$0xFFFFFF00];
	[tilespmem:s19+$0xFFFFFF30] =	vst v1;
	v1 =	vadd.f32 v8, v7  }
0x15c: {  	v6 =	vmul.f32 $8.000000000e+00, v11;
	v7 =	vld [tilespmem:s25+$0xFFFFFF40];
	[tilespmem:s19+$0xFFFFFF70] =	vst v0  }
0x15d: {  	v0 =	vld [tilespmem:s25+$0xFFFFFF80];
	[tilespmem:s19+$0xFFFFFFB0] =	vst v1  }
0x15e: {  	v1 =	vadd.f32 v3, v6;
	v10 =	vmul.f32 $8.000000000e+00, v4;
	v11 =	vld [tilespmem:s25+$0xFFFFFFC0]  }
0x15f: {  	v12 =	vld [tilespmem:s21+$0xFFFFFF70];
	v8 =	vmul.f32 $8.000000000e+00, v2  }
.Ltmp3:
0x160: {  	[tilespmem:s19+$0xFFFFFE40] =	vst v1;
	v6 =	vld [tilespmem:s21+$0xFFFFFFB0];
	v9 =	vmul.f32 $8.000000000e+00, v5;
	(pc) =	sbr.rel @p1 .LBB2_5-.Ltmp3, $4  }
0x161: {  	v1 =	vld [tilespmem:s21+$0xFFFFFFF0];
	v4 =	vmul.f32 $8.000000000e+00, v7  }
0x162: {  	v2 =	vld [tilespmem:s21+$0x30];
	v5 =	vmul.f32 $8.000000000e+00, v0  }
0x163: {  	v3 =	vld [tilespmem:s21+$0x70];
	v0 =	vmul.f32 $8.000000000e+00, v11  }
0x164: {  	s25 =	sadd.s32 $0x200, s25;
	v10 =	vadd.f32 v12, v10;
	v7 =	vld [tilespmem:s21+$0xB0]  }
0x165: {  	v6 =	vadd.f32 v6, v8  }
0x166: {  	[tilespmem:s19+$0xFFFFFE80] =	vst v10;
	v1 =	vadd.f32 v1, v9  }
0x167: {  	s1 =	sadd.s32 s17, s4;
	[tilespmem:s19+$0xFFFFFEC0] =	vst v6;
	v2 =	vadd.f32 v2, v4  }
0x168: {  	s1 =	smul.u32 $0x640, s1;
	[tilespmem:s19+$0xFFFFFF00] =	vst v1;
	v1 =	vadd.f32 v3, v5  }
0x169: {  	[tilespmem:s19+$0xFFFFFF40] =	vst v2;
	v0 =	vadd.f32 v7, v0  }
0x16a: {  	s17 =	sadd.s32 s2, s1;
	[tilespmem:s19+$0xFFFFFF80] =	vst v1  }
0x16b: {  	s1 =	sadd.s32 $0x640, s17;
	[tilespmem:s19+$0xFFFFFFC0] =	vst v0  }
0x16c: {  	[hbm4b:s1+s3] =	stream.linear.scatter [tilespmem:s7], [sflag:$0x6], $0x3200, $0x38;
	[tilespmem:$0x1DB00] =	vst v63  }
0x16d: {  	_ =	swait.ge [sflag:s8], $0x3200  }
0x16e: {  	[sflag:s8] =	ssyncset.done $0x0  }
0x16f: {  	s1 =	simm.s32 @!p0 $0x7;
	[sflag:s8] =	ssyncadd.s32 $0xFFFFCE00  }
0x170: {  	_ =	swait.ge @!p0 [sflag:s1], $0x3200  }
0x171: {  	[sflag:s1] =	ssyncset.done @!p0 $0x0  }
0x172: {  	s19 =	simm.s32 $0x0;
	[sflag:s1] =	ssyncadd.s32 @!p0 $0xFFFFCE00  }
0x173: {  	v0 =	vld [tilespmem:s19+$0xB0F0]  }
0x174: {  	v1 =	vld [tilespmem:s19+$0xAF00]  }
0x175: {  	v2 =	vld [tilespmem:s19+$0x1AF0]  }
0x176: {  	v3 =	vld [tilespmem:s19+$0xAF10]  }
0x177: {  	v4 =	vld [tilespmem:s19+$0xAF20]  }
0x178: {  	v5 =	vld [tilespmem:s19+$0xAF30]  }
0x179: {  	v6 =	vld [tilespmem:s19+$0xAF40]  }
0x17a: {  	v7 =	vld [tilespmem:s19+$0xAF50]  }
0x17b: {  	v8 =	vld [tilespmem:s19+$0xAF60]  }
0x17c: {  	v9 =	vld [tilespmem:s19+$0xAF70]  }
0x17d: {  	v10 =	vld [tilespmem:s19+$0xAF80]  }
0x17e: {  	v11 =	vld [tilespmem:s19+$0xAF90]  }
0x17f: {  	v12 =	vld [tilespmem:s19+$0xAFA0]  }
0x180: {  	v13 =	vld [tilespmem:s19+$0xAFB0]  }
0x181: {  	v14 =	vld [tilespmem:s19+$0xAFC0]  }
0x182: {  	v15 =	vld [tilespmem:s19+$0xAFD0]  }
0x183: {  	v16 =	vld [tilespmem:s19+$0xAFE0]  }
0x184: {  	v17 =	vld [tilespmem:s19+$0xAFF0]  }
0x185: {  	v18 =	vld [tilespmem:s19+$0xB000]  }
0x186: {  	v19 =	vld [tilespmem:s19+$0xB010]  }
0x187: {  	v20 =	vld [tilespmem:s19+$0xB020]  }
0x188: {  	v21 =	vld [tilespmem:s19+$0xB030]  }
0x189: {  	v22 =	vld [tilespmem:s19+$0xB040]  }
0x18a: {  	v23 =	vld [tilespmem:s19+$0xB050]  }
0x18b: {  	v24 =	vld [tilespmem:s19+$0xB060]  }
0x18c: {  	v25 =	vld [tilespmem:s19+$0xB070]  }
0x18d: {  	v26 =	vld [tilespmem:s19+$0xB080]  }
0x18e: {  	v27 =	vld [tilespmem:s19+$0xB0A0]  }
0x18f: {  	v28 =	vld [tilespmem:s19+$0xB0C0]  }
0x190: {  	v29 =	vld [tilespmem:s19+$0xB0D0]  }
0x191: {  	v30 =	vld [tilespmem:s19+$0xB0E0]  }
0x192: {  	v31 =	vld [tilespmem:s19+$0x1900]  }
0x193: {  	v32 =	vld [tilespmem:s19+$0x1910]  }
0x194: {  	v33 =	vld [tilespmem:s19+$0x1920]  }
0x195: {  	v34 =	vld [tilespmem:s19+$0x1930]  }
0x196: {  	v35 =	vld [tilespmem:s19+$0x1940];
	v0 =	vmul.f32 $8.000000000e+00, v0  }
0x197: {  	v61 =	vld [tilespmem:s19+$0x1950];
	v1 =	vmul.f32 $8.000000000e+00, v1  }
0x198: {  	v62 =	vld [tilespmem:s19+$0x1960];
	v3 =	vmul.f32 $8.000000000e+00, v3;
	v0 =	vadd.f32 v2, v0  }
0x199: {  	v4 =	vmul.f32 $8.000000000e+00, v4;
	v2 =	vld [tilespmem:s19+$0xB090];
	v1 =	vadd.f32 v31, v1  }
0x19a: {  	v5 =	vmul.f32 $8.000000000e+00, v5;
	v3 =	vadd.f32 v32, v3;
	[tilespmem:s19+$0x178F0] =	vst v0;
	v0 =	vld [tilespmem:s19+$0xB0B0]  }
0x19b: {  	v6 =	vmul.f32 $8.000000000e+00, v6;
	[tilespmem:s19+$0x17700] =	vst v1;
	v1 =	vadd.f32 v33, v4;
	v4 =	vld [tilespmem:s19+$0x1970]  }
0x19c: {  	v7 =	vmul.f32 $8.000000000e+00, v7;
	[tilespmem:s19+$0x17710] =	vst v3;
	v3 =	vadd.f32 v34, v5;
	v5 =	vld [tilespmem:s19+$0x1980]  }
0x19d: {  	v8 =	vmul.f32 $8.000000000e+00, v8;
	[tilespmem:s19+$0x17720] =	vst v1;
	v1 =	vadd.f32 v35, v6;
	v6 =	vld [tilespmem:s19+$0x1990]  }
0x19e: {  	v9 =	vmul.f32 $8.000000000e+00, v9;
	[tilespmem:s19+$0x17730] =	vst v3;
	v3 =	vadd.f32 v61, v7;
	v7 =	vld [tilespmem:s19+$0x19A0]  }
0x19f: {  	v10 =	vmul.f32 $8.000000000e+00, v10;
	[tilespmem:s19+$0x17740] =	vst v1;
	v1 =	vadd.f32 v62, v8;
	v8 =	vld [tilespmem:s19+$0x19B0]  }
0x1a0: {  	v11 =	vmul.f32 $8.000000000e+00, v11;
	[tilespmem:s19+$0x17750] =	vst v3;
	v3 =	vadd.f32 v4, v9;
	v4 =	vld [tilespmem:s19+$0x19C0]  }
0x1a1: {  	v9 =	vmul.f32 $8.000000000e+00, v12;
	[tilespmem:s19+$0x17760] =	vst v1;
	v1 =	vadd.f32 v5, v10;
	v5 =	vld [tilespmem:s19+$0x19D0]  }
0x1a2: {  	v10 =	vmul.f32 $8.000000000e+00, v13;
	[tilespmem:s19+$0x17770] =	vst v3;
	v3 =	vadd.f32 v6, v11;
	v6 =	vld [tilespmem:s19+$0x19E0]  }
0x1a3: {  	v11 =	vmul.f32 $8.000000000e+00, v14;
	[tilespmem:s19+$0x17780] =	vst v1;
	v1 =	vadd.f32 v7, v9;
	v7 =	vld [tilespmem:s19+$0x19F0]  }
0x1a4: {  	v9 =	vmul.f32 $8.000000000e+00, v15;
	[tilespmem:s19+$0x17790] =	vst v3;
	v3 =	vadd.f32 v8, v10;
	v8 =	vld [tilespmem:s19+$0x1A00]  }
0x1a5: {  	v10 =	vmul.f32 $8.000000000e+00, v16;
	[tilespmem:s19+$0x177A0] =	vst v1;
	v1 =	vadd.f32 v4, v11;
	v4 =	vld [tilespmem:s19+$0x1A10]  }
0x1a6: {  	v11 =	vmul.f32 $8.000000000e+00, v17;
	[tilespmem:s19+$0x177B0] =	vst v3;
	v3 =	vadd.f32 v5, v9;
	v5 =	vld [tilespmem:s19+$0x1A20]  }
0x1a7: {  	v9 =	vmul.f32 $8.000000000e+00, v18;
	[tilespmem:s19+$0x177C0] =	vst v1;
	v1 =	vadd.f32 v6, v10;
	v6 =	vld [tilespmem:s19+$0x1A30]  }
0x1a8: {  	v10 =	vmul.f32 $8.000000000e+00, v19;
	[tilespmem:s19+$0x177D0] =	vst v3;
	v3 =	vadd.f32 v7, v11;
	v7 =	vld [tilespmem:s19+$0x1A40]  }
0x1a9: {  	v11 =	vmul.f32 $8.000000000e+00, v20;
	[tilespmem:s19+$0x177E0] =	vst v1;
	v1 =	vadd.f32 v8, v9;
	v8 =	vld [tilespmem:s19+$0x1A50]  }
0x1aa: {  	v9 =	vmul.f32 $8.000000000e+00, v21;
	[tilespmem:s19+$0x177F0] =	vst v3;
	v3 =	vadd.f32 v4, v10;
	v10 =	vld [tilespmem:s19+$0x1A60]  }
0x1ab: {  	v4 =	vmul.f32 $8.000000000e+00, v22;
	[tilespmem:s19+$0x17800] =	vst v1;
	v1 =	vadd.f32 v5, v11;
	v11 =	vld [tilespmem:s19+$0x1A70]  }
0x1ac: {  	v12 =	vmul.f32 $8.000000000e+00, v23;
	v13 =	vld [tilespmem:s19+$0x1A80];
	[tilespmem:s19+$0x17810] =	vst v3;
	v3 =	vadd.f32 v6, v9  }
0x1ad: {  	v9 =	vmul.f32 $8.000000000e+00, v24;
	v6 =	vld [tilespmem:s19+$0x1A90];
	[tilespmem:s19+$0x17820] =	vst v1;
	v15 =	vadd.f32 v7, v4  }
0x1ae: {  	v14 =	vmul.f32 $8.000000000e+00, v25;
	v5 =	vmul.f32 $8.000000000e+00, v2;
	v7 =	vld [tilespmem:s19+$0x1AA0];
	[tilespmem:s19+$0x17830] =	vst v3;
	v2 =	vadd.f32 v8, v12  }
0x1af: {  	v63 =	vmul.f32 $8.000000000e+00, v26;
	v4 =	vmul.f32 $8.000000000e+00, v27;
	v8 =	vld [tilespmem:s19+$0x1AB0];
	[tilespmem:s19+$0x17840] =	vst v15;
	v10 =	vadd.f32 v10, v9  }
0x1b0: {  	v1 =	vmul.f32 $8.000000000e+00, v0;
	v0 =	vmul.f32 $8.000000000e+00, v29;
	v9 =	vld [tilespmem:s19+$0x1AC0];
	[tilespmem:s19+$0x17850] =	vst v2;
	v12 =	vadd.f32 v11, v14  }
0x1b1: {  	s21 =	simm.s32 $0x0;
	s23 =	simm.s32 $0x800;
	v3 =	vmul.f32 $8.000000000e+00, v28;
	v2 =	vmul.f32 $8.000000000e+00, v30;
	v11 =	vadd.f32 v13, v63;
	[tilespmem:s19+$0x17860] =	vst v10;
	v10 =	vld [tilespmem:s19+$0x1AD0]  }
.LBB2_7:
0x1b2: {  	s1 =	sshra.s32 s23, $0x2;
	s21 =	sadd.s32 $0x8, s21;
	[tilespmem:s19+$0x17870] =	vst v12;
	v5 =	vadd.f32 v6, v5;
	v6 =	vld [tilespmem:s19+$0x1AE0]  }
0x1b3: {  	v12 =	vld [tilespmem:s1+$0xB0F0];
	p1 =	slt.u32 s21, $0xC0;
	[tilespmem:s19+$0x17880] =	vst v11;
	v4 =	vadd.f32 v7, v4  }
0x1b4: {  	v7 =	vld [tilespmem:s1+$0xAF00];
	[tilespmem:s19+$0x17890] =	vst v5;
	v1 =	vadd.f32 v8, v1  }
0x1b5: {  	v5 =	vld [tilespmem:s1+$0x1AF0];
	[tilespmem:s19+$0x178A0] =	vst v4;
	v3 =	vadd.f32 v9, v3  }
0x1b6: {  	v4 =	vld [tilespmem:s1+$0xAF10];
	[tilespmem:s19+$0x178B0] =	vst v1;
	v0 =	vadd.f32 v10, v0  }
0x1b7: {  	v1 =	vld [tilespmem:s1+$0xAF20];
	[tilespmem:s19+$0x178C0] =	vst v3;
	v2 =	vadd.f32 v6, v2  }
0x1b8: {  	v3 =	vld [tilespmem:s1+$0xAF30];
	v6 =	vmul.f32 $8.000000000e+00, v12;
	[tilespmem:s19+$0x178D0] =	vst v0  }
0x1b9: {  	v7 =	vmul.f32 $8.000000000e+00, v7;
	v0 =	vld [tilespmem:s1+$0xAF40];
	[tilespmem:s19+$0x178E0] =	vst v2;
	s19 =	smov.u32 s1  }
0x1ba: {  	v2 =	vld [tilespmem:s19+$0xAF50];
	v5 =	vadd.f32 v5, v6  }
0x1bb: {  	v6 =	vmul.f32 $8.000000000e+00, v4;
	v4 =	vld [tilespmem:s19+$0xAF60]  }
0x1bc: {  	v8 =	vmul.f32 $8.000000000e+00, v1;
	v1 =	vld [tilespmem:s19+$0xAF70];
	[tilespmem:s19+$0x178F0] =	vst v5  }
0x1bd: {  	v9 =	vmul.f32 $8.000000000e+00, v3;
	v3 =	vld [tilespmem:s19+$0xAF80]  }
0x1be: {  	v10 =	vmul.f32 $8.000000000e+00, v0;
	v0 =	vld [tilespmem:s19+$0xAF90]  }
0x1bf: {  	v11 =	vmul.f32 $8.000000000e+00, v2;
	v2 =	vld [tilespmem:s19+$0xAFA0]  }
0x1c0: {  	v12 =	vmul.f32 $8.000000000e+00, v4;
	v4 =	vld [tilespmem:s19+$0xAFB0]  }
0x1c1: {  	v13 =	vmul.f32 $8.000000000e+00, v1;
	v1 =	vld [tilespmem:s19+$0xAFC0]  }
0x1c2: {  	v14 =	vmul.f32 $8.000000000e+00, v3;
	v3 =	vld [tilespmem:s19+$0xAFD0]  }
0x1c3: {  	v15 =	vmul.f32 $8.000000000e+00, v0;
	v0 =	vld [tilespmem:s19+$0xAFE0]  }
0x1c4: {  	v16 =	vmul.f32 $8.000000000e+00, v2;
	v2 =	vld [tilespmem:s19+$0xAFF0]  }
0x1c5: {  	v17 =	vmul.f32 $8.000000000e+00, v4;
	v4 =	vld [tilespmem:s19+$0xB000]  }
0x1c6: {  	v18 =	vmul.f32 $8.000000000e+00, v1;
	v1 =	vld [tilespmem:s19+$0xB010]  }
0x1c7: {  	v19 =	vmul.f32 $8.000000000e+00, v3;
	v3 =	vld [tilespmem:s19+$0xB020]  }
0x1c8: {  	v20 =	vmul.f32 $8.000000000e+00, v0;
	v0 =	vld [tilespmem:s19+$0xB030]  }
0x1c9: {  	v21 =	vmul.f32 $8.000000000e+00, v2;
	v2 =	vld [tilespmem:s19+$0xB040]  }
0x1ca: {  	v22 =	vmul.f32 $8.000000000e+00, v4;
	v4 =	vld [tilespmem:s19+$0xB050]  }
0x1cb: {  	v23 =	vmul.f32 $8.000000000e+00, v1;
	v1 =	vld [tilespmem:s19+$0xB060]  }
0x1cc: {  	v24 =	vmul.f32 $8.000000000e+00, v3;
	v3 =	vld [tilespmem:s19+$0xB070]  }
0x1cd: {  	v25 =	vmul.f32 $8.000000000e+00, v0;
	v0 =	vld [tilespmem:s19+$0xB080]  }
0x1ce: {  	v26 =	vmul.f32 $8.000000000e+00, v2;
	v2 =	vld [tilespmem:s19+$0xB090]  }
0x1cf: {  	v27 =	vmul.f32 $8.000000000e+00, v4;
	v4 =	vld [tilespmem:s19+$0xB0A0]  }
0x1d0: {  	v28 =	vmul.f32 $8.000000000e+00, v1;
	v1 =	vld [tilespmem:s19+$0xB0B0]  }
0x1d1: {  	v29 =	vmul.f32 $8.000000000e+00, v3;
	v3 =	vld [tilespmem:s19+$0xB0C0]  }
0x1d2: {  	v30 =	vmul.f32 $8.000000000e+00, v0;
	v0 =	vld [tilespmem:s19+$0xB0D0]  }
0x1d3: {  	v5 =	vmul.f32 $8.000000000e+00, v2;
	v2 =	vld [tilespmem:s19+$0xB0E0]  }
0x1d4: {  	v31 =	vld [tilespmem:s19+$0x1900];
	v4 =	vmul.f32 $8.000000000e+00, v4  }
0x1d5: {  	v32 =	vld [tilespmem:s19+$0x1910];
	v1 =	vmul.f32 $8.000000000e+00, v1  }
0x1d6: {  	v33 =	vld [tilespmem:s19+$0x1920];
	v3 =	vmul.f32 $8.000000000e+00, v3  }
0x1d7: {  	v34 =	vld [tilespmem:s19+$0x1930];
	v0 =	vmul.f32 $8.000000000e+00, v0  }
0x1d8: {  	v35 =	vld [tilespmem:s19+$0x1940];
	v2 =	vmul.f32 $8.000000000e+00, v2  }
0x1d9: {  	v7 =	vadd.f32 v31, v7;
	v31 =	vld [tilespmem:s19+$0x1950]  }
0x1da: {  	v6 =	vadd.f32 v32, v6;
	v32 =	vld [tilespmem:s19+$0x1960]  }
0x1db: {  	[tilespmem:s19+$0x17700] =	vst v7;
	v7 =	vadd.f32 v33, v8;
	v8 =	vld [tilespmem:s19+$0x1970]  }
0x1dc: {  	[tilespmem:s19+$0x17710] =	vst v6;
	v6 =	vadd.f32 v34, v9;
	v9 =	vld [tilespmem:s19+$0x1980]  }
0x1dd: {  	[tilespmem:s19+$0x17720] =	vst v7;
	v7 =	vadd.f32 v35, v10;
	v10 =	vld [tilespmem:s19+$0x1990]  }
0x1de: {  	[tilespmem:s19+$0x17730] =	vst v6;
	v6 =	vadd.f32 v31, v11;
	v11 =	vld [tilespmem:s19+$0x19A0]  }
0x1df: {  	[tilespmem:s19+$0x17740] =	vst v7;
	v7 =	vadd.f32 v32, v12;
	v12 =	vld [tilespmem:s19+$0x19B0]  }
0x1e0: {  	[tilespmem:s19+$0x17750] =	vst v6;
	v6 =	vadd.f32 v8, v13;
	v8 =	vld [tilespmem:s19+$0x19C0]  }
0x1e1: {  	[tilespmem:s19+$0x17760] =	vst v7;
	v7 =	vadd.f32 v9, v14;
	v9 =	vld [tilespmem:s19+$0x19D0]  }
0x1e2: {  	[tilespmem:s19+$0x17770] =	vst v6;
	v6 =	vadd.f32 v10, v15;
	v10 =	vld [tilespmem:s19+$0x19E0]  }
0x1e3: {  	[tilespmem:s19+$0x17780] =	vst v7;
	v7 =	vadd.f32 v11, v16;
	v11 =	vld [tilespmem:s19+$0x19F0]  }
0x1e4: {  	[tilespmem:s19+$0x17790] =	vst v6;
	v6 =	vadd.f32 v12, v17;
	v12 =	vld [tilespmem:s19+$0x1A00]  }
0x1e5: {  	[tilespmem:s19+$0x177A0] =	vst v7;
	v7 =	vadd.f32 v8, v18;
	v8 =	vld [tilespmem:s19+$0x1A10]  }
0x1e6: {  	[tilespmem:s19+$0x177B0] =	vst v6;
	v6 =	vadd.f32 v9, v19;
	v9 =	vld [tilespmem:s19+$0x1A20]  }
0x1e7: {  	[tilespmem:s19+$0x177C0] =	vst v7;
	v7 =	vadd.f32 v10, v20;
	v10 =	vld [tilespmem:s19+$0x1A30]  }
0x1e8: {  	[tilespmem:s19+$0x177D0] =	vst v6;
	v6 =	vadd.f32 v11, v21;
	v11 =	vld [tilespmem:s19+$0x1A40]  }
0x1e9: {  	[tilespmem:s19+$0x177E0] =	vst v7;
	v7 =	vadd.f32 v12, v22;
	v12 =	vld [tilespmem:s19+$0x1A50]  }
0x1ea: {  	[tilespmem:s19+$0x177F0] =	vst v6;
	v6 =	vadd.f32 v8, v23;
	v8 =	vld [tilespmem:s19+$0x1A60]  }
0x1eb: {  	[tilespmem:s19+$0x17800] =	vst v7;
	v7 =	vadd.f32 v9, v24;
	v9 =	vld [tilespmem:s19+$0x1A70]  }
0x1ec: {  	[tilespmem:s19+$0x17810] =	vst v6;
	v10 =	vadd.f32 v10, v25;
	v13 =	vld [tilespmem:s19+$0x1A80]  }
.Ltmp4:
0x1ed: {  	[tilespmem:s19+$0x17820] =	vst v7;
	v11 =	vadd.f32 v11, v26;
	v6 =	vld [tilespmem:s19+$0x1A90];
	(pc) =	sbr.rel @p1 .LBB2_7-.Ltmp4, $4  }
0x1ee: {  	[tilespmem:s19+$0x17830] =	vst v10;
	v10 =	vadd.f32 v12, v27;
	v7 =	vld [tilespmem:s19+$0x1AA0]  }
0x1ef: {  	[tilespmem:s19+$0x17840] =	vst v11;
	v11 =	vadd.f32 v8, v28;
	v8 =	vld [tilespmem:s19+$0x1AB0]  }
0x1f0: {  	[tilespmem:s19+$0x17850] =	vst v10;
	v12 =	vadd.f32 v9, v29;
	v9 =	vld [tilespmem:s19+$0x1AC0]  }
0x1f1: {  	s23 =	sadd.s32 $0x800, s23;
	[tilespmem:s19+$0x17860] =	vst v11;
	v11 =	vadd.f32 v13, v30;
	v10 =	vld [tilespmem:s19+$0x1AD0]  }
0x1f2: {  	[tilespmem:s19+$0x17870] =	vst v12;
	v5 =	vadd.f32 v6, v5;
	v6 =	vld [tilespmem:s19+$0x1AE0]  }
0x1f3: {  	[tilespmem:s19+$0x17880] =	vst v11;
	v4 =	vadd.f32 v7, v4  }
0x1f4: {  	[tilespmem:s19+$0x17890] =	vst v5;
	v1 =	vadd.f32 v8, v1  }
0x1f5: {  	[tilespmem:s19+$0x178A0] =	vst v4;
	v3 =	vadd.f32 v9, v3  }
0x1f6: {  	[tilespmem:s19+$0x178B0] =	vst v1;
	v0 =	vadd.f32 v10, v0  }
0x1f7: {  	[tilespmem:s19+$0x178C0] =	vst v3;
	v1 =	vadd.f32 v6, v2  }
0x1f8: {  	[tilespmem:s19+$0x178D0] =	vst v0  }
0x1f9: {  	s1 =	sadd.s32 $0xC80, s17;
	[tilespmem:s19+$0x178E0] =	vst v1  }
0x1fa: {  	[hbm4b:s1+s3] =	stream.linear.scatter [tilespmem:s9], [sflag:$0x7], $0x3200, $0x38;
	[tilespmem:$0x1DB00] =	vst v63  }
0x1fb: {  	_ =	swait.ge [sflag:s12], $0x3200  }
0x1fc: {  	[sflag:s12] =	ssyncset.done $0x0  }
0x1fd: {  	s1 =	simm.s32 @!p0 $0x8;
	[sflag:s12] =	ssyncadd.s32 $0xFFFFCE00  }
0x1fe: {  	_ =	swait.ge @!p0 [sflag:s1], $0x3200  }
0x1ff: {  	[sflag:s1] =	ssyncset.done @!p0 $0x0  }
0x200: {  	s19 =	simm.s32 $0x0;
	[sflag:s1] =	ssyncadd.s32 @!p0 $0xFFFFCE00  }
0x201: {  	v0 =	vld [tilespmem:s19+$0xE2F0]  }
0x202: {  	v1 =	vld [tilespmem:s19+$0xE100]  }
0x203: {  	v2 =	vld [tilespmem:s19+$0x1AF0]  }
0x204: {  	v3 =	vld [tilespmem:s19+$0xE110]  }
0x205: {  	v4 =	vld [tilespmem:s19+$0xE120]  }
0x206: {  	v5 =	vld [tilespmem:s19+$0xE130]  }
0x207: {  	v6 =	vld [tilespmem:s19+$0xE140]  }
0x208: {  	v7 =	vld [tilespmem:s19+$0xE150]  }
0x209: {  	v8 =	vld [tilespmem:s19+$0xE160]  }
0x20a: {  	v9 =	vld [tilespmem:s19+$0xE170]  }
0x20b: {  	v10 =	vld [tilespmem:s19+$0xE180]  }
0x20c: {  	v11 =	vld [tilespmem:s19+$0xE190]  }
0x20d: {  	v12 =	vld [tilespmem:s19+$0xE1A0]  }
0x20e: {  	v13 =	vld [tilespmem:s19+$0xE1B0]  }
0x20f: {  	v14 =	vld [tilespmem:s19+$0xE1C0]  }
0x210: {  	v15 =	vld [tilespmem:s19+$0xE1D0]  }
0x211: {  	v16 =	vld [tilespmem:s19+$0xE1E0]  }
0x212: {  	v17 =	vld [tilespmem:s19+$0xE1F0]  }
0x213: {  	v18 =	vld [tilespmem:s19+$0xE200]  }
0x214: {  	v19 =	vld [tilespmem:s19+$0xE210]  }
0x215: {  	v20 =	vld [tilespmem:s19+$0xE220]  }
0x216: {  	v21 =	vld [tilespmem:s19+$0xE230]  }
0x217: {  	v22 =	vld [tilespmem:s19+$0xE240]  }
0x218: {  	v23 =	vld [tilespmem:s19+$0xE250]  }
0x219: {  	v24 =	vld [tilespmem:s19+$0xE260]  }
0x21a: {  	v25 =	vld [tilespmem:s19+$0xE270]  }
0x21b: {  	v26 =	vld [tilespmem:s19+$0xE280]  }
0x21c: {  	v27 =	vld [tilespmem:s19+$0xE2A0]  }
0x21d: {  	v28 =	vld [tilespmem:s19+$0xE2C0]  }
0x21e: {  	v29 =	vld [tilespmem:s19+$0xE2D0]  }
0x21f: {  	v30 =	vld [tilespmem:s19+$0xE2E0]  }
0x220: {  	v31 =	vld [tilespmem:s19+$0x1900]  }
0x221: {  	v32 =	vld [tilespmem:s19+$0x1910]  }
0x222: {  	v33 =	vld [tilespmem:s19+$0x1920]  }
0x223: {  	v34 =	vld [tilespmem:s19+$0x1930]  }
0x224: {  	v35 =	vld [tilespmem:s19+$0x1940];
	v0 =	vmul.f32 $8.000000000e+00, v0  }
0x225: {  	v61 =	vld [tilespmem:s19+$0x1950];
	v1 =	vmul.f32 $8.000000000e+00, v1  }
0x226: {  	v62 =	vld [tilespmem:s19+$0x1960];
	v3 =	vmul.f32 $8.000000000e+00, v3;
	v0 =	vadd.f32 v2, v0  }
0x227: {  	v4 =	vmul.f32 $8.000000000e+00, v4;
	v2 =	vld [tilespmem:s19+$0xE290];
	v1 =	vadd.f32 v31, v1  }
0x228: {  	v5 =	vmul.f32 $8.000000000e+00, v5;
	v3 =	vadd.f32 v32, v3;
	[tilespmem:s19+$0x1AAF0] =	vst v0;
	v0 =	vld [tilespmem:s19+$0xE2B0]  }
0x229: {  	v6 =	vmul.f32 $8.000000000e+00, v6;
	[tilespmem:s19+$0x1A900] =	vst v1;
	v1 =	vadd.f32 v33, v4;
	v4 =	vld [tilespmem:s19+$0x1970]  }
0x22a: {  	v7 =	vmul.f32 $8.000000000e+00, v7;
	[tilespmem:s19+$0x1A910] =	vst v3;
	v3 =	vadd.f32 v34, v5;
	v5 =	vld [tilespmem:s19+$0x1980]  }
0x22b: {  	v8 =	vmul.f32 $8.000000000e+00, v8;
	[tilespmem:s19+$0x1A920] =	vst v1;
	v1 =	vadd.f32 v35, v6;
	v6 =	vld [tilespmem:s19+$0x1990]  }
0x22c: {  	v9 =	vmul.f32 $8.000000000e+00, v9;
	[tilespmem:s19+$0x1A930] =	vst v3;
	v3 =	vadd.f32 v61, v7;
	v7 =	vld [tilespmem:s19+$0x19A0]  }
0x22d: {  	v10 =	vmul.f32 $8.000000000e+00, v10;
	[tilespmem:s19+$0x1A940] =	vst v1;
	v1 =	vadd.f32 v62, v8;
	v8 =	vld [tilespmem:s19+$0x19B0]  }
0x22e: {  	v11 =	vmul.f32 $8.000000000e+00, v11;
	[tilespmem:s19+$0x1A950] =	vst v3;
	v3 =	vadd.f32 v4, v9;
	v4 =	vld [tilespmem:s19+$0x19C0]  }
0x22f: {  	v9 =	vmul.f32 $8.000000000e+00, v12;
	[tilespmem:s19+$0x1A960] =	vst v1;
	v1 =	vadd.f32 v5, v10;
	v5 =	vld [tilespmem:s19+$0x19D0]  }
0x230: {  	v10 =	vmul.f32 $8.000000000e+00, v13;
	[tilespmem:s19+$0x1A970] =	vst v3;
	v3 =	vadd.f32 v6, v11;
	v6 =	vld [tilespmem:s19+$0x19E0]  }
0x231: {  	v11 =	vmul.f32 $8.000000000e+00, v14;
	[tilespmem:s19+$0x1A980] =	vst v1;
	v1 =	vadd.f32 v7, v9;
	v7 =	vld [tilespmem:s19+$0x19F0]  }
0x232: {  	v9 =	vmul.f32 $8.000000000e+00, v15;
	[tilespmem:s19+$0x1A990] =	vst v3;
	v3 =	vadd.f32 v8, v10;
	v8 =	vld [tilespmem:s19+$0x1A00]  }
0x233: {  	v10 =	vmul.f32 $8.000000000e+00, v16;
	[tilespmem:s19+$0x1A9A0] =	vst v1;
	v1 =	vadd.f32 v4, v11;
	v4 =	vld [tilespmem:s19+$0x1A10]  }
0x234: {  	v11 =	vmul.f32 $8.000000000e+00, v17;
	[tilespmem:s19+$0x1A9B0] =	vst v3;
	v3 =	vadd.f32 v5, v9;
	v5 =	vld [tilespmem:s19+$0x1A20]  }
0x235: {  	v9 =	vmul.f32 $8.000000000e+00, v18;
	[tilespmem:s19+$0x1A9C0] =	vst v1;
	v1 =	vadd.f32 v6, v10;
	v6 =	vld [tilespmem:s19+$0x1A30]  }
0x236: {  	v10 =	vmul.f32 $8.000000000e+00, v19;
	[tilespmem:s19+$0x1A9D0] =	vst v3;
	v3 =	vadd.f32 v7, v11;
	v7 =	vld [tilespmem:s19+$0x1A40]  }
0x237: {  	v11 =	vmul.f32 $8.000000000e+00, v20;
	[tilespmem:s19+$0x1A9E0] =	vst v1;
	v1 =	vadd.f32 v8, v9;
	v8 =	vld [tilespmem:s19+$0x1A50]  }
0x238: {  	v9 =	vmul.f32 $8.000000000e+00, v21;
	[tilespmem:s19+$0x1A9F0] =	vst v3;
	v3 =	vadd.f32 v4, v10;
	v10 =	vld [tilespmem:s19+$0x1A60]  }
0x239: {  	v4 =	vmul.f32 $8.000000000e+00, v22;
	[tilespmem:s19+$0x1AA00] =	vst v1;
	v1 =	vadd.f32 v5, v11;
	v11 =	vld [tilespmem:s19+$0x1A70]  }
0x23a: {  	v12 =	vmul.f32 $8.000000000e+00, v23;
	v13 =	vld [tilespmem:s19+$0x1A80];
	[tilespmem:s19+$0x1AA10] =	vst v3;
	v3 =	vadd.f32 v6, v9  }
0x23b: {  	v9 =	vmul.f32 $8.000000000e+00, v24;
	v6 =	vld [tilespmem:s19+$0x1A90];
	[tilespmem:s19+$0x1AA20] =	vst v1;
	v15 =	vadd.f32 v7, v4  }
0x23c: {  	v14 =	vmul.f32 $8.000000000e+00, v25;
	v5 =	vmul.f32 $8.000000000e+00, v2;
	v7 =	vld [tilespmem:s19+$0x1AA0];
	[tilespmem:s19+$0x1AA30] =	vst v3;
	v2 =	vadd.f32 v8, v12  }
0x23d: {  	v63 =	vmul.f32 $8.000000000e+00, v26;
	v4 =	vmul.f32 $8.000000000e+00, v27;
	v8 =	vld [tilespmem:s19+$0x1AB0];
	[tilespmem:s19+$0x1AA40] =	vst v15;
	v10 =	vadd.f32 v10, v9  }
0x23e: {  	v1 =	vmul.f32 $8.000000000e+00, v0;
	v0 =	vmul.f32 $8.000000000e+00, v29;
	v9 =	vld [tilespmem:s19+$0x1AC0];
	[tilespmem:s19+$0x1AA50] =	vst v2;
	v12 =	vadd.f32 v11, v14  }
0x23f: {  	s21 =	simm.s32 $0x0;
	s23 =	simm.s32 $0x800;
	v3 =	vmul.f32 $8.000000000e+00, v28;
	v2 =	vmul.f32 $8.000000000e+00, v30;
	v11 =	vadd.f32 v13, v63;
	[tilespmem:s19+$0x1AA60] =	vst v10;
	v10 =	vld [tilespmem:s19+$0x1AD0]  }
.LBB2_9:
0x240: {  	s1 =	sshra.s32 s23, $0x2;
	s21 =	sadd.s32 $0x8, s21;
	[tilespmem:s19+$0x1AA70] =	vst v12;
	v5 =	vadd.f32 v6, v5;
	v6 =	vld [tilespmem:s19+$0x1AE0]  }
0x241: {  	v12 =	vld [tilespmem:s1+$0xE2F0];
	p0 =	slt.u32 s21, $0xC0;
	[tilespmem:s19+$0x1AA80] =	vst v11;
	v4 =	vadd.f32 v7, v4  }
0x242: {  	v7 =	vld [tilespmem:s1+$0xE100];
	[tilespmem:s19+$0x1AA90] =	vst v5;
	v1 =	vadd.f32 v8, v1  }
0x243: {  	v5 =	vld [tilespmem:s1+$0x1AF0];
	[tilespmem:s19+$0x1AAA0] =	vst v4;
	v3 =	vadd.f32 v9, v3  }
0x244: {  	v4 =	vld [tilespmem:s1+$0xE110];
	[tilespmem:s19+$0x1AAB0] =	vst v1;
	v0 =	vadd.f32 v10, v0  }
0x245: {  	v1 =	vld [tilespmem:s1+$0xE120];
	[tilespmem:s19+$0x1AAC0] =	vst v3;
	v2 =	vadd.f32 v6, v2  }
0x246: {  	v3 =	vld [tilespmem:s1+$0xE130];
	v6 =	vmul.f32 $8.000000000e+00, v12;
	[tilespmem:s19+$0x1AAD0] =	vst v0  }
0x247: {  	v7 =	vmul.f32 $8.000000000e+00, v7;
	v0 =	vld [tilespmem:s1+$0xE140];
	[tilespmem:s19+$0x1AAE0] =	vst v2;
	s19 =	smov.u32 s1  }
0x248: {  	v2 =	vld [tilespmem:s19+$0xE150];
	v5 =	vadd.f32 v5, v6  }
0x249: {  	v6 =	vmul.f32 $8.000000000e+00, v4;
	v4 =	vld [tilespmem:s19+$0xE160]  }
0x24a: {  	v8 =	vmul.f32 $8.000000000e+00, v1;
	v1 =	vld [tilespmem:s19+$0xE170];
	[tilespmem:s19+$0x1AAF0] =	vst v5  }
0x24b: {  	v9 =	vmul.f32 $8.000000000e+00, v3;
	v3 =	vld [tilespmem:s19+$0xE180]  }
0x24c: {  	v10 =	vmul.f32 $8.000000000e+00, v0;
	v0 =	vld [tilespmem:s19+$0xE190]  }
0x24d: {  	v11 =	vmul.f32 $8.000000000e+00, v2;
	v2 =	vld [tilespmem:s19+$0xE1A0]  }
0x24e: {  	v12 =	vmul.f32 $8.000000000e+00, v4;
	v4 =	vld [tilespmem:s19+$0xE1B0]  }
0x24f: {  	v13 =	vmul.f32 $8.000000000e+00, v1;
	v1 =	vld [tilespmem:s19+$0xE1C0]  }
0x250: {  	v14 =	vmul.f32 $8.000000000e+00, v3;
	v3 =	vld [tilespmem:s19+$0xE1D0]  }
0x251: {  	v15 =	vmul.f32 $8.000000000e+00, v0;
	v0 =	vld [tilespmem:s19+$0xE1E0]  }
0x252: {  	v16 =	vmul.f32 $8.000000000e+00, v2;
	v2 =	vld [tilespmem:s19+$0xE1F0]  }
0x253: {  	v17 =	vmul.f32 $8.000000000e+00, v4;
	v4 =	vld [tilespmem:s19+$0xE200]  }
0x254: {  	v18 =	vmul.f32 $8.000000000e+00, v1;
	v1 =	vld [tilespmem:s19+$0xE210]  }
0x255: {  	v19 =	vmul.f32 $8.000000000e+00, v3;
	v3 =	vld [tilespmem:s19+$0xE220]  }
0x256: {  	v20 =	vmul.f32 $8.000000000e+00, v0;
	v0 =	vld [tilespmem:s19+$0xE230]  }
0x257: {  	v21 =	vmul.f32 $8.000000000e+00, v2;
	v2 =	vld [tilespmem:s19+$0xE240]  }
0x258: {  	v22 =	vmul.f32 $8.000000000e+00, v4;
	v4 =	vld [tilespmem:s19+$0xE250]  }
0x259: {  	v23 =	vmul.f32 $8.000000000e+00, v1;
	v1 =	vld [tilespmem:s19+$0xE260]  }
0x25a: {  	v24 =	vmul.f32 $8.000000000e+00, v3;
	v3 =	vld [tilespmem:s19+$0xE270]  }
0x25b: {  	v25 =	vmul.f32 $8.000000000e+00, v0;
	v0 =	vld [tilespmem:s19+$0xE280]  }
0x25c: {  	v26 =	vmul.f32 $8.000000000e+00, v2;
	v2 =	vld [tilespmem:s19+$0xE290]  }
0x25d: {  	v27 =	vmul.f32 $8.000000000e+00, v4;
	v4 =	vld [tilespmem:s19+$0xE2A0]  }
0x25e: {  	v28 =	vmul.f32 $8.000000000e+00, v1;
	v1 =	vld [tilespmem:s19+$0xE2B0]  }
0x25f: {  	v29 =	vmul.f32 $8.000000000e+00, v3;
	v3 =	vld [tilespmem:s19+$0xE2C0]  }
0x260: {  	v30 =	vmul.f32 $8.000000000e+00, v0;
	v0 =	vld [tilespmem:s19+$0xE2D0]  }
0x261: {  	v5 =	vmul.f32 $8.000000000e+00, v2;
	v2 =	vld [tilespmem:s19+$0xE2E0]  }
0x262: {  	v31 =	vld [tilespmem:s19+$0x1900];
	v4 =	vmul.f32 $8.000000000e+00, v4  }
0x263: {  	v32 =	vld [tilespmem:s19+$0x1910];
	v1 =	vmul.f32 $8.000000000e+00, v1  }
0x264: {  	v33 =	vld [tilespmem:s19+$0x1920];
	v3 =	vmul.f32 $8.000000000e+00, v3  }
0x265: {  	v34 =	vld [tilespmem:s19+$0x1930];
	v0 =	vmul.f32 $8.000000000e+00, v0  }
0x266: {  	v35 =	vld [tilespmem:s19+$0x1940];
	v2 =	vmul.f32 $8.000000000e+00, v2  }
0x267: {  	v7 =	vadd.f32 v31, v7;
	v31 =	vld [tilespmem:s19+$0x1950]  }
0x268: {  	v6 =	vadd.f32 v32, v6;
	v32 =	vld [tilespmem:s19+$0x1960]  }
0x269: {  	[tilespmem:s19+$0x1A900] =	vst v7;
	v7 =	vadd.f32 v33, v8;
	v8 =	vld [tilespmem:s19+$0x1970]  }
0x26a: {  	[tilespmem:s19+$0x1A910] =	vst v6;
	v6 =	vadd.f32 v34, v9;
	v9 =	vld [tilespmem:s19+$0x1980]  }
0x26b: {  	[tilespmem:s19+$0x1A920] =	vst v7;
	v7 =	vadd.f32 v35, v10;
	v10 =	vld [tilespmem:s19+$0x1990]  }
0x26c: {  	[tilespmem:s19+$0x1A930] =	vst v6;
	v6 =	vadd.f32 v31, v11;
	v11 =	vld [tilespmem:s19+$0x19A0]  }
0x26d: {  	[tilespmem:s19+$0x1A940] =	vst v7;
	v7 =	vadd.f32 v32, v12;
	v12 =	vld [tilespmem:s19+$0x19B0]  }
0x26e: {  	[tilespmem:s19+$0x1A950] =	vst v6;
	v6 =	vadd.f32 v8, v13;
	v8 =	vld [tilespmem:s19+$0x19C0]  }
0x26f: {  	[tilespmem:s19+$0x1A960] =	vst v7;
	v7 =	vadd.f32 v9, v14;
	v9 =	vld [tilespmem:s19+$0x19D0]  }
0x270: {  	[tilespmem:s19+$0x1A970] =	vst v6;
	v6 =	vadd.f32 v10, v15;
	v10 =	vld [tilespmem:s19+$0x19E0]  }
0x271: {  	[tilespmem:s19+$0x1A980] =	vst v7;
	v7 =	vadd.f32 v11, v16;
	v11 =	vld [tilespmem:s19+$0x19F0]  }
0x272: {  	[tilespmem:s19+$0x1A990] =	vst v6;
	v6 =	vadd.f32 v12, v17;
	v12 =	vld [tilespmem:s19+$0x1A00]  }
0x273: {  	[tilespmem:s19+$0x1A9A0] =	vst v7;
	v7 =	vadd.f32 v8, v18;
	v8 =	vld [tilespmem:s19+$0x1A10]  }
0x274: {  	[tilespmem:s19+$0x1A9B0] =	vst v6;
	v6 =	vadd.f32 v9, v19;
	v9 =	vld [tilespmem:s19+$0x1A20]  }
0x275: {  	[tilespmem:s19+$0x1A9C0] =	vst v7;
	v7 =	vadd.f32 v10, v20;
	v10 =	vld [tilespmem:s19+$0x1A30]  }
0x276: {  	[tilespmem:s19+$0x1A9D0] =	vst v6;
	v6 =	vadd.f32 v11, v21;
	v11 =	vld [tilespmem:s19+$0x1A40]  }
0x277: {  	[tilespmem:s19+$0x1A9E0] =	vst v7;
	v7 =	vadd.f32 v12, v22;
	v12 =	vld [tilespmem:s19+$0x1A50]  }
0x278: {  	[tilespmem:s19+$0x1A9F0] =	vst v6;
	v6 =	vadd.f32 v8, v23;
	v8 =	vld [tilespmem:s19+$0x1A60]  }
0x279: {  	[tilespmem:s19+$0x1AA00] =	vst v7;
	v7 =	vadd.f32 v9, v24;
	v9 =	vld [tilespmem:s19+$0x1A70]  }
0x27a: {  	[tilespmem:s19+$0x1AA10] =	vst v6;
	v10 =	vadd.f32 v10, v25;
	v13 =	vld [tilespmem:s19+$0x1A80]  }
.Ltmp5:
0x27b: {  	[tilespmem:s19+$0x1AA20] =	vst v7;
	v11 =	vadd.f32 v11, v26;
	v6 =	vld [tilespmem:s19+$0x1A90];
	(pc) =	sbr.rel @p0 .LBB2_9-.Ltmp5, $4  }
0x27c: {  	[tilespmem:s19+$0x1AA30] =	vst v10;
	v10 =	vadd.f32 v12, v27;
	v7 =	vld [tilespmem:s19+$0x1AA0]  }
0x27d: {  	[tilespmem:s19+$0x1AA40] =	vst v11;
	v11 =	vadd.f32 v8, v28;
	v8 =	vld [tilespmem:s19+$0x1AB0]  }
0x27e: {  	[tilespmem:s19+$0x1AA50] =	vst v10;
	v12 =	vadd.f32 v9, v29;
	v9 =	vld [tilespmem:s19+$0x1AC0]  }
0x27f: {  	s23 =	sadd.s32 $0x800, s23;
	[tilespmem:s19+$0x1AA60] =	vst v11;
	v11 =	vadd.f32 v13, v30;
	v10 =	vld [tilespmem:s19+$0x1AD0]  }
0x280: {  	[tilespmem:s19+$0x1AA70] =	vst v12;
	v5 =	vadd.f32 v6, v5;
	v62 =	vld [tilespmem:s19+$0x1AE0]  }
0x281: {  	[tilespmem:s19+$0x1AA80] =	vst v11;
	v4 =	vadd.f32 v7, v4  }
0x282: {  	[tilespmem:s19+$0x1AA90] =	vst v5;
	v1 =	vadd.f32 v8, v1  }
0x283: {  	p0 =	seq.s32 s15, $0x7;
	[tilespmem:s19+$0x1AAA0] =	vst v4;
	v3 =	vadd.f32 v9, v3  }
.Ltmp6:
0x284: {  	[tilespmem:s19+$0x1AAB0] =	vst v1;
	v0 =	vadd.f32 v10, v0;
	(pc) =	sbr.rel @p0 .LBB2_12-.Ltmp6, $4  }
0x285: {  	[tilespmem:s19+$0x1AAC0] =	vst v3;
	v63 =	vadd.f32 v62, v2  }
0x286: {  	[tilespmem:s19+$0x1AAD0] =	vst v0  }
0x287: {  	s1 =	sadd.s32 $0x12C0, s17;
	[tilespmem:s19+$0x1AAE0] =	vst v63  }
0x288: {  	[hbm4b:s1+s3] =	stream.linear.scatter [tilespmem:s13], [sflag:$0x8], $0x3200, $0x38;
	[tilespmem:$0x1DB00] =	vst v63  }
0x289: {  	s1 =	smul.u32 $0xC80, s15;
	_ =	sdelay $0x1  }
0x28a: {  	s1 =	sshra.s32 s1, $0x2  }
0x28b: {  	s16 =	simm.s32 $0x4B00;
	s10 =	sadd.s32 $0x320, s1  }
0x28c: {  	[tilespmem:s16], [sflag:$0x1] =	stream.indirect.gather [hbm4b:s6+s11], $0x40, s10, s11, $0xb8;
	[tilespmem:$0x1DB00] =	vst v63  }
0x28d: {  	s30 =	simm.s32 $0x5500;
	s29 =	sadd.s32 $0x348, s1  }
0x28e: {  	[tilespmem:s30], [sflag:$0x1] =	stream.indirect.gather [hbm4b:s6+s11], $0x40, s29, s11, $0xb8;
	[tilespmem:$0x1DB00] =	vst v63  }
0x28f: {  	s19 =	simm.s32 $0x5F00;
	s17 =	sadd.s32 $0x370, s1  }
0x290: {  	[tilespmem:s19], [sflag:$0x1] =	stream.indirect.gather [hbm4b:s6+s11], $0x40, s17, s11, $0xb8;
	[tilespmem:$0x1DB00] =	vst v63  }
0x291: {  	s21 =	simm.s32 $0x6900;
	s20 =	sadd.s32 $0x398, s1  }
0x292: {  	[tilespmem:s21], [sflag:$0x1] =	stream.indirect.gather [hbm4b:s6+s11], $0x40, s20, s11, $0xb8;
	[tilespmem:$0x1DB00] =	vst v63  }
0x293: {  	s24 =	simm.s32 $0x7300;
	s23 =	sadd.s32 $0x3C0, s1  }
0x294: {  	[tilespmem:s24], [sflag:$0x1] =	stream.indirect.gather [hbm4b:s6+s11], $0x40, s23, s11, $0xb8;
	[tilespmem:$0x1DB00] =	vst v63  }
0x295: {  	s28 =	simm.s32 $0x7D00;
	s25 =	sadd.s32 $0x3E8, s1  }
0x296: {  	[tilespmem:s28], [sflag:$0x2] =	stream.indirect.gather [hbm4b:s6+s11], $0x40, s25, s11, $0xb8;
	[tilespmem:$0x1DB00] =	vst v63  }
0x297: {  	s29 =	sadd.s32 $0x410, s1;
	s30 =	simm.s32 $0x8700  }
0x298: {  	[tilespmem:s30], [sflag:$0x2] =	stream.indirect.gather [hbm4b:s6+s11], $0x40, s29, s11, $0xb8;
	[tilespmem:$0x1DB00] =	vst v63  }
0x299: {  	s17 =	sadd.s32 $0x438, s1;
	s19 =	simm.s32 $0x9100  }
0x29a: {  	[tilespmem:s19], [sflag:$0x2] =	stream.indirect.gather [hbm4b:s6+s11], $0x40, s17, s11, $0xb8;
	[tilespmem:$0x1DB00] =	vst v63  }
0x29b: {  	s20 =	sadd.s32 $0x460, s1;
	s21 =	simm.s32 $0x9B00  }
0x29c: {  	[tilespmem:s21], [sflag:$0x2] =	stream.indirect.gather [hbm4b:s6+s11], $0x40, s20, s11, $0xb8;
	[tilespmem:$0x1DB00] =	vst v63  }
0x29d: {  	s23 =	sadd.s32 $0x488, s1;
	s24 =	simm.s32 $0xA500  }
0x29e: {  	[tilespmem:s24], [sflag:$0x2] =	stream.indirect.gather [hbm4b:s6+s11], $0x40, s23, s11, $0xb8;
	[tilespmem:$0x1DB00] =	vst v63  }
0x29f: {  	s25 =	sadd.s32 $0x4B0, s1;
	s28 =	simm.s32 $0xAF00  }
0x2a0: {  	[tilespmem:s28], [sflag:$0x3] =	stream.indirect.gather [hbm4b:s6+s11], $0x40, s25, s11, $0xb8;
	[tilespmem:$0x1DB00] =	vst v63  }
0x2a1: {  	s29 =	sadd.s32 $0x4D8, s1;
	s30 =	simm.s32 $0xB900  }
0x2a2: {  	[tilespmem:s30], [sflag:$0x3] =	stream.indirect.gather [hbm4b:s6+s11], $0x40, s29, s11, $0xb8;
	[tilespmem:$0x1DB00] =	vst v63  }
0x2a3: {  	s16 =	sadd.s32 $0x500, s1;
	s17 =	simm.s32 $0xC300  }
0x2a4: {  	[tilespmem:s17], [sflag:$0x3] =	stream.indirect.gather [hbm4b:s6+s11], $0x40, s16, s11, $0xb8;
	[tilespmem:$0x1DB00] =	vst v63  }
0x2a5: {  	s19 =	sadd.s32 $0x528, s1;
	s20 =	simm.s32 $0xCD00  }
0x2a6: {  	[tilespmem:s20], [sflag:$0x3] =	stream.indirect.gather [hbm4b:s6+s11], $0x40, s19, s11, $0xb8;
	[tilespmem:$0x1DB00] =	vst v63  }
0x2a7: {  	s21 =	sadd.s32 $0x550, s1;
	s23 =	simm.s32 $0xD700  }
0x2a8: {  	[tilespmem:s23], [sflag:$0x3] =	stream.indirect.gather [hbm4b:s6+s11], $0x40, s21, s11, $0xb8;
	[tilespmem:$0x1DB00] =	vst v63  }
0x2a9: {  	s24 =	sadd.s32 $0x578, s1;
	s25 =	simm.s32 $0xE100  }
0x2aa: {  	[tilespmem:s25], [sflag:$0x4] =	stream.indirect.gather [hbm4b:s6+s11], $0x40, s24, s11, $0xb8;
	[tilespmem:$0x1DB00] =	vst v63  }
0x2ab: {  	s28 =	sadd.s32 $0x5A0, s1  }
0x2ac: {  	[tilespmem:s0], [sflag:$0x4] =	stream.indirect.gather [hbm4b:s6+s11], $0x40, s28, s11, $0xb8;
	[tilespmem:$0x1DB00] =	vst v63  }
0x2ad: {  	s29 =	sadd.s32 $0x5C8, s1  }
0x2ae: {  	[tilespmem:s18], [sflag:$0x4] =	stream.indirect.gather [hbm4b:s6+s11], $0x40, s29, s11, $0xb8;
	[tilespmem:$0x1DB00] =	vst v63  }
.Ltmp7:
0x2af: {  	_ = 	snop;
	(pc) =	sbr.rel .LBB2_2-.Ltmp7, $4  }
0x2b0: {  	s30 =	sadd.s32 $0x5F0, s1  }
0x2b1: {  	[tilespmem:s26], [sflag:$0x4] =	stream.indirect.gather [hbm4b:s6+s11], $0x40, s30, s11, $0xb8;
	[tilespmem:$0x1DB00] =	vst v63  }
0x2b2: {  	s15 =	sadd.s32 $0x1, s15;
	s1 =	sadd.s32 $0x618, s1  }
0x2b3: {  	[tilespmem:s14], [sflag:$0x4] =	stream.indirect.gather [hbm4b:s6+s11], $0x40, s1, s11, $0xb8;
	[tilespmem:$0x1DB00] =	vst v63  }
.LBB2_13:
0x2b4: {  	_ =	sfence.sel $0x180000  }
0x2b5: {  	[bflag:$0x0] =	sbarrier.arrive $0xFFFF  }
0x2b6: {  	_ =	strace $0x90000047  }
0x2b7: {  	s0 =	stileid.u32;
	[bflag:$0x2] =	sbarrier.arrive $0xFFFF  }
0x2b8: {  	p0 =	sne.s32 s0, $0x0;
	s0 =	rddreg [dreg:$0x2]  }
0x2b9: {  	s0 =	sadd.s32 @!p0 $0x100000, s0  }
0x2ba: {  	[sflag:s0] =	ssyncadd.tile.s32 @!p0 $0x1;
	_ =	shalt  }
.Lfunc_end2:
_tile_overlayer_lowered:
.L_overlay_start_2:
0x2bb: {  	(tag) =	ssettag $0x2  }
0x2bc: {  	s0 =	rddreg [dreg:$0x0];
	s2 =	stileid.u32  }
0x2bd: {  	s1 =	rddreg [dreg:$0x1];
	p0 =	sne.s32 s2, $0x0  }
0x2be: {  	s3 =	rddreg [dreg:$0x2];
	[bflag:$0x3] =	sbarrier.arrive $0xFFFF;
	s2 =	simm.s32 @!p0 $0x1C09  }
0x2bf: {  	[timem:s3], [sflag:s2] =	dma.local @!p0 [hbm:s0], s1  }
0x2c0: {  	s0 =	simm.s32 @!p0 $0x9  }
0x2c1: {  	_ =	swait.ge @!p0 [sflag:s0], s1  }
0x2c2: {  	s1 =	ssub.s32 @!p0 $0x0, s1;
	[sflag:s0] =	ssyncset.done @!p0 $0x0  }
0x2c3: {  	[sflag:s0] =	ssyncadd.s32 @!p0 s1  }
0x2c4: {  	[bflag:$0x3] =	sbarrier.arrive $0xFFFF  }
0x2c5: {  	_ =	shalt  }

</sc_bundles>
